<compile_context>
chip_gen: v7x
topology: tpu7x:2x2x1
jax: 0.10.2.dev20260603
libtpu: 0.0.44.dev20260713+nightly
codegen_flags: <defaults>
</compile_context>

<pallas_src>
import jax
import jax.numpy as jnp
from jax import lax
from jax.experimental import pallas as pl
from jax.experimental.pallas import tpu as pltpu
from jax.experimental.pallas import tpu_sc as plsc

_BATCH = 16384
_VOCAB = 1000000
_EMB = 64
_NC = 2
_NS = 16
_NW = _NC * _NS
_BPW = _BATCH // _NW
_Q = 128
_NQ = _BPW // _Q

_BV = 16384
_NV = -(-_VOCAB // _BV)
_QB = _BV // 4
_PROWS = _NV * _QB
_SHB = _BV.bit_length() - 1
_SHQ = _QB.bit_length() - 1
_QMASK = _QB - 1


def _pack_body(ut, it, uo, io):
    for ref, o in ((ut, uo), (it, io)):
        x = ref[...]
        words = []
        for t in (0, 2):
            a = x[:, t * _QB:(t + 1) * _QB].T.astype(jnp.bfloat16)
            b = x[:, (t + 1) * _QB:(t + 2) * _QB].T.astype(jnp.bfloat16)
            a32 = lax.bitcast_convert_type(a, jnp.uint16).astype(jnp.uint32)
            b32 = lax.bitcast_convert_type(b, jnp.uint16).astype(jnp.uint32)
            words.append(a32 | (b32 << 16))
        o[...] = lax.bitcast_convert_type(
            jnp.concatenate(words, axis=1), jnp.int32)


def _pack(utT, itT):
    return pl.pallas_call(
        _pack_body,
        grid=(_NV,),
        in_specs=[
            pl.BlockSpec((_EMB, _BV), lambda v: (0, v)),
            pl.BlockSpec((_EMB, _BV), lambda v: (0, v)),
        ],
        out_specs=[
            pl.BlockSpec((_QB, 128), lambda v: (v, 0)),
            pl.BlockSpec((_QB, 128), lambda v: (v, 0)),
        ],
        out_shape=[
            jax.ShapeDtypeStruct((_PROWS, 128), jnp.int32),
            jax.ShapeDtypeStruct((_PROWS, 128), jnp.int32),
        ],
    )(utT, itT)


def _gather_body(pu, pi, user_ids, item_ids, u_out, i_out,
                 uids_v, iids_v, uidx, iidx, bufs, sem):
    wid = lax.axis_index("s") * _NC + lax.axis_index("c")
    base = wid * _BPW
    pltpu.sync_copy(user_ids.at[pl.ds(base, _BPW)], uids_v)
    pltpu.sync_copy(item_ids.at[pl.ds(base, _BPW)], iids_v)
    for q in range(_NQ):
        for g in range(_Q // 16):
            u = uids_v[pl.ds(q * _Q + g * 16, 16)]
            uidx[q, pl.ds(g * 16, 16)] = ((u >> _SHB) << _SHQ) | (u & _QMASK)
            i = iids_v[pl.ds(q * _Q + g * 16, 16)]
            iidx[q, pl.ds(g * 16, 16)] = ((i >> _SHB) << _SHQ) | (i & _QMASK)
    prev = None
    for q in range(_NQ):
        s = q % 2
        cu = pltpu.async_copy(pu.at[uidx.at[q]], bufs.at[2 * s], sem)
        ci = pltpu.async_copy(pi.at[iidx.at[q]], bufs.at[2 * s + 1], sem)
        if prev is not None:
            pcu, pci, pq = prev
            ps = pq % 2
            pcu.wait()
            pltpu.sync_copy(bufs.at[2 * ps],
                            u_out.at[pl.ds(base + pq * _Q, _Q)])
            pci.wait()
            pltpu.sync_copy(bufs.at[2 * ps + 1],
                            i_out.at[pl.ds(base + pq * _Q, _Q)])
        prev = (cu, ci, q)
    pcu, pci, pq = prev
    ps = pq % 2
    pcu.wait()
    pltpu.sync_copy(bufs.at[2 * ps], u_out.at[pl.ds(base + pq * _Q, _Q)])
    pci.wait()
    pltpu.sync_copy(bufs.at[2 * ps + 1], i_out.at[pl.ds(base + pq * _Q, _Q)])


_gather_cache = []


def _gather_kernel():
    if not _gather_cache:
        _gather_cache.append(pl.kernel(
            _gather_body,
            out_type=[jax.ShapeDtypeStruct((_BATCH, 128), jnp.int32),
                      jax.ShapeDtypeStruct((_BATCH, 128), jnp.int32)],
            mesh=plsc.VectorSubcoreMesh(core_axis_name="c",
                                        subcore_axis_name="s",
                                        num_cores=_NC, num_subcores=_NS),
            scratch_types=[
                pltpu.VMEM((_BPW,), jnp.int32),
                pltpu.VMEM((_BPW,), jnp.int32),
                pltpu.VMEM((_NQ, _Q), jnp.int32),
                pltpu.VMEM((_NQ, _Q), jnp.int32),
                pltpu.VMEM((4, _Q, 128), jnp.int32),
                pltpu.SemaphoreType.DMA,
            ],
        ))
    return _gather_cache[0]


_BB = 2048
_NBLK = _BATCH // _BB


def _tower_body(ur, ir, uid, iid, uW1, ub1, uW2, ub2, iW1, ib1, iW2, ib2,
                out):
    us = (uid[...] >> _SHQ) & 3
    its = (iid[...] >> _SHQ) & 3
    uw = jnp.where(us >= 2, ur[:, 64:128], ur[:, 0:64])
    iw = jnp.where(its >= 2, ir[:, 64:128], ir[:, 0:64])
    ue = lax.bitcast_convert_type(
        jnp.where((us & 1) == 1, uw & jnp.int32(-65536), uw << 16),
        jnp.float32)
    ie = lax.bitcast_convert_type(
        jnp.where((its & 1) == 1, iw & jnp.int32(-65536), iw << 16),
        jnp.float32)
    u = jnp.maximum(
        jnp.dot(ue, uW1[...], preferred_element_type=jnp.float32)
        + ub1[...], 0.0)
    u = jnp.maximum(
        jnp.dot(u, uW2[...], preferred_element_type=jnp.float32)
        + ub2[...], 0.0)
    v = jnp.maximum(
        jnp.dot(ie, iW1[...], preferred_element_type=jnp.float32)
        + ib1[...], 0.0)
    v = jnp.maximum(
        jnp.dot(v, iW2[...], preferred_element_type=jnp.float32)
        + ib2[...], 0.0)
    un = jnp.sqrt(jnp.sum(u * u, axis=-1, keepdims=True))
    vn = jnp.sqrt(jnp.sum(v * v, axis=-1, keepdims=True))
    dot = jnp.sum(u * v, axis=-1, keepdims=True)
    out[...] = dot / (jnp.maximum(un, 1e-12) * jnp.maximum(vn, 1e-12))


def _towers(ur, ir, uid2, iid2, uW1, ub1, uW2, ub2, iW1, ib1, iW2, ib2):
    full = lambda shape: pl.BlockSpec(shape, lambda b: (0, 0))
    return pl.pallas_call(
        _tower_body,
        grid=(_NBLK,),
        in_specs=[
            pl.BlockSpec((_BB, 128), lambda b: (b, 0)),
            pl.BlockSpec((_BB, 128), lambda b: (b, 0)),
            pl.BlockSpec((_BB, 1), lambda b: (b, 0)),
            pl.BlockSpec((_BB, 1), lambda b: (b, 0)),
            full(uW1.shape), full(ub1.shape), full(uW2.shape), full(ub2.shape),
            full(iW1.shape), full(ib1.shape), full(iW2.shape), full(ib2.shape),
        ],
        out_specs=pl.BlockSpec((_BB, 1), lambda b: (b, 0)),
        out_shape=jax.ShapeDtypeStruct((_BATCH, 1), jnp.float32),
    )(ur, ir, uid2, iid2, uW1, ub1, uW2, ub2, iW1, ib1, iW2, ib2)


def kernel(user_ids, item_ids, user_table, item_table,
           uW1, ub1, uW2, ub2, iW1, ib1, iW2, ib2):
    pu, pi = _pack(user_table.T, item_table.T)
    ur, ir = _gather_kernel()(pu, pi, user_ids, item_ids)
    scores = _towers(ur, ir,
                     user_ids.reshape(-1, 1), item_ids.reshape(-1, 1),
                     uW1, ub1.reshape(1, -1), uW2, ub2.reshape(1, -1),
                     iW1, ib1.reshape(1, -1), iW2, ib2.reshape(1, -1))
    return scores.reshape(_BATCH)

# --- scband reference (transcript-rebuilt; emitter-appended) ---
"""Pipeline reference for scband-two-tower-model-71708773974789 (READ-ONLY COPY).

The authoritative reference and input builder live on the scoring server;
editing this copy changes nothing except your own understanding.
"""

import jax, jax.numpy as jnp
import numpy as np

BATCH = 16384
VOCAB_USERS = 1000000
VOCAB_ITEMS = 1000000
EMB_DIM = 64
TOWER_DIMS = [128, 64]


def setup_inputs(seed: int = 0) -> dict:
    key = jax.random.key(seed)
    ks = jax.random.split(key, 12)
    user_ids = jax.random.randint(ks[0], (BATCH,), 0, VOCAB_USERS, dtype=jnp.int64 if jax.config.jax_enable_x64 else jnp.int32).astype(jnp.int32)
    item_ids = jax.random.randint(ks[1], (BATCH,), 0, VOCAB_ITEMS, dtype=jnp.int32)
    user_table = jax.random.normal(ks[2], (VOCAB_USERS, EMB_DIM), dtype=jnp.float32) * 0.01
    item_table = jax.random.normal(ks[3], (VOCAB_ITEMS, EMB_DIM), dtype=jnp.float32) * 0.01
    # user tower: Linear(64->128), ReLU, Linear(128->64), ReLU
    uW1 = jax.random.normal(ks[4], (EMB_DIM, TOWER_DIMS[0]), dtype=jnp.float32) * (1.0 / np.sqrt(EMB_DIM))
    ub1 = jnp.zeros((TOWER_DIMS[0],), dtype=jnp.float32)
    uW2 = jax.random.normal(ks[5], (TOWER_DIMS[0], TOWER_DIMS[1]), dtype=jnp.float32) * (1.0 / np.sqrt(TOWER_DIMS[0]))
    ub2 = jnp.zeros((TOWER_DIMS[1],), dtype=jnp.float32)
    iW1 = jax.random.normal(ks[6], (EMB_DIM, TOWER_DIMS[0]), dtype=jnp.float32) * (1.0 / np.sqrt(EMB_DIM))
    ib1 = jnp.zeros((TOWER_DIMS[0],), dtype=jnp.float32)
    iW2 = jax.random.normal(ks[7], (TOWER_DIMS[0], TOWER_DIMS[1]), dtype=jnp.float32) * (1.0 / np.sqrt(TOWER_DIMS[0]))
    ib2 = jnp.zeros((TOWER_DIMS[1],), dtype=jnp.float32)
    return {
        "user_ids": user_ids,
        "item_ids": item_ids,
        "user_table": user_table,
        "item_table": item_table,
        "uW1": uW1, "ub1": ub1, "uW2": uW2, "ub2": ub2,
        "iW1": iW1, "ib1": ib1, "iW2": iW2, "ib2": ib2,
    }


def _l2_normalize(v, eps=1e-12):
    norm = jnp.sqrt(jnp.sum(v * v, axis=-1, keepdims=True))
    return v / jnp.maximum(norm, eps)


def reference(user_ids, item_ids, user_table, item_table,
              uW1, ub1, uW2, ub2, iW1, ib1, iW2, ib2):
    # embedding lookups (gather) -- SparseCore-mappable
    user_emb = jnp.take(user_table, user_ids, axis=0)
    item_emb = jnp.take(item_table, item_ids, axis=0)
    # user tower
    u = jax.nn.relu(user_emb @ uW1 + ub1)
    u = jax.nn.relu(u @ uW2 + ub2)
    # item tower
    i = jax.nn.relu(item_emb @ iW1 + ib1)
    i = jax.nn.relu(i @ iW2 + ib2)
    # L2 normalize (F.normalize p=2, dim=-1)
    u = _l2_normalize(u)
    i = _l2_normalize(i)
    scores = jnp.sum(u * i, axis=-1)
    return scores

if __name__ == "__main__":
    import jax
    _d = setup_inputs()
    print(jax.jit(kernel)(*tuple(_d.values())))

</pallas_src>

<mosaic_0001>
#map = affine_map<(d0, d1) -> (0, 0)>
#map1 = affine_map<(d0, d1) -> (0)>
module attributes {stable_mosaic.version = 14 : i64} {
  func.func @_gather_body(%arg0: i32, %arg1: i32, %arg2: memref<253952x128xi32, #tpu.memory_space<hbm>>, %arg3: memref<253952x128xi32, #tpu.memory_space<hbm>>, %arg4: memref<16384xi32, #tpu.memory_space<hbm>>, %arg5: memref<16384xi32, #tpu.memory_space<hbm>>, %arg6: memref<16384x128xi32, #tpu.memory_space<hbm>>, %arg7: memref<16384x128xi32, #tpu.memory_space<hbm>>, %arg8: memref<512xi32, #tpu.memory_space<vmem>>, %arg9: memref<512xi32, #tpu.memory_space<vmem>>, %arg10: memref<4x128xi32, #tpu.memory_space<vmem>>, %arg11: memref<4x128xi32, #tpu.memory_space<vmem>>, %arg12: memref<4x128x128xi32, #tpu.memory_space<vmem>>, %arg13: memref<!tpu.dma_semaphore, #tpu.memory_space<semaphore_mem>>) attributes {dimension_semantics = [#tpu.dimension_semantics<core_parallel>, #tpu.dimension_semantics<subcore_parallel>], iteration_bounds = array<i64: 2, 16>, scalar_prefetch = 0 : i64, scratch_operands = 6 : i64, tpu.core_type = #tpu.core_type<sc_vector_subcore>, window_params = [{transform_indices = #map}, {transform_indices = #map}, {transform_indices = #map1}, {transform_indices = #map1}, {transform_indices = #map}, {transform_indices = #map}]} {
    %mul3A = arith.constant 2 : i32
    %mul3A_0 = arith.muli %arg1, %mul3A : i32
    %add3A = arith.addi %mul3A_0, %arg0 : i32
    %mul3A_1 = arith.constant 512 : i32
    %mul3A_2 = arith.muli %add3A, %mul3A_1 : i32
    "tpu.region"() ({
      %run_scoped3A_1426 = tpu.sem_alloc : memref<!tpu.dma_semaphore, #tpu.memory_space<semaphore_mem>>
      %dma_start3A_1427 = tpu.memref_slice %arg4[%mul3A_2] : memref<16384xi32, #tpu.memory_space<hbm>> -> memref<512xi32, #tpu.memory_space<hbm>>
      %dma_start3A_1428 = tpu.memref_slice %arg4[%mul3A_2] : memref<16384xi32, #tpu.memory_space<hbm>> -> memref<512xi32, #tpu.memory_space<hbm>>
      tpu.enqueue_dma source(%dma_start3A_1428 : memref<512xi32, #tpu.memory_space<hbm>>) target(%arg8 : memref<512xi32, #tpu.memory_space<vmem>>) target_semaphore(%run_scoped3A_1426 : memref<!tpu.dma_semaphore, #tpu.memory_space<semaphore_mem>>)
      %dma_wait3A_1429 = tpu.memref_slice %arg4[%mul3A_2] : memref<16384xi32, #tpu.memory_space<hbm>> -> memref<512xi32, #tpu.memory_space<hbm>>
      %dma_wait3A_1430 = tpu.memref_slice %arg4[%mul3A_2] : memref<16384xi32, #tpu.memory_space<hbm>> -> memref<512xi32, #tpu.memory_space<hbm>>
      tpu.wait_dma2 semaphore(%run_scoped3A_1426 : memref<!tpu.dma_semaphore, #tpu.memory_space<semaphore_mem>>) src(%dma_wait3A_1430 : memref<512xi32, #tpu.memory_space<hbm>>) dst(%arg8 : memref<512xi32, #tpu.memory_space<vmem>>)
      tpu.yield
    }) : () -> ()
    "tpu.region"() ({
      %run_scoped3A_1426 = tpu.sem_alloc : memref<!tpu.dma_semaphore, #tpu.memory_space<semaphore_mem>>
      %dma_start3A_1427 = tpu.memref_slice %arg5[%mul3A_2] : memref<16384xi32, #tpu.memory_space<hbm>> -> memref<512xi32, #tpu.memory_space<hbm>>
      %dma_start3A_1428 = tpu.memref_slice %arg5[%mul3A_2] : memref<16384xi32, #tpu.memory_space<hbm>> -> memref<512xi32, #tpu.memory_space<hbm>>
      tpu.enqueue_dma source(%dma_start3A_1428 : memref<512xi32, #tpu.memory_space<hbm>>) target(%arg9 : memref<512xi32, #tpu.memory_space<vmem>>) target_semaphore(%run_scoped3A_1426 : memref<!tpu.dma_semaphore, #tpu.memory_space<semaphore_mem>>)
      %dma_wait3A_1429 = tpu.memref_slice %arg5[%mul3A_2] : memref<16384xi32, #tpu.memory_space<hbm>> -> memref<512xi32, #tpu.memory_space<hbm>>
      %dma_wait3A_1430 = tpu.memref_slice %arg5[%mul3A_2] : memref<16384xi32, #tpu.memory_space<hbm>> -> memref<512xi32, #tpu.memory_space<hbm>>
      tpu.wait_dma2 semaphore(%run_scoped3A_1426 : memref<!tpu.dma_semaphore, #tpu.memory_space<semaphore_mem>>) src(%dma_wait3A_1430 : memref<512xi32, #tpu.memory_space<hbm>>) dst(%arg9 : memref<512xi32, #tpu.memory_space<vmem>>)
      tpu.yield
    }) : () -> ()
    %get3A = arith.constant 0 : index
    %get3A_3 = tpu.vector_load %arg8[%get3A] {strides = array<i32>} : memref<512xi32, #tpu.memory_space<vmem>>, vector<16xi32>,
    %get3A_4 = vector.shape_cast %get3A_3 : vector<16xi32> to vector<16xi32>
    %shift_right_arithmetic3A = arith.constant 14 : i32
    %shift_right_arithmetic3A_5 = vector.broadcast %shift_right_arithmetic3A : i32 to vector<16xi32>
    %shift_right_arithmetic3A_6 = arith.shrsi %get3A_4, %shift_right_arithmetic3A_5 : vector<16xi32>
    %shift_left3A = arith.constant 12 : i32
    %shift_left3A_7 = vector.broadcast %shift_left3A : i32 to vector<16xi32>
    %shift_left3A_8 = arith.shli %shift_right_arithmetic3A_6, %shift_left3A_7 : vector<16xi32>
    %and3A = arith.constant 4095 : i32
    %and3A_9 = vector.broadcast %and3A : i32 to vector<16xi32>
    %and3A_10 = arith.andi %get3A_4, %and3A_9 : vector<16xi32>
    %or3A = arith.ori %shift_left3A_8, %and3A_10 : vector<16xi32>
    %swap3A = arith.constant 0 : i32
    %swap3A_11 = arith.index_cast %swap3A : i32 to index
    %swap3A_12 = arith.constant 0 : index
    %swap3A_13 = tpu.vector_load %arg10[%swap3A_11, %swap3A_12] {strides = array<i32>} : memref<4x128xi32, #tpu.memory_space<vmem>>, vector<1x16xi32>,
    %swap3A_14 = vector.shape_cast %swap3A_13 : vector<1x16xi32> to vector<16xi32>
    %swap3A_15 = vector.shape_cast %or3A : vector<16xi32> to vector<1x16xi32>
    tpu.vector_store %arg10[%swap3A_11, %swap3A_12], %swap3A_15 {strides = array<i32>} : memref<4x128xi32, #tpu.memory_space<vmem>>, vector<1x16xi32>,
    %get3A_16 = arith.constant 0 : index
    %get3A_17 = tpu.vector_load %arg9[%get3A_16] {strides = array<i32>} : memref<512xi32, #tpu.memory_space<vmem>>, vector<16xi32>,
    %get3A_18 = vector.shape_cast %get3A_17 : vector<16xi32> to vector<16xi32>
    %shift_right_arithmetic3A_19 = arith.constant 14 : i32
    %shift_right_arithmetic3A_20 = vector.broadcast %shift_right_arithmetic3A_19 : i32 to vector<16xi32>
    %shift_right_arithmetic3A_21 = arith.shrsi %get3A_18, %shift_right_arithmetic3A_20 : vector<16xi32>
    %shift_left3A_22 = arith.constant 12 : i32
    %shift_left3A_23 = vector.broadcast %shift_left3A_22 : i32 to vector<16xi32>
    %shift_left3A_24 = arith.shli %shift_right_arithmetic3A_21, %shift_left3A_23 : vector<16xi32>
    %and3A_25 = arith.constant 4095 : i32
    %and3A_26 = vector.broadcast %and3A_25 : i32 to vector<16xi32>
    %and3A_27 = arith.andi %get3A_18, %and3A_26 : vector<16xi32>
    %or3A_28 = arith.ori %shift_left3A_24, %and3A_27 : vector<16xi32>
    %swap3A_29 = arith.constant 0 : i32
    %swap3A_30 = arith.index_cast %swap3A_29 : i32 to index
    %swap3A_31 = arith.constant 0 : index
    %swap3A_32 = tpu.vector_load %arg11[%swap3A_30, %swap3A_31] {strides = array<i32>} : memref<4x128xi32, #tpu.memory_space<vmem>>, vector<1x16xi32>,
    %swap3A_33 = vector.shape_cast %swap3A_32 : vector<1x16xi32> to vector<16xi32>
    %swap3A_34 = vector.shape_cast %or3A_28 : vector<16xi32> to vector<1x16xi32>
    tpu.vector_store %arg11[%swap3A_30, %swap3A_31], %swap3A_34 {strides = array<i32>} : memref<4x128xi32, #tpu.memory_space<vmem>>, vector<1x16xi32>,
    %get3A_35 = arith.constant 16 : index
    %get3A_36 = tpu.vector_load %arg8[%get3A_35] {strides = array<i32>} : memref<512xi32, #tpu.memory_space<vmem>>, vector<16xi32>,
    %get3A_37 = vector.shape_cast %get3A_36 : vector<16xi32> to vector<16xi32>
    %shift_right_arithmetic3A_38 = arith.constant 14 : i32
    %shift_right_arithmetic3A_39 = vector.broadcast %shift_right_arithmetic3A_38 : i32 to vector<16xi32>
    %shift_right_arithmetic3A_40 = arith.shrsi %get3A_37, %shift_right_arithmetic3A_39 : vector<16xi32>
    %shift_left3A_41 = arith.constant 12 : i32
    %shift_left3A_42 = vector.broadcast %shift_left3A_41 : i32 to vector<16xi32>
    %shift_left3A_43 = arith.shli %shift_right_arithmetic3A_40, %shift_left3A_42 : vector<16xi32>
    %and3A_44 = arith.constant 4095 : i32
    %and3A_45 = vector.broadcast %and3A_44 : i32 to vector<16xi32>
    %and3A_46 = arith.andi %get3A_37, %and3A_45 : vector<16xi32>
    %or3A_47 = arith.ori %shift_left3A_43, %and3A_46 : vector<16xi32>
    %swap3A_48 = arith.constant 0 : i32
    %swap3A_49 = arith.index_cast %swap3A_48 : i32 to index
    %swap3A_50 = arith.constant 16 : index
    %swap3A_51 = tpu.vector_load %arg10[%swap3A_49, %swap3A_50] {strides = array<i32>} : memref<4x128xi32, #tpu.memory_space<vmem>>, vector<1x16xi32>,
    %swap3A_52 = vector.shape_cast %swap3A_51 : vector<1x16xi32> to vector<16xi32>
    %swap3A_53 = vector.shape_cast %or3A_47 : vector<16xi32> to vector<1x16xi32>
    tpu.vector_store %arg10[%swap3A_49, %swap3A_50], %swap3A_53 {strides = array<i32>} : memref<4x128xi32, #tpu.memory_space<vmem>>, vector<1x16xi32>,
    %get3A_54 = arith.constant 16 : index
    %get3A_55 = tpu.vector_load %arg9[%get3A_54] {strides = array<i32>} : memref<512xi32, #tpu.memory_space<vmem>>, vector<16xi32>,
    %get3A_56 = vector.shape_cast %get3A_55 : vector<16xi32> to vector<16xi32>
    %shift_right_arithmetic3A_57 = arith.constant 14 : i32
    %shift_right_arithmetic3A_58 = vector.broadcast %shift_right_arithmetic3A_57 : i32 to vector<16xi32>
    %shift_right_arithmetic3A_59 = arith.shrsi %get3A_56, %shift_right_arithmetic3A_58 : vector<16xi32>
    %shift_left3A_60 = arith.constant 12 : i32
    %shift_left3A_61 = vector.broadcast %shift_left3A_60 : i32 to vector<16xi32>
    %shift_left3A_62 = arith.shli %shift_right_arithmetic3A_59, %shift_left3A_61 : vector<16xi32>
    %and3A_63 = arith.constant 4095 : i32
    %and3A_64 = vector.broadcast %and3A_63 : i32 to vector<16xi32>
    %and3A_65 = arith.andi %get3A_56, %and3A_64 : vector<16xi32>
    %or3A_66 = arith.ori %shift_left3A_62, %and3A_65 : vector<16xi32>
    %swap3A_67 = arith.constant 0 : i32
    %swap3A_68 = arith.index_cast %swap3A_67 : i32 to index
    %swap3A_69 = arith.constant 16 : index
    %swap3A_70 = tpu.vector_load %arg11[%swap3A_68, %swap3A_69] {strides = array<i32>} : memref<4x128xi32, #tpu.memory_space<vmem>>, vector<1x16xi32>,
    %swap3A_71 = vector.shape_cast %swap3A_70 : vector<1x16xi32> to vector<16xi32>
    %swap3A_72 = vector.shape_cast %or3A_66 : vector<16xi32> to vector<1x16xi32>
    tpu.vector_store %arg11[%swap3A_68, %swap3A_69], %swap3A_72 {strides = array<i32>} : memref<4x128xi32, #tpu.memory_space<vmem>>, vector<1x16xi32>,
    %get3A_73 = arith.constant 32 : index
    %get3A_74 = tpu.vector_load %arg8[%get3A_73] {strides = array<i32>} : memref<512xi32, #tpu.memory_space<vmem>>, vector<16xi32>,
    %get3A_75 = vector.shape_cast %get3A_74 : vector<16xi32> to vector<16xi32>
    %shift_right_arithmetic3A_76 = arith.constant 14 : i32
    %shift_right_arithmetic3A_77 = vector.broadcast %shift_right_arithmetic3A_76 : i32 to vector<16xi32>
    %shift_right_arithmetic3A_78 = arith.shrsi %get3A_75, %shift_right_arithmetic3A_77 : vector<16xi32>
    %shift_left3A_79 = arith.constant 12 : i32
    %shift_left3A_80 = vector.broadcast %shift_left3A_79 : i32 to vector<16xi32>
    %shift_left3A_81 = arith.shli %shift_right_arithmetic3A_78, %shift_left3A_80 : vector<16xi32>
    %and3A_82 = arith.constant 4095 : i32
    %and3A_83 = vector.broadcast %and3A_82 : i32 to vector<16xi32>
    %and3A_84 = arith.andi %get3A_75, %and3A_83 : vector<16xi32>
    %or3A_85 = arith.ori %shift_left3A_81, %and3A_84 : vector<16xi32>
    %swap3A_86 = arith.constant 0 : i32
    %swap3A_87 = arith.index_cast %swap3A_86 : i32 to index
    %swap3A_88 = arith.constant 32 : index
    %swap3A_89 = tpu.vector_load %arg10[%swap3A_87, %swap3A_88] {strides = array<i32>} : memref<4x128xi32, #tpu.memory_space<vmem>>, vector<1x16xi32>,
    %swap3A_90 = vector.shape_cast %swap3A_89 : vector<1x16xi32> to vector<16xi32>
    %swap3A_91 = vector.shape_cast %or3A_85 : vector<16xi32> to vector<1x16xi32>
    tpu.vector_store %arg10[%swap3A_87, %swap3A_88], %swap3A_91 {strides = array<i32>} : memref<4x128xi32, #tpu.memory_space<vmem>>, vector<1x16xi32>,
    %get3A_92 = arith.constant 32 : index
    %get3A_93 = tpu.vector_load %arg9[%get3A_92] {strides = array<i32>} : memref<512xi32, #tpu.memory_space<vmem>>, vector<16xi32>,
    %get3A_94 = vector.shape_cast %get3A_93 : vector<16xi32> to vector<16xi32>
    %shift_right_arithmetic3A_95 = arith.constant 14 : i32
    %shift_right_arithmetic3A_96 = vector.broadcast %shift_right_arithmetic3A_95 : i32 to vector<16xi32>
    %shift_right_arithmetic3A_97 = arith.shrsi %get3A_94, %shift_right_arithmetic3A_96 : vector<16xi32>
    %shift_left3A_98 = arith.constant 12 : i32
    %shift_left3A_99 = vector.broadcast %shift_left3A_98 : i32 to vector<16xi32>
    %shift_left3A_100 = arith.shli %shift_right_arithmetic3A_97, %shift_left3A_99 : vector<16xi32>
    %and3A_101 = arith.constant 4095 : i32
    %and3A_102 = vector.broadcast %and3A_101 : i32 to vector<16xi32>
    %and3A_103 = arith.andi %get3A_94, %and3A_102 : vector<16xi32>
    %or3A_104 = arith.ori %shift_left3A_100, %and3A_103 : vector<16xi32>
    %swap3A_105 = arith.constant 0 : i32
    %swap3A_106 = arith.index_cast %swap3A_105 : i32 to index
    %swap3A_107 = arith.constant 32 : index
    %swap3A_108 = tpu.vector_load %arg11[%swap3A_106, %swap3A_107] {strides = array<i32>} : memref<4x128xi32, #tpu.memory_space<vmem>>, vector<1x16xi32>,
    %swap3A_109 = vector.shape_cast %swap3A_108 : vector<1x16xi32> to vector<16xi32>
    %swap3A_110 = vector.shape_cast %or3A_104 : vector<16xi32> to vector<1x16xi32>
    tpu.vector_store %arg11[%swap3A_106, %swap3A_107], %swap3A_110 {strides = array<i32>} : memref<4x128xi32, #tpu.memory_space<vmem>>, vector<1x16xi32>,
    %get3A_111 = arith.constant 48 : index
    %get3A_112 = tpu.vector_load %arg8[%get3A_111] {strides = array<i32>} : memref<512xi32, #tpu.memory_space<vmem>>, vector<16xi32>,
    %get3A_113 = vector.shape_cast %get3A_112 : vector<16xi32> to vector<16xi32>
    %shift_right_arithmetic3A_114 = arith.constant 14 : i32
    %shift_right_arithmetic3A_115 = vector.broadcast %shift_right_arithmetic3A_114 : i32 to vector<16xi32>
    %shift_right_arithmetic3A_116 = arith.shrsi %get3A_113, %shift_right_arithmetic3A_115 : vector<16xi32>
    %shift_left3A_117 = arith.constant 12 : i32
    %shift_left3A_118 = vector.broadcast %shift_left3A_117 : i32 to vector<16xi32>
    %shift_left3A_119 = arith.shli %shift_right_arithmetic3A_116, %shift_left3A_118 : vector<16xi32>
    %and3A_120 = arith.constant 4095 : i32
    %and3A_121 = vector.broadcast %and3A_120 : i32 to vector<16xi32>
    %and3A_122 = arith.andi %get3A_113, %and3A_121 : vector<16xi32>
    %or3A_123 = arith.ori %shift_left3A_119, %and3A_122 : vector<16xi32>
    %swap3A_124 = arith.constant 0 : i32
    %swap3A_125 = arith.index_cast %swap3A_124 : i32 to index
    %swap3A_126 = arith.constant 48 : index
    %swap3A_127 = tpu.vector_load %arg10[%swap3A_125, %swap3A_126] {strides = array<i32>} : memref<4x128xi32, #tpu.memory_space<vmem>>, vector<1x16xi32>,
    %swap3A_128 = vector.shape_cast %swap3A_127 : vector<1x16xi32> to vector<16xi32>
    %swap3A_129 = vector.shape_cast %or3A_123 : vector<16xi32> to vector<1x16xi32>
    tpu.vector_store %arg10[%swap3A_125, %swap3A_126], %swap3A_129 {strides = array<i32>} : memref<4x128xi32, #tpu.memory_space<vmem>>, vector<1x16xi32>,
    %get3A_130 = arith.constant 48 : index
    %get3A_131 = tpu.vector_load %arg9[%get3A_130] {strides = array<i32>} : memref<512xi32, #tpu.memory_space<vmem>>, vector<16xi32>,
    %get3A_132 = vector.shape_cast %get3A_131 : vector<16xi32> to vector<16xi32>
    %shift_right_arithmetic3A_133 = arith.constant 14 : i32
    %shift_right_arithmetic3A_134 = vector.broadcast %shift_right_arithmetic3A_133 : i32 to vector<16xi32>
    %shift_right_arithmetic3A_135 = arith.shrsi %get3A_132, %shift_right_arithmetic3A_134 : vector<16xi32>
    %shift_left3A_136 = arith.constant 12 : i32
    %shift_left3A_137 = vector.broadcast %shift_left3A_136 : i32 to vector<16xi32>
    %shift_left3A_138 = arith.shli %shift_right_arithmetic3A_135, %shift_left3A_137 : vector<16xi32>
    %and3A_139 = arith.constant 4095 : i32
    %and3A_140 = vector.broadcast %and3A_139 : i32 to vector<16xi32>
    %and3A_141 = arith.andi %get3A_132, %and3A_140 : vector<16xi32>
    %or3A_142 = arith.ori %shift_left3A_138, %and3A_141 : vector<16xi32>
    %swap3A_143 = arith.constant 0 : i32
    %swap3A_144 = arith.index_cast %swap3A_143 : i32 to index
    %swap3A_145 = arith.constant 48 : index
    %swap3A_146 = tpu.vector_load %arg11[%swap3A_144, %swap3A_145] {strides = array<i32>} : memref<4x128xi32, #tpu.memory_space<vmem>>, vector<1x16xi32>,
    %swap3A_147 = vector.shape_cast %swap3A_146 : vector<1x16xi32> to vector<16xi32>
    %swap3A_148 = vector.shape_cast %or3A_142 : vector<16xi32> to vector<1x16xi32>
    tpu.vector_store %arg11[%swap3A_144, %swap3A_145], %swap3A_148 {strides = array<i32>} : memref<4x128xi32, #tpu.memory_space<vmem>>, vector<1x16xi32>,
    %get3A_149 = arith.constant 64 : index
    %get3A_150 = tpu.vector_load %arg8[%get3A_149] {strides = array<i32>} : memref<512xi32, #tpu.memory_space<vmem>>, vector<16xi32>,
    %get3A_151 = vector.shape_cast %get3A_150 : vector<16xi32> to vector<16xi32>
    %shift_right_arithmetic3A_152 = arith.constant 14 : i32
    %shift_right_arithmetic3A_153 = vector.broadcast %shift_right_arithmetic3A_152 : i32 to vector<16xi32>
    %shift_right_arithmetic3A_154 = arith.shrsi %get3A_151, %shift_right_arithmetic3A_153 : vector<16xi32>
    %shift_left3A_155 = arith.constant 12 : i32
    %shift_left3A_156 = vector.broadcast %shift_left3A_155 : i32 to vector<16xi32>
    %shift_left3A_157 = arith.shli %shift_right_arithmetic3A_154, %shift_left3A_156 : vector<16xi32>
    %and3A_158 = arith.constant 4095 : i32
    %and3A_159 = vector.broadcast %and3A_158 : i32 to vector<16xi32>
    %and3A_160 = arith.andi %get3A_151, %and3A_159 : vector<16xi32>
    %or3A_161 = arith.ori %shift_left3A_157, %and3A_160 : vector<16xi32>
    %swap3A_162 = arith.constant 0 : i32
    %swap3A_163 = arith.index_cast %swap3A_162 : i32 to index
    %swap3A_164 = arith.constant 64 : index
    %swap3A_165 = tpu.vector_load %arg10[%swap3A_163, %swap3A_164] {strides = array<i32>} : memref<4x128xi32, #tpu.memory_space<vmem>>, vector<1x16xi32>,
    %swap3A_166 = vector.shape_cast %swap3A_165 : vector<1x16xi32> to vector<16xi32>
    %swap3A_167 = vector.shape_cast %or3A_161 : vector<16xi32> to vector<1x16xi32>
    tpu.vector_store %arg10[%swap3A_163, %swap3A_164], %swap3A_167 {strides = array<i32>} : memref<4x128xi32, #tpu.memory_space<vmem>>, vector<1x16xi32>,
    %get3A_168 = arith.constant 64 : index
    %get3A_169 = tpu.vector_load %arg9[%get3A_168] {strides = array<i32>} : memref<512xi32, #tpu.memory_space<vmem>>, vector<16xi32>,
    %get3A_170 = vector.shape_cast %get3A_169 : vector<16xi32> to vector<16xi32>
    %shift_right_arithmetic3A_171 = arith.constant 14 : i32
    %shift_right_arithmetic3A_172 = vector.broadcast %shift_right_arithmetic3A_171 : i32 to vector<16xi32>
    %shift_right_arithmetic3A_173 = arith.shrsi %get3A_170, %shift_right_arithmetic3A_172 : vector<16xi32>
    %shift_left3A_174 = arith.constant 12 : i32
    %shift_left3A_175 = vector.broadcast %shift_left3A_174 : i32 to vector<16xi32>
    %shift_left3A_176 = arith.shli %shift_right_arithmetic3A_173, %shift_left3A_175 : vector<16xi32>
    %and3A_177 = arith.constant 4095 : i32
    %and3A_178 = vector.broadcast %and3A_177 : i32 to vector<16xi32>
    %and3A_179 = arith.andi %get3A_170, %and3A_178 : vector<16xi32>
    %or3A_180 = arith.ori %shift_left3A_176, %and3A_179 : vector<16xi32>
    %swap3A_181 = arith.constant 0 : i32
    %swap3A_182 = arith.index_cast %swap3A_181 : i32 to index
    %swap3A_183 = arith.constant 64 : index
    %swap3A_184 = tpu.vector_load %arg11[%swap3A_182, %swap3A_183] {strides = array<i32>} : memref<4x128xi32, #tpu.memory_space<vmem>>, vector<1x16xi32>,
    %swap3A_185 = vector.shape_cast %swap3A_184 : vector<1x16xi32> to vector<16xi32>
    %swap3A_186 = vector.shape_cast %or3A_180 : vector<16xi32> to vector<1x16xi32>
    tpu.vector_store %arg11[%swap3A_182, %swap3A_183], %swap3A_186 {strides = array<i32>} : memref<4x128xi32, #tpu.memory_space<vmem>>, vector<1x16xi32>,
    %get3A_187 = arith.constant 80 : index
    %get3A_188 = tpu.vector_load %arg8[%get3A_187] {strides = array<i32>} : memref<512xi32, #tpu.memory_space<vmem>>, vector<16xi32>,
    %get3A_189 = vector.shape_cast %get3A_188 : vector<16xi32> to vector<16xi32>
    %shift_right_arithmetic3A_190 = arith.constant 14 : i32
    %shift_right_arithmetic3A_191 = vector.broadcast %shift_right_arithmetic3A_190 : i32 to vector<16xi32>
    %shift_right_arithmetic3A_192 = arith.shrsi %get3A_189, %shift_right_arithmetic3A_191 : vector<16xi32>
    %shift_left3A_193 = arith.constant 12 : i32
    %shift_left3A_194 = vector.broadcast %shift_left3A_193 : i32 to vector<16xi32>
    %shift_left3A_195 = arith.shli %shift_right_arithmetic3A_192, %shift_left3A_194 : vector<16xi32>
    %and3A_196 = arith.constant 4095 : i32
    %and3A_197 = vector.broadcast %and3A_196 : i32 to vector<16xi32>
    %and3A_198 = arith.andi %get3A_189, %and3A_197 : vector<16xi32>
    %or3A_199 = arith.ori %shift_left3A_195, %and3A_198 : vector<16xi32>
    %swap3A_200 = arith.constant 0 : i32
    %swap3A_201 = arith.index_cast %swap3A_200 : i32 to index
    %swap3A_202 = arith.constant 80 : index
    %swap3A_203 = tpu.vector_load %arg10[%swap3A_201, %swap3A_202] {strides = array<i32>} : memref<4x128xi32, #tpu.memory_space<vmem>>, vector<1x16xi32>,
    %swap3A_204 = vector.shape_cast %swap3A_203 : vector<1x16xi32> to vector<16xi32>
    %swap3A_205 = vector.shape_cast %or3A_199 : vector<16xi32> to vector<1x16xi32>
    tpu.vector_store %arg10[%swap3A_201, %swap3A_202], %swap3A_205 {strides = array<i32>} : memref<4x128xi32, #tpu.memory_space<vmem>>, vector<1x16xi32>,
    %get3A_206 = arith.constant 80 : index
    %get3A_207 = tpu.vector_load %arg9[%get3A_206] {strides = array<i32>} : memref<512xi32, #tpu.memory_space<vmem>>, vector<16xi32>,
    %get3A_208 = vector.shape_cast %get3A_207 : vector<16xi32> to vector<16xi32>
    %shift_right_arithmetic3A_209 = arith.constant 14 : i32
    %shift_right_arithmetic3A_210 = vector.broadcast %shift_right_arithmetic3A_209 : i32 to vector<16xi32>
    %shift_right_arithmetic3A_211 = arith.shrsi %get3A_208, %shift_right_arithmetic3A_210 : vector<16xi32>
    %shift_left3A_212 = arith.constant 12 : i32
    %shift_left3A_213 = vector.broadcast %shift_left3A_212 : i32 to vector<16xi32>
    %shift_left3A_214 = arith.shli %shift_right_arithmetic3A_211, %shift_left3A_213 : vector<16xi32>
    %and3A_215 = arith.constant 4095 : i32
    %and3A_216 = vector.broadcast %and3A_215 : i32 to vector<16xi32>
    %and3A_217 = arith.andi %get3A_208, %and3A_216 : vector<16xi32>
    %or3A_218 = arith.ori %shift_left3A_214, %and3A_217 : vector<16xi32>
    %swap3A_219 = arith.constant 0 : i32
    %swap3A_220 = arith.index_cast %swap3A_219 : i32 to index
    %swap3A_221 = arith.constant 80 : index
    %swap3A_222 = tpu.vector_load %arg11[%swap3A_220, %swap3A_221] {strides = array<i32>} : memref<4x128xi32, #tpu.memory_space<vmem>>, vector<1x16xi32>,
    %swap3A_223 = vector.shape_cast %swap3A_222 : vector<1x16xi32> to vector<16xi32>
    %swap3A_224 = vector.shape_cast %or3A_218 : vector<16xi32> to vector<1x16xi32>
    tpu.vector_store %arg11[%swap3A_220, %swap3A_221], %swap3A_224 {strides = array<i32>} : memref<4x128xi32, #tpu.memory_space<vmem>>, vector<1x16xi32>,
    %get3A_225 = arith.constant 96 : index
    %get3A_226 = tpu.vector_load %arg8[%get3A_225] {strides = array<i32>} : memref<512xi32, #tpu.memory_space<vmem>>, vector<16xi32>,
    %get3A_227 = vector.shape_cast %get3A_226 : vector<16xi32> to vector<16xi32>
    %shift_right_arithmetic3A_228 = arith.constant 14 : i32
    %shift_right_arithmetic3A_229 = vector.broadcast %shift_right_arithmetic3A_228 : i32 to vector<16xi32>
    %shift_right_arithmetic3A_230 = arith.shrsi %get3A_227, %shift_right_arithmetic3A_229 : vector<16xi32>
    %shift_left3A_231 = arith.constant 12 : i32
    %shift_left3A_232 = vector.broadcast %shift_left3A_231 : i32 to vector<16xi32>
    %shift_left3A_233 = arith.shli %shift_right_arithmetic3A_230, %shift_left3A_232 : vector<16xi32>
    %and3A_234 = arith.constant 4095 : i32
    %and3A_235 = vector.broadcast %and3A_234 : i32 to vector<16xi32>
    %and3A_236 = arith.andi %get3A_227, %and3A_235 : vector<16xi32>
    %or3A_237 = arith.ori %shift_left3A_233, %and3A_236 : vector<16xi32>
    %swap3A_238 = arith.constant 0 : i32
    %swap3A_239 = arith.index_cast %swap3A_238 : i32 to index
    %swap3A_240 = arith.constant 96 : index
    %swap3A_241 = tpu.vector_load %arg10[%swap3A_239, %swap3A_240] {strides = array<i32>} : memref<4x128xi32, #tpu.memory_space<vmem>>, vector<1x16xi32>,
    %swap3A_242 = vector.shape_cast %swap3A_241 : vector<1x16xi32> to vector<16xi32>
    %swap3A_243 = vector.shape_cast %or3A_237 : vector<16xi32> to vector<1x16xi32>
    tpu.vector_store %arg10[%swap3A_239, %swap3A_240], %swap3A_243 {strides = array<i32>} : memref<4x128xi32, #tpu.memory_space<vmem>>, vector<1x16xi32>,
    %get3A_244 = arith.constant 96 : index
    %get3A_245 = tpu.vector_load %arg9[%get3A_244] {strides = array<i32>} : memref<512xi32, #tpu.memory_space<vmem>>, vector<16xi32>,
    %get3A_246 = vector.shape_cast %get3A_245 : vector<16xi32> to vector<16xi32>
    %shift_right_arithmetic3A_247 = arith.constant 14 : i32
    %shift_right_arithmetic3A_248 = vector.broadcast %shift_right_arithmetic3A_247 : i32 to vector<16xi32>
    %shift_right_arithmetic3A_249 = arith.shrsi %get3A_246, %shift_right_arithmetic3A_248 : vector<16xi32>
    %shift_left3A_250 = arith.constant 12 : i32
    %shift_left3A_251 = vector.broadcast %shift_left3A_250 : i32 to vector<16xi32>
    %shift_left3A_252 = arith.shli %shift_right_arithmetic3A_249, %shift_left3A_251 : vector<16xi32>
    %and3A_253 = arith.constant 4095 : i32
    %and3A_254 = vector.broadcast %and3A_253 : i32 to vector<16xi32>
    %and3A_255 = arith.andi %get3A_246, %and3A_254 : vector<16xi32>
    %or3A_256 = arith.ori %shift_left3A_252, %and3A_255 : vector<16xi32>
    %swap3A_257 = arith.constant 0 : i32
    %swap3A_258 = arith.index_cast %swap3A_257 : i32 to index
    %swap3A_259 = arith.constant 96 : index
    %swap3A_260 = tpu.vector_load %arg11[%swap3A_258, %swap3A_259] {strides = array<i32>} : memref<4x128xi32, #tpu.memory_space<vmem>>, vector<1x16xi32>,
    %swap3A_261 = vector.shape_cast %swap3A_260 : vector<1x16xi32> to vector<16xi32>
    %swap3A_262 = vector.shape_cast %or3A_256 : vector<16xi32> to vector<1x16xi32>
    tpu.vector_store %arg11[%swap3A_258, %swap3A_259], %swap3A_262 {strides = array<i32>} : memref<4x128xi32, #tpu.memory_space<vmem>>, vector<1x16xi32>,
    %get3A_263 = arith.constant 112 : index
    %get3A_264 = tpu.vector_load %arg8[%get3A_263] {strides = array<i32>} : memref<512xi32, #tpu.memory_space<vmem>>, vector<16xi32>,
    %get3A_265 = vector.shape_cast %get3A_264 : vector<16xi32> to vector<16xi32>
    %shift_right_arithmetic3A_266 = arith.constant 14 : i32
    %shift_right_arithmetic3A_267 = vector.broadcast %shift_right_arithmetic3A_266 : i32 to vector<16xi32>
    %shift_right_arithmetic3A_268 = arith.shrsi %get3A_265, %shift_right_arithmetic3A_267 : vector<16xi32>
    %shift_left3A_269 = arith.constant 12 : i32
    %shift_left3A_270 = vector.broadcast %shift_left3A_269 : i32 to vector<16xi32>
    %shift_left3A_271 = arith.shli %shift_right_arithmetic3A_268, %shift_left3A_270 : vector<16xi32>
    %and3A_272 = arith.constant 4095 : i32
    %and3A_273 = vector.broadcast %and3A_272 : i32 to vector<16xi32>
    %and3A_274 = arith.andi %get3A_265, %and3A_273 : vector<16xi32>
    %or3A_275 = arith.ori %shift_left3A_271, %and3A_274 : vector<16xi32>
    %swap3A_276 = arith.constant 0 : i32
    %swap3A_277 = arith.index_cast %swap3A_276 : i32 to index
    %swap3A_278 = arith.constant 112 : index
    %swap3A_279 = tpu.vector_load %arg10[%swap3A_277, %swap3A_278] {strides = array<i32>} : memref<4x128xi32, #tpu.memory_space<vmem>>, vector<1x16xi32>,
    %swap3A_280 = vector.shape_cast %swap3A_279 : vector<1x16xi32> to vector<16xi32>
    %swap3A_281 = vector.shape_cast %or3A_275 : vector<16xi32> to vector<1x16xi32>
    tpu.vector_store %arg10[%swap3A_277, %swap3A_278], %swap3A_281 {strides = array<i32>} : memref<4x128xi32, #tpu.memory_space<vmem>>, vector<1x16xi32>,
    %get3A_282 = arith.constant 112 : index
    %get3A_283 = tpu.vector_load %arg9[%get3A_282] {strides = array<i32>} : memref<512xi32, #tpu.memory_space<vmem>>, vector<16xi32>,
    %get3A_284 = vector.shape_cast %get3A_283 : vector<16xi32> to vector<16xi32>
    %shift_right_arithmetic3A_285 = arith.constant 14 : i32
    %shift_right_arithmetic3A_286 = vector.broadcast %shift_right_arithmetic3A_285 : i32 to vector<16xi32>
    %shift_right_arithmetic3A_287 = arith.shrsi %get3A_284, %shift_right_arithmetic3A_286 : vector<16xi32>
    %shift_left3A_288 = arith.constant 12 : i32
    %shift_left3A_289 = vector.broadcast %shift_left3A_288 : i32 to vector<16xi32>
    %shift_left3A_290 = arith.shli %shift_right_arithmetic3A_287, %shift_left3A_289 : vector<16xi32>
    %and3A_291 = arith.constant 4095 : i32
    %and3A_292 = vector.broadcast %and3A_291 : i32 to vector<16xi32>
    %and3A_293 = arith.andi %get3A_284, %and3A_292 : vector<16xi32>
    %or3A_294 = arith.ori %shift_left3A_290, %and3A_293 : vector<16xi32>
    %swap3A_295 = arith.constant 0 : i32
    %swap3A_296 = arith.index_cast %swap3A_295 : i32 to index
    %swap3A_297 = arith.constant 112 : index
    %swap3A_298 = tpu.vector_load %arg11[%swap3A_296, %swap3A_297] {strides = array<i32>} : memref<4x128xi32, #tpu.memory_space<vmem>>, vector<1x16xi32>,
    %swap3A_299 = vector.shape_cast %swap3A_298 : vector<1x16xi32> to vector<16xi32>
    %swap3A_300 = vector.shape_cast %or3A_294 : vector<16xi32> to vector<1x16xi32>
    tpu.vector_store %arg11[%swap3A_296, %swap3A_297], %swap3A_300 {strides = array<i32>} : memref<4x128xi32, #tpu.memory_space<vmem>>, vector<1x16xi32>,
    %get3A_301 = arith.constant 128 : index
    %get3A_302 = tpu.vector_load %arg8[%get3A_301] {strides = array<i32>} : memref<512xi32, #tpu.memory_space<vmem>>, vector<16xi32>,
    %get3A_303 = vector.shape_cast %get3A_302 : vector<16xi32> to vector<16xi32>
    %shift_right_arithmetic3A_304 = arith.constant 14 : i32
    %shift_right_arithmetic3A_305 = vector.broadcast %shift_right_arithmetic3A_304 : i32 to vector<16xi32>
    %shift_right_arithmetic3A_306 = arith.shrsi %get3A_303, %shift_right_arithmetic3A_305 : vector<16xi32>
    %shift_left3A_307 = arith.constant 12 : i32
    %shift_left3A_308 = vector.broadcast %shift_left3A_307 : i32 to vector<16xi32>
    %shift_left3A_309 = arith.shli %shift_right_arithmetic3A_306, %shift_left3A_308 : vector<16xi32>
    %and3A_310 = arith.constant 4095 : i32
    %and3A_311 = vector.broadcast %and3A_310 : i32 to vector<16xi32>
    %and3A_312 = arith.andi %get3A_303, %and3A_311 : vector<16xi32>
    %or3A_313 = arith.ori %shift_left3A_309, %and3A_312 : vector<16xi32>
    %swap3A_314 = arith.constant 1 : i32
    %swap3A_315 = arith.index_cast %swap3A_314 : i32 to index
    %swap3A_316 = arith.constant 0 : index
    %swap3A_317 = tpu.vector_load %arg10[%swap3A_315, %swap3A_316] {strides = array<i32>} : memref<4x128xi32, #tpu.memory_space<vmem>>, vector<1x16xi32>,
    %swap3A_318 = vector.shape_cast %swap3A_317 : vector<1x16xi32> to vector<16xi32>
    %swap3A_319 = vector.shape_cast %or3A_313 : vector<16xi32> to vector<1x16xi32>
    tpu.vector_store %arg10[%swap3A_315, %swap3A_316], %swap3A_319 {strides = array<i32>} : memref<4x128xi32, #tpu.memory_space<vmem>>, vector<1x16xi32>,
    %get3A_320 = arith.constant 128 : index
    %get3A_321 = tpu.vector_load %arg9[%get3A_320] {strides = array<i32>} : memref<512xi32, #tpu.memory_space<vmem>>, vector<16xi32>,
    %get3A_322 = vector.shape_cast %get3A_321 : vector<16xi32> to vector<16xi32>
    %shift_right_arithmetic3A_323 = arith.constant 14 : i32
    %shift_right_arithmetic3A_324 = vector.broadcast %shift_right_arithmetic3A_323 : i32 to vector<16xi32>
    %shift_right_arithmetic3A_325 = arith.shrsi %get3A_322, %shift_right_arithmetic3A_324 : vector<16xi32>
    %shift_left3A_326 = arith.constant 12 : i32
    %shift_left3A_327 = vector.broadcast %shift_left3A_326 : i32 to vector<16xi32>
    %shift_left3A_328 = arith.shli %shift_right_arithmetic3A_325, %shift_left3A_327 : vector<16xi32>
    %and3A_329 = arith.constant 4095 : i32
    %and3A_330 = vector.broadcast %and3A_329 : i32 to vector<16xi32>
    %and3A_331 = arith.andi %get3A_322, %and3A_330 : vector<16xi32>
    %or3A_332 = arith.ori %shift_left3A_328, %and3A_331 : vector<16xi32>
    %swap3A_333 = arith.constant 1 : i32
    %swap3A_334 = arith.index_cast %swap3A_333 : i32 to index
    %swap3A_335 = arith.constant 0 : index
    %swap3A_336 = tpu.vector_load %arg11[%swap3A_334, %swap3A_335] {strides = array<i32>} : memref<4x128xi32, #tpu.memory_space<vmem>>, vector<1x16xi32>,
    %swap3A_337 = vector.shape_cast %swap3A_336 : vector<1x16xi32> to vector<16xi32>
    %swap3A_338 = vector.shape_cast %or3A_332 : vector<16xi32> to vector<1x16xi32>
    tpu.vector_store %arg11[%swap3A_334, %swap3A_335], %swap3A_338 {strides = array<i32>} : memref<4x128xi32, #tpu.memory_space<vmem>>, vector<1x16xi32>,
    %get3A_339 = arith.constant 144 : index
    %get3A_340 = tpu.vector_load %arg8[%get3A_339] {strides = array<i32>} : memref<512xi32, #tpu.memory_space<vmem>>, vector<16xi32>,
    %get3A_341 = vector.shape_cast %get3A_340 : vector<16xi32> to vector<16xi32>
    %shift_right_arithmetic3A_342 = arith.constant 14 : i32
    %shift_right_arithmetic3A_343 = vector.broadcast %shift_right_arithmetic3A_342 : i32 to vector<16xi32>
    %shift_right_arithmetic3A_344 = arith.shrsi %get3A_341, %shift_right_arithmetic3A_343 : vector<16xi32>
    %shift_left3A_345 = arith.constant 12 : i32
    %shift_left3A_346 = vector.broadcast %shift_left3A_345 : i32 to vector<16xi32>
    %shift_left3A_347 = arith.shli %shift_right_arithmetic3A_344, %shift_left3A_346 : vector<16xi32>
    %and3A_348 = arith.constant 4095 : i32
    %and3A_349 = vector.broadcast %and3A_348 : i32 to vector<16xi32>
    %and3A_350 = arith.andi %get3A_341, %and3A_349 : vector<16xi32>
    %or3A_351 = arith.ori %shift_left3A_347, %and3A_350 : vector<16xi32>
    %swap3A_352 = arith.constant 1 : i32
    %swap3A_353 = arith.index_cast %swap3A_352 : i32 to index
    %swap3A_354 = arith.constant 16 : index
    %swap3A_355 = tpu.vector_load %arg10[%swap3A_353, %swap3A_354] {strides = array<i32>} : memref<4x128xi32, #tpu.memory_space<vmem>>, vector<1x16xi32>,
    %swap3A_356 = vector.shape_cast %swap3A_355 : vector<1x16xi32> to vector<16xi32>
    %swap3A_357 = vector.shape_cast %or3A_351 : vector<16xi32> to vector<1x16xi32>
    tpu.vector_store %arg10[%swap3A_353, %swap3A_354], %swap3A_357 {strides = array<i32>} : memref<4x128xi32, #tpu.memory_space<vmem>>, vector<1x16xi32>,
    %get3A_358 = arith.constant 144 : index
    %get3A_359 = tpu.vector_load %arg9[%get3A_358] {strides = array<i32>} : memref<512xi32, #tpu.memory_space<vmem>>, vector<16xi32>,
    %get3A_360 = vector.shape_cast %get3A_359 : vector<16xi32> to vector<16xi32>
    %shift_right_arithmetic3A_361 = arith.constant 14 : i32
    %shift_right_arithmetic3A_362 = vector.broadcast %shift_right_arithmetic3A_361 : i32 to vector<16xi32>
    %shift_right_arithmetic3A_363 = arith.shrsi %get3A_360, %shift_right_arithmetic3A_362 : vector<16xi32>
    %shift_left3A_364 = arith.constant 12 : i32
    %shift_left3A_365 = vector.broadcast %shift_left3A_364 : i32 to vector<16xi32>
    %shift_left3A_366 = arith.shli %shift_right_arithmetic3A_363, %shift_left3A_365 : vector<16xi32>
    %and3A_367 = arith.constant 4095 : i32
    %and3A_368 = vector.broadcast %and3A_367 : i32 to vector<16xi32>
    %and3A_369 = arith.andi %get3A_360, %and3A_368 : vector<16xi32>
    %or3A_370 = arith.ori %shift_left3A_366, %and3A_369 : vector<16xi32>
    %swap3A_371 = arith.constant 1 : i32
    %swap3A_372 = arith.index_cast %swap3A_371 : i32 to index
    %swap3A_373 = arith.constant 16 : index
    %swap3A_374 = tpu.vector_load %arg11[%swap3A_372, %swap3A_373] {strides = array<i32>} : memref<4x128xi32, #tpu.memory_space<vmem>>, vector<1x16xi32>,
    %swap3A_375 = vector.shape_cast %swap3A_374 : vector<1x16xi32> to vector<16xi32>
    %swap3A_376 = vector.shape_cast %or3A_370 : vector<16xi32> to vector<1x16xi32>
    tpu.vector_store %arg11[%swap3A_372, %swap3A_373], %swap3A_376 {strides = array<i32>} : memref<4x128xi32, #tpu.memory_space<vmem>>, vector<1x16xi32>,
    %get3A_377 = arith.constant 160 : index
    %get3A_378 = tpu.vector_load %arg8[%get3A_377] {strides = array<i32>} : memref<512xi32, #tpu.memory_space<vmem>>, vector<16xi32>,
    %get3A_379 = vector.shape_cast %get3A_378 : vector<16xi32> to vector<16xi32>
    %shift_right_arithmetic3A_380 = arith.constant 14 : i32
    %shift_right_arithmetic3A_381 = vector.broadcast %shift_right_arithmetic3A_380 : i32 to vector<16xi32>
    %shift_right_arithmetic3A_382 = arith.shrsi %get3A_379, %shift_right_arithmetic3A_381 : vector<16xi32>
    %shift_left3A_383 = arith.constant 12 : i32
    %shift_left3A_384 = vector.broadcast %shift_left3A_383 : i32 to vector<16xi32>
    %shift_left3A_385 = arith.shli %shift_right_arithmetic3A_382, %shift_left3A_384 : vector<16xi32>
    %and3A_386 = arith.constant 4095 : i32
    %and3A_387 = vector.broadcast %and3A_386 : i32 to vector<16xi32>
    %and3A_388 = arith.andi %get3A_379, %and3A_387 : vector<16xi32>
    %or3A_389 = arith.ori %shift_left3A_385, %and3A_388 : vector<16xi32>
    %swap3A_390 = arith.constant 1 : i32
    %swap3A_391 = arith.index_cast %swap3A_390 : i32 to index
    %swap3A_392 = arith.constant 32 : index
    %swap3A_393 = tpu.vector_load %arg10[%swap3A_391, %swap3A_392] {strides = array<i32>} : memref<4x128xi32, #tpu.memory_space<vmem>>, vector<1x16xi32>,
    %swap3A_394 = vector.shape_cast %swap3A_393 : vector<1x16xi32> to vector<16xi32>
    %swap3A_395 = vector.shape_cast %or3A_389 : vector<16xi32> to vector<1x16xi32>
    tpu.vector_store %arg10[%swap3A_391, %swap3A_392], %swap3A_395 {strides = array<i32>} : memref<4x128xi32, #tpu.memory_space<vmem>>, vector<1x16xi32>,
    %get3A_396 = arith.constant 160 : index
    %get3A_397 = tpu.vector_load %arg9[%get3A_396] {strides = array<i32>} : memref<512xi32, #tpu.memory_space<vmem>>, vector<16xi32>,
    %get3A_398 = vector.shape_cast %get3A_397 : vector<16xi32> to vector<16xi32>
    %shift_right_arithmetic3A_399 = arith.constant 14 : i32
    %shift_right_arithmetic3A_400 = vector.broadcast %shift_right_arithmetic3A_399 : i32 to vector<16xi32>
    %shift_right_arithmetic3A_401 = arith.shrsi %get3A_398, %shift_right_arithmetic3A_400 : vector<16xi32>
    %shift_left3A_402 = arith.constant 12 : i32
    %shift_left3A_403 = vector.broadcast %shift_left3A_402 : i32 to vector<16xi32>
    %shift_left3A_404 = arith.shli %shift_right_arithmetic3A_401, %shift_left3A_403 : vector<16xi32>
    %and3A_405 = arith.constant 4095 : i32
    %and3A_406 = vector.broadcast %and3A_405 : i32 to vector<16xi32>
    %and3A_407 = arith.andi %get3A_398, %and3A_406 : vector<16xi32>
    %or3A_408 = arith.ori %shift_left3A_404, %and3A_407 : vector<16xi32>
    %swap3A_409 = arith.constant 1 : i32
    %swap3A_410 = arith.index_cast %swap3A_409 : i32 to index
    %swap3A_411 = arith.constant 32 : index
    %swap3A_412 = tpu.vector_load %arg11[%swap3A_410, %swap3A_411] {strides = array<i32>} : memref<4x128xi32, #tpu.memory_space<vmem>>, vector<1x16xi32>,
    %swap3A_413 = vector.shape_cast %swap3A_412 : vector<1x16xi32> to vector<16xi32>
    %swap3A_414 = vector.shape_cast %or3A_408 : vector<16xi32> to vector<1x16xi32>
    tpu.vector_store %arg11[%swap3A_410, %swap3A_411], %swap3A_414 {strides = array<i32>} : memref<4x128xi32, #tpu.memory_space<vmem>>, vector<1x16xi32>,
    %get3A_415 = arith.constant 176 : index
    %get3A_416 = tpu.vector_load %arg8[%get3A_415] {strides = array<i32>} : memref<512xi32, #tpu.memory_space<vmem>>, vector<16xi32>,
    %get3A_417 = vector.shape_cast %get3A_416 : vector<16xi32> to vector<16xi32>
    %shift_right_arithmetic3A_418 = arith.constant 14 : i32
    %shift_right_arithmetic3A_419 = vector.broadcast %shift_right_arithmetic3A_418 : i32 to vector<16xi32>
    %shift_right_arithmetic3A_420 = arith.shrsi %get3A_417, %shift_right_arithmetic3A_419 : vector<16xi32>
    %shift_left3A_421 = arith.constant 12 : i32
    %shift_left3A_422 = vector.broadcast %shift_left3A_421 : i32 to vector<16xi32>
    %shift_left3A_423 = arith.shli %shift_right_arithmetic3A_420, %shift_left3A_422 : vector<16xi32>
    %and3A_424 = arith.constant 4095 : i32
    %and3A_425 = vector.broadcast %and3A_424 : i32 to vector<16xi32>
    %and3A_426 = arith.andi %get3A_417, %and3A_425 : vector<16xi32>
    %or3A_427 = arith.ori %shift_left3A_423, %and3A_426 : vector<16xi32>
    %swap3A_428 = arith.constant 1 : i32
    %swap3A_429 = arith.index_cast %swap3A_428 : i32 to index
    %swap3A_430 = arith.constant 48 : index
    %swap3A_431 = tpu.vector_load %arg10[%swap3A_429, %swap3A_430] {strides = array<i32>} : memref<4x128xi32, #tpu.memory_space<vmem>>, vector<1x16xi32>,
    %swap3A_432 = vector.shape_cast %swap3A_431 : vector<1x16xi32> to vector<16xi32>
    %swap3A_433 = vector.shape_cast %or3A_427 : vector<16xi32> to vector<1x16xi32>
    tpu.vector_store %arg10[%swap3A_429, %swap3A_430], %swap3A_433 {strides = array<i32>} : memref<4x128xi32, #tpu.memory_space<vmem>>, vector<1x16xi32>,
    %get3A_434 = arith.constant 176 : index
    %get3A_435 = tpu.vector_load %arg9[%get3A_434] {strides = array<i32>} : memref<512xi32, #tpu.memory_space<vmem>>, vector<16xi32>,
    %get3A_436 = vector.shape_cast %get3A_435 : vector<16xi32> to vector<16xi32>
    %shift_right_arithmetic3A_437 = arith.constant 14 : i32
    %shift_right_arithmetic3A_438 = vector.broadcast %shift_right_arithmetic3A_437 : i32 to vector<16xi32>
    %shift_right_arithmetic3A_439 = arith.shrsi %get3A_436, %shift_right_arithmetic3A_438 : vector<16xi32>
    %shift_left3A_440 = arith.constant 12 : i32
    %shift_left3A_441 = vector.broadcast %shift_left3A_440 : i32 to vector<16xi32>
    %shift_left3A_442 = arith.shli %shift_right_arithmetic3A_439, %shift_left3A_441 : vector<16xi32>
    %and3A_443 = arith.constant 4095 : i32
    %and3A_444 = vector.broadcast %and3A_443 : i32 to vector<16xi32>
    %and3A_445 = arith.andi %get3A_436, %and3A_444 : vector<16xi32>
    %or3A_446 = arith.ori %shift_left3A_442, %and3A_445 : vector<16xi32>
    %swap3A_447 = arith.constant 1 : i32
    %swap3A_448 = arith.index_cast %swap3A_447 : i32 to index
    %swap3A_449 = arith.constant 48 : index
    %swap3A_450 = tpu.vector_load %arg11[%swap3A_448, %swap3A_449] {strides = array<i32>} : memref<4x128xi32, #tpu.memory_space<vmem>>, vector<1x16xi32>,
    %swap3A_451 = vector.shape_cast %swap3A_450 : vector<1x16xi32> to vector<16xi32>
    %swap3A_452 = vector.shape_cast %or3A_446 : vector<16xi32> to vector<1x16xi32>
    tpu.vector_store %arg11[%swap3A_448, %swap3A_449], %swap3A_452 {strides = array<i32>} : memref<4x128xi32, #tpu.memory_space<vmem>>, vector<1x16xi32>,
    %get3A_453 = arith.constant 192 : index
    %get3A_454 = tpu.vector_load %arg8[%get3A_453] {strides = array<i32>} : memref<512xi32, #tpu.memory_space<vmem>>, vector<16xi32>,
    %get3A_455 = vector.shape_cast %get3A_454 : vector<16xi32> to vector<16xi32>
    %shift_right_arithmetic3A_456 = arith.constant 14 : i32
    %shift_right_arithmetic3A_457 = vector.broadcast %shift_right_arithmetic3A_456 : i32 to vector<16xi32>
    %shift_right_arithmetic3A_458 = arith.shrsi %get3A_455, %shift_right_arithmetic3A_457 : vector<16xi32>
    %shift_left3A_459 = arith.constant 12 : i32
    %shift_left3A_460 = vector.broadcast %shift_left3A_459 : i32 to vector<16xi32>
    %shift_left3A_461 = arith.shli %shift_right_arithmetic3A_458, %shift_left3A_460 : vector<16xi32>
    %and3A_462 = arith.constant 4095 : i32
    %and3A_463 = vector.broadcast %and3A_462 : i32 to vector<16xi32>
    %and3A_464 = arith.andi %get3A_455, %and3A_463 : vector<16xi32>
    %or3A_465 = arith.ori %shift_left3A_461, %and3A_464 : vector<16xi32>
    %swap3A_466 = arith.constant 1 : i32
    %swap3A_467 = arith.index_cast %swap3A_466 : i32 to index
    %swap3A_468 = arith.constant 64 : index
    %swap3A_469 = tpu.vector_load %arg10[%swap3A_467, %swap3A_468] {strides = array<i32>} : memref<4x128xi32, #tpu.memory_space<vmem>>, vector<1x16xi32>,
    %swap3A_470 = vector.shape_cast %swap3A_469 : vector<1x16xi32> to vector<16xi32>
    %swap3A_471 = vector.shape_cast %or3A_465 : vector<16xi32> to vector<1x16xi32>
    tpu.vector_store %arg10[%swap3A_467, %swap3A_468], %swap3A_471 {strides = array<i32>} : memref<4x128xi32, #tpu.memory_space<vmem>>, vector<1x16xi32>,
    %get3A_472 = arith.constant 192 : index
    %get3A_473 = tpu.vector_load %arg9[%get3A_472] {strides = array<i32>} : memref<512xi32, #tpu.memory_space<vmem>>, vector<16xi32>,
    %get3A_474 = vector.shape_cast %get3A_473 : vector<16xi32> to vector<16xi32>
    %shift_right_arithmetic3A_475 = arith.constant 14 : i32
    %shift_right_arithmetic3A_476 = vector.broadcast %shift_right_arithmetic3A_475 : i32 to vector<16xi32>
    %shift_right_arithmetic3A_477 = arith.shrsi %get3A_474, %shift_right_arithmetic3A_476 : vector<16xi32>
    %shift_left3A_478 = arith.constant 12 : i32
    %shift_left3A_479 = vector.broadcast %shift_left3A_478 : i32 to vector<16xi32>
    %shift_left3A_480 = arith.shli %shift_right_arithmetic3A_477, %shift_left3A_479 : vector<16xi32>
    %and3A_481 = arith.constant 4095 : i32
    %and3A_482 = vector.broadcast %and3A_481 : i32 to vector<16xi32>
    %and3A_483 = arith.andi %get3A_474, %and3A_482 : vector<16xi32>
    %or3A_484 = arith.ori %shift_left3A_480, %and3A_483 : vector<16xi32>
    %swap3A_485 = arith.constant 1 : i32
    %swap3A_486 = arith.index_cast %swap3A_485 : i32 to index
    %swap3A_487 = arith.constant 64 : index
    %swap3A_488 = tpu.vector_load %arg11[%swap3A_486, %swap3A_487] {strides = array<i32>} : memref<4x128xi32, #tpu.memory_space<vmem>>, vector<1x16xi32>,
    %swap3A_489 = vector.shape_cast %swap3A_488 : vector<1x16xi32> to vector<16xi32>
    %swap3A_490 = vector.shape_cast %or3A_484 : vector<16xi32> to vector<1x16xi32>
    tpu.vector_store %arg11[%swap3A_486, %swap3A_487], %swap3A_490 {strides = array<i32>} : memref<4x128xi32, #tpu.memory_space<vmem>>, vector<1x16xi32>,
    %get3A_491 = arith.constant 208 : index
    %get3A_492 = tpu.vector_load %arg8[%get3A_491] {strides = array<i32>} : memref<512xi32, #tpu.memory_space<vmem>>, vector<16xi32>,
    %get3A_493 = vector.shape_cast %get3A_492 : vector<16xi32> to vector<16xi32>
    %shift_right_arithmetic3A_494 = arith.constant 14 : i32
    %shift_right_arithmetic3A_495 = vector.broadcast %shift_right_arithmetic3A_494 : i32 to vector<16xi32>
    %shift_right_arithmetic3A_496 = arith.shrsi %get3A_493, %shift_right_arithmetic3A_495 : vector<16xi32>
    %shift_left3A_497 = arith.constant 12 : i32
    %shift_left3A_498 = vector.broadcast %shift_left3A_497 : i32 to vector<16xi32>
    %shift_left3A_499 = arith.shli %shift_right_arithmetic3A_496, %shift_left3A_498 : vector<16xi32>
    %and3A_500 = arith.constant 4095 : i32
    %and3A_501 = vector.broadcast %and3A_500 : i32 to vector<16xi32>
    %and3A_502 = arith.andi %get3A_493, %and3A_501 : vector<16xi32>
    %or3A_503 = arith.ori %shift_left3A_499, %and3A_502 : vector<16xi32>
    %swap3A_504 = arith.constant 1 : i32
    %swap3A_505 = arith.index_cast %swap3A_504 : i32 to index
    %swap3A_506 = arith.constant 80 : index
    %swap3A_507 = tpu.vector_load %arg10[%swap3A_505, %swap3A_506] {strides = array<i32>} : memref<4x128xi32, #tpu.memory_space<vmem>>, vector<1x16xi32>,
    %swap3A_508 = vector.shape_cast %swap3A_507 : vector<1x16xi32> to vector<16xi32>
    %swap3A_509 = vector.shape_cast %or3A_503 : vector<16xi32> to vector<1x16xi32>
    tpu.vector_store %arg10[%swap3A_505, %swap3A_506], %swap3A_509 {strides = array<i32>} : memref<4x128xi32, #tpu.memory_space<vmem>>, vector<1x16xi32>,
    %get3A_510 = arith.constant 208 : index
    %get3A_511 = tpu.vector_load %arg9[%get3A_510] {strides = array<i32>} : memref<512xi32, #tpu.memory_space<vmem>>, vector<16xi32>,
    %get3A_512 = vector.shape_cast %get3A_511 : vector<16xi32> to vector<16xi32>
    %shift_right_arithmetic3A_513 = arith.constant 14 : i32
    %shift_right_arithmetic3A_514 = vector.broadcast %shift_right_arithmetic3A_513 : i32 to vector<16xi32>
    %shift_right_arithmetic3A_515 = arith.shrsi %get3A_512, %shift_right_arithmetic3A_514 : vector<16xi32>
    %shift_left3A_516 = arith.constant 12 : i32
    %shift_left3A_517 = vector.broadcast %shift_left3A_516 : i32 to vector<16xi32>
    %shift_left3A_518 = arith.shli %shift_right_arithmetic3A_515, %shift_left3A_517 : vector<16xi32>
    %and3A_519 = arith.constant 4095 : i32
    %and3A_520 = vector.broadcast %and3A_519 : i32 to vector<16xi32>
    %and3A_521 = arith.andi %get3A_512, %and3A_520 : vector<16xi32>
    %or3A_522 = arith.ori %shift_left3A_518, %and3A_521 : vector<16xi32>
    %swap3A_523 = arith.constant 1 : i32
    %swap3A_524 = arith.index_cast %swap3A_523 : i32 to index
    %swap3A_525 = arith.constant 80 : index
    %swap3A_526 = tpu.vector_load %arg11[%swap3A_524, %swap3A_525] {strides = array<i32>} : memref<4x128xi32, #tpu.memory_space<vmem>>, vector<1x16xi32>,
    %swap3A_527 = vector.shape_cast %swap3A_526 : vector<1x16xi32> to vector<16xi32>
    %swap3A_528 = vector.shape_cast %or3A_522 : vector<16xi32> to vector<1x16xi32>
    tpu.vector_store %arg11[%swap3A_524, %swap3A_525], %swap3A_528 {strides = array<i32>} : memref<4x128xi32, #tpu.memory_space<vmem>>, vector<1x16xi32>,
    %get3A_529 = arith.constant 224 : index
    %get3A_530 = tpu.vector_load %arg8[%get3A_529] {strides = array<i32>} : memref<512xi32, #tpu.memory_space<vmem>>, vector<16xi32>,
    %get3A_531 = vector.shape_cast %get3A_530 : vector<16xi32> to vector<16xi32>
    %shift_right_arithmetic3A_532 = arith.constant 14 : i32
    %shift_right_arithmetic3A_533 = vector.broadcast %shift_right_arithmetic3A_532 : i32 to vector<16xi32>
    %shift_right_arithmetic3A_534 = arith.shrsi %get3A_531, %shift_right_arithmetic3A_533 : vector<16xi32>
    %shift_left3A_535 = arith.constant 12 : i32
    %shift_left3A_536 = vector.broadcast %shift_left3A_535 : i32 to vector<16xi32>
    %shift_left3A_537 = arith.shli %shift_right_arithmetic3A_534, %shift_left3A_536 : vector<16xi32>
    %and3A_538 = arith.constant 4095 : i32
    %and3A_539 = vector.broadcast %and3A_538 : i32 to vector<16xi32>
    %and3A_540 = arith.andi %get3A_531, %and3A_539 : vector<16xi32>
    %or3A_541 = arith.ori %shift_left3A_537, %and3A_540 : vector<16xi32>
    %swap3A_542 = arith.constant 1 : i32
    %swap3A_543 = arith.index_cast %swap3A_542 : i32 to index
    %swap3A_544 = arith.constant 96 : index
    %swap3A_545 = tpu.vector_load %arg10[%swap3A_543, %swap3A_544] {strides = array<i32>} : memref<4x128xi32, #tpu.memory_space<vmem>>, vector<1x16xi32>,
    %swap3A_546 = vector.shape_cast %swap3A_545 : vector<1x16xi32> to vector<16xi32>
    %swap3A_547 = vector.shape_cast %or3A_541 : vector<16xi32> to vector<1x16xi32>
    tpu.vector_store %arg10[%swap3A_543, %swap3A_544], %swap3A_547 {strides = array<i32>} : memref<4x128xi32, #tpu.memory_space<vmem>>, vector<1x16xi32>,
    %get3A_548 = arith.constant 224 : index
    %get3A_549 = tpu.vector_load %arg9[%get3A_548] {strides = array<i32>} : memref<512xi32, #tpu.memory_space<vmem>>, vector<16xi32>,
    %get3A_550 = vector.shape_cast %get3A_549 : vector<16xi32> to vector<16xi32>
    %shift_right_arithmetic3A_551 = arith.constant 14 : i32
    %shift_right_arithmetic3A_552 = vector.broadcast %shift_right_arithmetic3A_551 : i32 to vector<16xi32>
    %shift_right_arithmetic3A_553 = arith.shrsi %get3A_550, %shift_right_arithmetic3A_552 : vector<16xi32>
    %shift_left3A_554 = arith.constant 12 : i32
    %shift_left3A_555 = vector.broadcast %shift_left3A_554 : i32 to vector<16xi32>
    %shift_left3A_556 = arith.shli %shift_right_arithmetic3A_553, %shift_left3A_555 : vector<16xi32>
    %and3A_557 = arith.constant 4095 : i32
    %and3A_558 = vector.broadcast %and3A_557 : i32 to vector<16xi32>
    %and3A_559 = arith.andi %get3A_550, %and3A_558 : vector<16xi32>
    %or3A_560 = arith.ori %shift_left3A_556, %and3A_559 : vector<16xi32>
    %swap3A_561 = arith.constant 1 : i32
    %swap3A_562 = arith.index_cast %swap3A_561 : i32 to index
    %swap3A_563 = arith.constant 96 : index
    %swap3A_564 = tpu.vector_load %arg11[%swap3A_562, %swap3A_563] {strides = array<i32>} : memref<4x128xi32, #tpu.memory_space<vmem>>, vector<1x16xi32>,
    %swap3A_565 = vector.shape_cast %swap3A_564 : vector<1x16xi32> to vector<16xi32>
    %swap3A_566 = vector.shape_cast %or3A_560 : vector<16xi32> to vector<1x16xi32>
    tpu.vector_store %arg11[%swap3A_562, %swap3A_563], %swap3A_566 {strides = array<i32>} : memref<4x128xi32, #tpu.memory_space<vmem>>, vector<1x16xi32>,
    %get3A_567 = arith.constant 240 : index
    %get3A_568 = tpu.vector_load %arg8[%get3A_567] {strides = array<i32>} : memref<512xi32, #tpu.memory_space<vmem>>, vector<16xi32>,
    %get3A_569 = vector.shape_cast %get3A_568 : vector<16xi32> to vector<16xi32>
    %shift_right_arithmetic3A_570 = arith.constant 14 : i32
    %shift_right_arithmetic3A_571 = vector.broadcast %shift_right_arithmetic3A_570 : i32 to vector<16xi32>
    %shift_right_arithmetic3A_572 = arith.shrsi %get3A_569, %shift_right_arithmetic3A_571 : vector<16xi32>
    %shift_left3A_573 = arith.constant 12 : i32
    %shift_left3A_574 = vector.broadcast %shift_left3A_573 : i32 to vector<16xi32>
    %shift_left3A_575 = arith.shli %shift_right_arithmetic3A_572, %shift_left3A_574 : vector<16xi32>
    %and3A_576 = arith.constant 4095 : i32
    %and3A_577 = vector.broadcast %and3A_576 : i32 to vector<16xi32>
    %and3A_578 = arith.andi %get3A_569, %and3A_577 : vector<16xi32>
    %or3A_579 = arith.ori %shift_left3A_575, %and3A_578 : vector<16xi32>
    %swap3A_580 = arith.constant 1 : i32
    %swap3A_581 = arith.index_cast %swap3A_580 : i32 to index
    %swap3A_582 = arith.constant 112 : index
    %swap3A_583 = tpu.vector_load %arg10[%swap3A_581, %swap3A_582] {strides = array<i32>} : memref<4x128xi32, #tpu.memory_space<vmem>>, vector<1x16xi32>,
    %swap3A_584 = vector.shape_cast %swap3A_583 : vector<1x16xi32> to vector<16xi32>
    %swap3A_585 = vector.shape_cast %or3A_579 : vector<16xi32> to vector<1x16xi32>
    tpu.vector_store %arg10[%swap3A_581, %swap3A_582], %swap3A_585 {strides = array<i32>} : memref<4x128xi32, #tpu.memory_space<vmem>>, vector<1x16xi32>,
    %get3A_586 = arith.constant 240 : index
    %get3A_587 = tpu.vector_load %arg9[%get3A_586] {strides = array<i32>} : memref<512xi32, #tpu.memory_space<vmem>>, vector<16xi32>,
    %get3A_588 = vector.shape_cast %get3A_587 : vector<16xi32> to vector<16xi32>
    %shift_right_arithmetic3A_589 = arith.constant 14 : i32
    %shift_right_arithmetic3A_590 = vector.broadcast %shift_right_arithmetic3A_589 : i32 to vector<16xi32>
    %shift_right_arithmetic3A_591 = arith.shrsi %get3A_588, %shift_right_arithmetic3A_590 : vector<16xi32>
    %shift_left3A_592 = arith.constant 12 : i32
    %shift_left3A_593 = vector.broadcast %shift_left3A_592 : i32 to vector<16xi32>
    %shift_left3A_594 = arith.shli %shift_right_arithmetic3A_591, %shift_left3A_593 : vector<16xi32>
    %and3A_595 = arith.constant 4095 : i32
    %and3A_596 = vector.broadcast %and3A_595 : i32 to vector<16xi32>
    %and3A_597 = arith.andi %get3A_588, %and3A_596 : vector<16xi32>
    %or3A_598 = arith.ori %shift_left3A_594, %and3A_597 : vector<16xi32>
    %swap3A_599 = arith.constant 1 : i32
    %swap3A_600 = arith.index_cast %swap3A_599 : i32 to index
    %swap3A_601 = arith.constant 112 : index
    %swap3A_602 = tpu.vector_load %arg11[%swap3A_600, %swap3A_601] {strides = array<i32>} : memref<4x128xi32, #tpu.memory_space<vmem>>, vector<1x16xi32>,
    %swap3A_603 = vector.shape_cast %swap3A_602 : vector<1x16xi32> to vector<16xi32>
    %swap3A_604 = vector.shape_cast %or3A_598 : vector<16xi32> to vector<1x16xi32>
    tpu.vector_store %arg11[%swap3A_600, %swap3A_601], %swap3A_604 {strides = array<i32>} : memref<4x128xi32, #tpu.memory_space<vmem>>, vector<1x16xi32>,
    %get3A_605 = arith.constant 256 : index
    %get3A_606 = tpu.vector_load %arg8[%get3A_605] {strides = array<i32>} : memref<512xi32, #tpu.memory_space<vmem>>, vector<16xi32>,
    %get3A_607 = vector.shape_cast %get3A_606 : vector<16xi32> to vector<16xi32>
    %shift_right_arithmetic3A_608 = arith.constant 14 : i32
    %shift_right_arithmetic3A_609 = vector.broadcast %shift_right_arithmetic3A_608 : i32 to vector<16xi32>
    %shift_right_arithmetic3A_610 = arith.shrsi %get3A_607, %shift_right_arithmetic3A_609 : vector<16xi32>
    %shift_left3A_611 = arith.constant 12 : i32
    %shift_left3A_612 = vector.broadcast %shift_left3A_611 : i32 to vector<16xi32>
    %shift_left3A_613 = arith.shli %shift_right_arithmetic3A_610, %shift_left3A_612 : vector<16xi32>
    %and3A_614 = arith.constant 4095 : i32
    %and3A_615 = vector.broadcast %and3A_614 : i32 to vector<16xi32>
    %and3A_616 = arith.andi %get3A_607, %and3A_615 : vector<16xi32>
    %or3A_617 = arith.ori %shift_left3A_613, %and3A_616 : vector<16xi32>
    %swap3A_618 = arith.constant 2 : i32
    %swap3A_619 = arith.index_cast %swap3A_618 : i32 to index
    %swap3A_620 = arith.constant 0 : index
    %swap3A_621 = tpu.vector_load %arg10[%swap3A_619, %swap3A_620] {strides = array<i32>} : memref<4x128xi32, #tpu.memory_space<vmem>>, vector<1x16xi32>,
    %swap3A_622 = vector.shape_cast %swap3A_621 : vector<1x16xi32> to vector<16xi32>
    %swap3A_623 = vector.shape_cast %or3A_617 : vector<16xi32> to vector<1x16xi32>
    tpu.vector_store %arg10[%swap3A_619, %swap3A_620], %swap3A_623 {strides = array<i32>} : memref<4x128xi32, #tpu.memory_space<vmem>>, vector<1x16xi32>,
    %get3A_624 = arith.constant 256 : index
    %get3A_625 = tpu.vector_load %arg9[%get3A_624] {strides = array<i32>} : memref<512xi32, #tpu.memory_space<vmem>>, vector<16xi32>,
    %get3A_626 = vector.shape_cast %get3A_625 : vector<16xi32> to vector<16xi32>
    %shift_right_arithmetic3A_627 = arith.constant 14 : i32
    %shift_right_arithmetic3A_628 = vector.broadcast %shift_right_arithmetic3A_627 : i32 to vector<16xi32>
    %shift_right_arithmetic3A_629 = arith.shrsi %get3A_626, %shift_right_arithmetic3A_628 : vector<16xi32>
    %shift_left3A_630 = arith.constant 12 : i32
    %shift_left3A_631 = vector.broadcast %shift_left3A_630 : i32 to vector<16xi32>
    %shift_left3A_632 = arith.shli %shift_right_arithmetic3A_629, %shift_left3A_631 : vector<16xi32>
    %and3A_633 = arith.constant 4095 : i32
    %and3A_634 = vector.broadcast %and3A_633 : i32 to vector<16xi32>
    %and3A_635 = arith.andi %get3A_626, %and3A_634 : vector<16xi32>
    %or3A_636 = arith.ori %shift_left3A_632, %and3A_635 : vector<16xi32>
    %swap3A_637 = arith.constant 2 : i32
    %swap3A_638 = arith.index_cast %swap3A_637 : i32 to index
    %swap3A_639 = arith.constant 0 : index
    %swap3A_640 = tpu.vector_load %arg11[%swap3A_638, %swap3A_639] {strides = array<i32>} : memref<4x128xi32, #tpu.memory_space<vmem>>, vector<1x16xi32>,
    %swap3A_641 = vector.shape_cast %swap3A_640 : vector<1x16xi32> to vector<16xi32>
    %swap3A_642 = vector.shape_cast %or3A_636 : vector<16xi32> to vector<1x16xi32>
    tpu.vector_store %arg11[%swap3A_638, %swap3A_639], %swap3A_642 {strides = array<i32>} : memref<4x128xi32, #tpu.memory_space<vmem>>, vector<1x16xi32>,
    %get3A_643 = arith.constant 272 : index
    %get3A_644 = tpu.vector_load %arg8[%get3A_643] {strides = array<i32>} : memref<512xi32, #tpu.memory_space<vmem>>, vector<16xi32>,
    %get3A_645 = vector.shape_cast %get3A_644 : vector<16xi32> to vector<16xi32>
    %shift_right_arithmetic3A_646 = arith.constant 14 : i32
    %shift_right_arithmetic3A_647 = vector.broadcast %shift_right_arithmetic3A_646 : i32 to vector<16xi32>
    %shift_right_arithmetic3A_648 = arith.shrsi %get3A_645, %shift_right_arithmetic3A_647 : vector<16xi32>
    %shift_left3A_649 = arith.constant 12 : i32
    %shift_left3A_650 = vector.broadcast %shift_left3A_649 : i32 to vector<16xi32>
    %shift_left3A_651 = arith.shli %shift_right_arithmetic3A_648, %shift_left3A_650 : vector<16xi32>
    %and3A_652 = arith.constant 4095 : i32
    %and3A_653 = vector.broadcast %and3A_652 : i32 to vector<16xi32>
    %and3A_654 = arith.andi %get3A_645, %and3A_653 : vector<16xi32>
    %or3A_655 = arith.ori %shift_left3A_651, %and3A_654 : vector<16xi32>
    %swap3A_656 = arith.constant 2 : i32
    %swap3A_657 = arith.index_cast %swap3A_656 : i32 to index
    %swap3A_658 = arith.constant 16 : index
    %swap3A_659 = tpu.vector_load %arg10[%swap3A_657, %swap3A_658] {strides = array<i32>} : memref<4x128xi32, #tpu.memory_space<vmem>>, vector<1x16xi32>,
    %swap3A_660 = vector.shape_cast %swap3A_659 : vector<1x16xi32> to vector<16xi32>
    %swap3A_661 = vector.shape_cast %or3A_655 : vector<16xi32> to vector<1x16xi32>
    tpu.vector_store %arg10[%swap3A_657, %swap3A_658], %swap3A_661 {strides = array<i32>} : memref<4x128xi32, #tpu.memory_space<vmem>>, vector<1x16xi32>,
    %get3A_662 = arith.constant 272 : index
    %get3A_663 = tpu.vector_load %arg9[%get3A_662] {strides = array<i32>} : memref<512xi32, #tpu.memory_space<vmem>>, vector<16xi32>,
    %get3A_664 = vector.shape_cast %get3A_663 : vector<16xi32> to vector<16xi32>
    %shift_right_arithmetic3A_665 = arith.constant 14 : i32
    %shift_right_arithmetic3A_666 = vector.broadcast %shift_right_arithmetic3A_665 : i32 to vector<16xi32>
    %shift_right_arithmetic3A_667 = arith.shrsi %get3A_664, %shift_right_arithmetic3A_666 : vector<16xi32>
    %shift_left3A_668 = arith.constant 12 : i32
    %shift_left3A_669 = vector.broadcast %shift_left3A_668 : i32 to vector<16xi32>
    %shift_left3A_670 = arith.shli %shift_right_arithmetic3A_667, %shift_left3A_669 : vector<16xi32>
    %and3A_671 = arith.constant 4095 : i32
    %and3A_672 = vector.broadcast %and3A_671 : i32 to vector<16xi32>
    %and3A_673 = arith.andi %get3A_664, %and3A_672 : vector<16xi32>
    %or3A_674 = arith.ori %shift_left3A_670, %and3A_673 : vector<16xi32>
    %swap3A_675 = arith.constant 2 : i32
    %swap3A_676 = arith.index_cast %swap3A_675 : i32 to index
    %swap3A_677 = arith.constant 16 : index
    %swap3A_678 = tpu.vector_load %arg11[%swap3A_676, %swap3A_677] {strides = array<i32>} : memref<4x128xi32, #tpu.memory_space<vmem>>, vector<1x16xi32>,
    %swap3A_679 = vector.shape_cast %swap3A_678 : vector<1x16xi32> to vector<16xi32>
    %swap3A_680 = vector.shape_cast %or3A_674 : vector<16xi32> to vector<1x16xi32>
    tpu.vector_store %arg11[%swap3A_676, %swap3A_677], %swap3A_680 {strides = array<i32>} : memref<4x128xi32, #tpu.memory_space<vmem>>, vector<1x16xi32>,
    %get3A_681 = arith.constant 288 : index
    %get3A_682 = tpu.vector_load %arg8[%get3A_681] {strides = array<i32>} : memref<512xi32, #tpu.memory_space<vmem>>, vector<16xi32>,
    %get3A_683 = vector.shape_cast %get3A_682 : vector<16xi32> to vector<16xi32>
    %shift_right_arithmetic3A_684 = arith.constant 14 : i32
    %shift_right_arithmetic3A_685 = vector.broadcast %shift_right_arithmetic3A_684 : i32 to vector<16xi32>
    %shift_right_arithmetic3A_686 = arith.shrsi %get3A_683, %shift_right_arithmetic3A_685 : vector<16xi32>
    %shift_left3A_687 = arith.constant 12 : i32
    %shift_left3A_688 = vector.broadcast %shift_left3A_687 : i32 to vector<16xi32>
    %shift_left3A_689 = arith.shli %shift_right_arithmetic3A_686, %shift_left3A_688 : vector<16xi32>
    %and3A_690 = arith.constant 4095 : i32
    %and3A_691 = vector.broadcast %and3A_690 : i32 to vector<16xi32>
    %and3A_692 = arith.andi %get3A_683, %and3A_691 : vector<16xi32>
    %or3A_693 = arith.ori %shift_left3A_689, %and3A_692 : vector<16xi32>
    %swap3A_694 = arith.constant 2 : i32
    %swap3A_695 = arith.index_cast %swap3A_694 : i32 to index
    %swap3A_696 = arith.constant 32 : index
    %swap3A_697 = tpu.vector_load %arg10[%swap3A_695, %swap3A_696] {strides = array<i32>} : memref<4x128xi32, #tpu.memory_space<vmem>>, vector<1x16xi32>,
    %swap3A_698 = vector.shape_cast %swap3A_697 : vector<1x16xi32> to vector<16xi32>
    %swap3A_699 = vector.shape_cast %or3A_693 : vector<16xi32> to vector<1x16xi32>
    tpu.vector_store %arg10[%swap3A_695, %swap3A_696], %swap3A_699 {strides = array<i32>} : memref<4x128xi32, #tpu.memory_space<vmem>>, vector<1x16xi32>,
    %get3A_700 = arith.constant 288 : index
    %get3A_701 = tpu.vector_load %arg9[%get3A_700] {strides = array<i32>} : memref<512xi32, #tpu.memory_space<vmem>>, vector<16xi32>,
    %get3A_702 = vector.shape_cast %get3A_701 : vector<16xi32> to vector<16xi32>
    %shift_right_arithmetic3A_703 = arith.constant 14 : i32
    %shift_right_arithmetic3A_704 = vector.broadcast %shift_right_arithmetic3A_703 : i32 to vector<16xi32>
    %shift_right_arithmetic3A_705 = arith.shrsi %get3A_702, %shift_right_arithmetic3A_704 : vector<16xi32>
    %shift_left3A_706 = arith.constant 12 : i32
    %shift_left3A_707 = vector.broadcast %shift_left3A_706 : i32 to vector<16xi32>
    %shift_left3A_708 = arith.shli %shift_right_arithmetic3A_705, %shift_left3A_707 : vector<16xi32>
    %and3A_709 = arith.constant 4095 : i32
    %and3A_710 = vector.broadcast %and3A_709 : i32 to vector<16xi32>
    %and3A_711 = arith.andi %get3A_702, %and3A_710 : vector<16xi32>
    %or3A_712 = arith.ori %shift_left3A_708, %and3A_711 : vector<16xi32>
    %swap3A_713 = arith.constant 2 : i32
    %swap3A_714 = arith.index_cast %swap3A_713 : i32 to index
    %swap3A_715 = arith.constant 32 : index
    %swap3A_716 = tpu.vector_load %arg11[%swap3A_714, %swap3A_715] {strides = array<i32>} : memref<4x128xi32, #tpu.memory_space<vmem>>, vector<1x16xi32>,
    %swap3A_717 = vector.shape_cast %swap3A_716 : vector<1x16xi32> to vector<16xi32>
    %swap3A_718 = vector.shape_cast %or3A_712 : vector<16xi32> to vector<1x16xi32>
    tpu.vector_store %arg11[%swap3A_714, %swap3A_715], %swap3A_718 {strides = array<i32>} : memref<4x128xi32, #tpu.memory_space<vmem>>, vector<1x16xi32>,
    %get3A_719 = arith.constant 304 : index
    %get3A_720 = tpu.vector_load %arg8[%get3A_719] {strides = array<i32>} : memref<512xi32, #tpu.memory_space<vmem>>, vector<16xi32>,
    %get3A_721 = vector.shape_cast %get3A_720 : vector<16xi32> to vector<16xi32>
    %shift_right_arithmetic3A_722 = arith.constant 14 : i32
    %shift_right_arithmetic3A_723 = vector.broadcast %shift_right_arithmetic3A_722 : i32 to vector<16xi32>
    %shift_right_arithmetic3A_724 = arith.shrsi %get3A_721, %shift_right_arithmetic3A_723 : vector<16xi32>
    %shift_left3A_725 = arith.constant 12 : i32
    %shift_left3A_726 = vector.broadcast %shift_left3A_725 : i32 to vector<16xi32>
    %shift_left3A_727 = arith.shli %shift_right_arithmetic3A_724, %shift_left3A_726 : vector<16xi32>
    %and3A_728 = arith.constant 4095 : i32
    %and3A_729 = vector.broadcast %and3A_728 : i32 to vector<16xi32>
    %and3A_730 = arith.andi %get3A_721, %and3A_729 : vector<16xi32>
    %or3A_731 = arith.ori %shift_left3A_727, %and3A_730 : vector<16xi32>
    %swap3A_732 = arith.constant 2 : i32
    %swap3A_733 = arith.index_cast %swap3A_732 : i32 to index
    %swap3A_734 = arith.constant 48 : index
    %swap3A_735 = tpu.vector_load %arg10[%swap3A_733, %swap3A_734] {strides = array<i32>} : memref<4x128xi32, #tpu.memory_space<vmem>>, vector<1x16xi32>,
    %swap3A_736 = vector.shape_cast %swap3A_735 : vector<1x16xi32> to vector<16xi32>
    %swap3A_737 = vector.shape_cast %or3A_731 : vector<16xi32> to vector<1x16xi32>
    tpu.vector_store %arg10[%swap3A_733, %swap3A_734], %swap3A_737 {strides = array<i32>} : memref<4x128xi32, #tpu.memory_space<vmem>>, vector<1x16xi32>,
    %get3A_738 = arith.constant 304 : index
    %get3A_739 = tpu.vector_load %arg9[%get3A_738] {strides = array<i32>} : memref<512xi32, #tpu.memory_space<vmem>>, vector<16xi32>,
    %get3A_740 = vector.shape_cast %get3A_739 : vector<16xi32> to vector<16xi32>
    %shift_right_arithmetic3A_741 = arith.constant 14 : i32
    %shift_right_arithmetic3A_742 = vector.broadcast %shift_right_arithmetic3A_741 : i32 to vector<16xi32>
    %shift_right_arithmetic3A_743 = arith.shrsi %get3A_740, %shift_right_arithmetic3A_742 : vector<16xi32>
    %shift_left3A_744 = arith.constant 12 : i32
    %shift_left3A_745 = vector.broadcast %shift_left3A_744 : i32 to vector<16xi32>
    %shift_left3A_746 = arith.shli %shift_right_arithmetic3A_743, %shift_left3A_745 : vector<16xi32>
    %and3A_747 = arith.constant 4095 : i32
    %and3A_748 = vector.broadcast %and3A_747 : i32 to vector<16xi32>
    %and3A_749 = arith.andi %get3A_740, %and3A_748 : vector<16xi32>
    %or3A_750 = arith.ori %shift_left3A_746, %and3A_749 : vector<16xi32>
    %swap3A_751 = arith.constant 2 : i32
    %swap3A_752 = arith.index_cast %swap3A_751 : i32 to index
    %swap3A_753 = arith.constant 48 : index
    %swap3A_754 = tpu.vector_load %arg11[%swap3A_752, %swap3A_753] {strides = array<i32>} : memref<4x128xi32, #tpu.memory_space<vmem>>, vector<1x16xi32>,
    %swap3A_755 = vector.shape_cast %swap3A_754 : vector<1x16xi32> to vector<16xi32>
    %swap3A_756 = vector.shape_cast %or3A_750 : vector<16xi32> to vector<1x16xi32>
    tpu.vector_store %arg11[%swap3A_752, %swap3A_753], %swap3A_756 {strides = array<i32>} : memref<4x128xi32, #tpu.memory_space<vmem>>, vector<1x16xi32>,
    %get3A_757 = arith.constant 320 : index
    %get3A_758 = tpu.vector_load %arg8[%get3A_757] {strides = array<i32>} : memref<512xi32, #tpu.memory_space<vmem>>, vector<16xi32>,
    %get3A_759 = vector.shape_cast %get3A_758 : vector<16xi32> to vector<16xi32>
    %shift_right_arithmetic3A_760 = arith.constant 14 : i32
    %shift_right_arithmetic3A_761 = vector.broadcast %shift_right_arithmetic3A_760 : i32 to vector<16xi32>
    %shift_right_arithmetic3A_762 = arith.shrsi %get3A_759, %shift_right_arithmetic3A_761 : vector<16xi32>
    %shift_left3A_763 = arith.constant 12 : i32
    %shift_left3A_764 = vector.broadcast %shift_left3A_763 : i32 to vector<16xi32>
    %shift_left3A_765 = arith.shli %shift_right_arithmetic3A_762, %shift_left3A_764 : vector<16xi32>
    %and3A_766 = arith.constant 4095 : i32
    %and3A_767 = vector.broadcast %and3A_766 : i32 to vector<16xi32>
    %and3A_768 = arith.andi %get3A_759, %and3A_767 : vector<16xi32>
    %or3A_769 = arith.ori %shift_left3A_765, %and3A_768 : vector<16xi32>
    %swap3A_770 = arith.constant 2 : i32
    %swap3A_771 = arith.index_cast %swap3A_770 : i32 to index
    %swap3A_772 = arith.constant 64 : index
    %swap3A_773 = tpu.vector_load %arg10[%swap3A_771, %swap3A_772] {strides = array<i32>} : memref<4x128xi32, #tpu.memory_space<vmem>>, vector<1x16xi32>,
    %swap3A_774 = vector.shape_cast %swap3A_773 : vector<1x16xi32> to vector<16xi32>
    %swap3A_775 = vector.shape_cast %or3A_769 : vector<16xi32> to vector<1x16xi32>
    tpu.vector_store %arg10[%swap3A_771, %swap3A_772], %swap3A_775 {strides = array<i32>} : memref<4x128xi32, #tpu.memory_space<vmem>>, vector<1x16xi32>,
    %get3A_776 = arith.constant 320 : index
    %get3A_777 = tpu.vector_load %arg9[%get3A_776] {strides = array<i32>} : memref<512xi32, #tpu.memory_space<vmem>>, vector<16xi32>,
    %get3A_778 = vector.shape_cast %get3A_777 : vector<16xi32> to vector<16xi32>
    %shift_right_arithmetic3A_779 = arith.constant 14 : i32
    %shift_right_arithmetic3A_780 = vector.broadcast %shift_right_arithmetic3A_779 : i32 to vector<16xi32>
    %shift_right_arithmetic3A_781 = arith.shrsi %get3A_778, %shift_right_arithmetic3A_780 : vector<16xi32>
    %shift_left3A_782 = arith.constant 12 : i32
    %shift_left3A_783 = vector.broadcast %shift_left3A_782 : i32 to vector<16xi32>
    %shift_left3A_784 = arith.shli %shift_right_arithmetic3A_781, %shift_left3A_783 : vector<16xi32>
    %and3A_785 = arith.constant 4095 : i32
    %and3A_786 = vector.broadcast %and3A_785 : i32 to vector<16xi32>
    %and3A_787 = arith.andi %get3A_778, %and3A_786 : vector<16xi32>
    %or3A_788 = arith.ori %shift_left3A_784, %and3A_787 : vector<16xi32>
    %swap3A_789 = arith.constant 2 : i32
    %swap3A_790 = arith.index_cast %swap3A_789 : i32 to index
    %swap3A_791 = arith.constant 64 : index
    %swap3A_792 = tpu.vector_load %arg11[%swap3A_790, %swap3A_791] {strides = array<i32>} : memref<4x128xi32, #tpu.memory_space<vmem>>, vector<1x16xi32>,
    %swap3A_793 = vector.shape_cast %swap3A_792 : vector<1x16xi32> to vector<16xi32>
    %swap3A_794 = vector.shape_cast %or3A_788 : vector<16xi32> to vector<1x16xi32>
    tpu.vector_store %arg11[%swap3A_790, %swap3A_791], %swap3A_794 {strides = array<i32>} : memref<4x128xi32, #tpu.memory_space<vmem>>, vector<1x16xi32>,
    %get3A_795 = arith.constant 336 : index
    %get3A_796 = tpu.vector_load %arg8[%get3A_795] {strides = array<i32>} : memref<512xi32, #tpu.memory_space<vmem>>, vector<16xi32>,
    %get3A_797 = vector.shape_cast %get3A_796 : vector<16xi32> to vector<16xi32>
    %shift_right_arithmetic3A_798 = arith.constant 14 : i32
    %shift_right_arithmetic3A_799 = vector.broadcast %shift_right_arithmetic3A_798 : i32 to vector<16xi32>
    %shift_right_arithmetic3A_800 = arith.shrsi %get3A_797, %shift_right_arithmetic3A_799 : vector<16xi32>
    %shift_left3A_801 = arith.constant 12 : i32
    %shift_left3A_802 = vector.broadcast %shift_left3A_801 : i32 to vector<16xi32>
    %shift_left3A_803 = arith.shli %shift_right_arithmetic3A_800, %shift_left3A_802 : vector<16xi32>
    %and3A_804 = arith.constant 4095 : i32
    %and3A_805 = vector.broadcast %and3A_804 : i32 to vector<16xi32>
    %and3A_806 = arith.andi %get3A_797, %and3A_805 : vector<16xi32>
    %or3A_807 = arith.ori %shift_left3A_803, %and3A_806 : vector<16xi32>
    %swap3A_808 = arith.constant 2 : i32
    %swap3A_809 = arith.index_cast %swap3A_808 : i32 to index
    %swap3A_810 = arith.constant 80 : index
    %swap3A_811 = tpu.vector_load %arg10[%swap3A_809, %swap3A_810] {strides = array<i32>} : memref<4x128xi32, #tpu.memory_space<vmem>>, vector<1x16xi32>,
    %swap3A_812 = vector.shape_cast %swap3A_811 : vector<1x16xi32> to vector<16xi32>
    %swap3A_813 = vector.shape_cast %or3A_807 : vector<16xi32> to vector<1x16xi32>
    tpu.vector_store %arg10[%swap3A_809, %swap3A_810], %swap3A_813 {strides = array<i32>} : memref<4x128xi32, #tpu.memory_space<vmem>>, vector<1x16xi32>,
    %get3A_814 = arith.constant 336 : index
    %get3A_815 = tpu.vector_load %arg9[%get3A_814] {strides = array<i32>} : memref<512xi32, #tpu.memory_space<vmem>>, vector<16xi32>,
    %get3A_816 = vector.shape_cast %get3A_815 : vector<16xi32> to vector<16xi32>
    %shift_right_arithmetic3A_817 = arith.constant 14 : i32
    %shift_right_arithmetic3A_818 = vector.broadcast %shift_right_arithmetic3A_817 : i32 to vector<16xi32>
    %shift_right_arithmetic3A_819 = arith.shrsi %get3A_816, %shift_right_arithmetic3A_818 : vector<16xi32>
    %shift_left3A_820 = arith.constant 12 : i32
    %shift_left3A_821 = vector.broadcast %shift_left3A_820 : i32 to vector<16xi32>
    %shift_left3A_822 = arith.shli %shift_right_arithmetic3A_819, %shift_left3A_821 : vector<16xi32>
    %and3A_823 = arith.constant 4095 : i32
    %and3A_824 = vector.broadcast %and3A_823 : i32 to vector<16xi32>
    %and3A_825 = arith.andi %get3A_816, %and3A_824 : vector<16xi32>
    %or3A_826 = arith.ori %shift_left3A_822, %and3A_825 : vector<16xi32>
    %swap3A_827 = arith.constant 2 : i32
    %swap3A_828 = arith.index_cast %swap3A_827 : i32 to index
    %swap3A_829 = arith.constant 80 : index
    %swap3A_830 = tpu.vector_load %arg11[%swap3A_828, %swap3A_829] {strides = array<i32>} : memref<4x128xi32, #tpu.memory_space<vmem>>, vector<1x16xi32>,
    %swap3A_831 = vector.shape_cast %swap3A_830 : vector<1x16xi32> to vector<16xi32>
    %swap3A_832 = vector.shape_cast %or3A_826 : vector<16xi32> to vector<1x16xi32>
    tpu.vector_store %arg11[%swap3A_828, %swap3A_829], %swap3A_832 {strides = array<i32>} : memref<4x128xi32, #tpu.memory_space<vmem>>, vector<1x16xi32>,
    %get3A_833 = arith.constant 352 : index
    %get3A_834 = tpu.vector_load %arg8[%get3A_833] {strides = array<i32>} : memref<512xi32, #tpu.memory_space<vmem>>, vector<16xi32>,
    %get3A_835 = vector.shape_cast %get3A_834 : vector<16xi32> to vector<16xi32>
    %shift_right_arithmetic3A_836 = arith.constant 14 : i32
    %shift_right_arithmetic3A_837 = vector.broadcast %shift_right_arithmetic3A_836 : i32 to vector<16xi32>
    %shift_right_arithmetic3A_838 = arith.shrsi %get3A_835, %shift_right_arithmetic3A_837 : vector<16xi32>
    %shift_left3A_839 = arith.constant 12 : i32
    %shift_left3A_840 = vector.broadcast %shift_left3A_839 : i32 to vector<16xi32>
    %shift_left3A_841 = arith.shli %shift_right_arithmetic3A_838, %shift_left3A_840 : vector<16xi32>
    %and3A_842 = arith.constant 4095 : i32
    %and3A_843 = vector.broadcast %and3A_842 : i32 to vector<16xi32>
    %and3A_844 = arith.andi %get3A_835, %and3A_843 : vector<16xi32>
    %or3A_845 = arith.ori %shift_left3A_841, %and3A_844 : vector<16xi32>
    %swap3A_846 = arith.constant 2 : i32
    %swap3A_847 = arith.index_cast %swap3A_846 : i32 to index
    %swap3A_848 = arith.constant 96 : index
    %swap3A_849 = tpu.vector_load %arg10[%swap3A_847, %swap3A_848] {strides = array<i32>} : memref<4x128xi32, #tpu.memory_space<vmem>>, vector<1x16xi32>,
    %swap3A_850 = vector.shape_cast %swap3A_849 : vector<1x16xi32> to vector<16xi32>
    %swap3A_851 = vector.shape_cast %or3A_845 : vector<16xi32> to vector<1x16xi32>
    tpu.vector_store %arg10[%swap3A_847, %swap3A_848], %swap3A_851 {strides = array<i32>} : memref<4x128xi32, #tpu.memory_space<vmem>>, vector<1x16xi32>,
    %get3A_852 = arith.constant 352 : index
    %get3A_853 = tpu.vector_load %arg9[%get3A_852] {strides = array<i32>} : memref<512xi32, #tpu.memory_space<vmem>>, vector<16xi32>,
    %get3A_854 = vector.shape_cast %get3A_853 : vector<16xi32> to vector<16xi32>
    %shift_right_arithmetic3A_855 = arith.constant 14 : i32
    %shift_right_arithmetic3A_856 = vector.broadcast %shift_right_arithmetic3A_855 : i32 to vector<16xi32>
    %shift_right_arithmetic3A_857 = arith.shrsi %get3A_854, %shift_right_arithmetic3A_856 : vector<16xi32>
    %shift_left3A_858 = arith.constant 12 : i32
    %shift_left3A_859 = vector.broadcast %shift_left3A_858 : i32 to vector<16xi32>
    %shift_left3A_860 = arith.shli %shift_right_arithmetic3A_857, %shift_left3A_859 : vector<16xi32>
    %and3A_861 = arith.constant 4095 : i32
    %and3A_862 = vector.broadcast %and3A_861 : i32 to vector<16xi32>
    %and3A_863 = arith.andi %get3A_854, %and3A_862 : vector<16xi32>
    %or3A_864 = arith.ori %shift_left3A_860, %and3A_863 : vector<16xi32>
    %swap3A_865 = arith.constant 2 : i32
    %swap3A_866 = arith.index_cast %swap3A_865 : i32 to index
    %swap3A_867 = arith.constant 96 : index
    %swap3A_868 = tpu.vector_load %arg11[%swap3A_866, %swap3A_867] {strides = array<i32>} : memref<4x128xi32, #tpu.memory_space<vmem>>, vector<1x16xi32>,
    %swap3A_869 = vector.shape_cast %swap3A_868 : vector<1x16xi32> to vector<16xi32>
    %swap3A_870 = vector.shape_cast %or3A_864 : vector<16xi32> to vector<1x16xi32>
    tpu.vector_store %arg11[%swap3A_866, %swap3A_867], %swap3A_870 {strides = array<i32>} : memref<4x128xi32, #tpu.memory_space<vmem>>, vector<1x16xi32>,
    %get3A_871 = arith.constant 368 : index
    %get3A_872 = tpu.vector_load %arg8[%get3A_871] {strides = array<i32>} : memref<512xi32, #tpu.memory_space<vmem>>, vector<16xi32>,
    %get3A_873 = vector.shape_cast %get3A_872 : vector<16xi32> to vector<16xi32>
    %shift_right_arithmetic3A_874 = arith.constant 14 : i32
    %shift_right_arithmetic3A_875 = vector.broadcast %shift_right_arithmetic3A_874 : i32 to vector<16xi32>
    %shift_right_arithmetic3A_876 = arith.shrsi %get3A_873, %shift_right_arithmetic3A_875 : vector<16xi32>
    %shift_left3A_877 = arith.constant 12 : i32
    %shift_left3A_878 = vector.broadcast %shift_left3A_877 : i32 to vector<16xi32>
    %shift_left3A_879 = arith.shli %shift_right_arithmetic3A_876, %shift_left3A_878 : vector<16xi32>
    %and3A_880 = arith.constant 4095 : i32
    %and3A_881 = vector.broadcast %and3A_880 : i32 to vector<16xi32>
    %and3A_882 = arith.andi %get3A_873, %and3A_881 : vector<16xi32>
    %or3A_883 = arith.ori %shift_left3A_879, %and3A_882 : vector<16xi32>
    %swap3A_884 = arith.constant 2 : i32
    %swap3A_885 = arith.index_cast %swap3A_884 : i32 to index
    %swap3A_886 = arith.constant 112 : index
    %swap3A_887 = tpu.vector_load %arg10[%swap3A_885, %swap3A_886] {strides = array<i32>} : memref<4x128xi32, #tpu.memory_space<vmem>>, vector<1x16xi32>,
    %swap3A_888 = vector.shape_cast %swap3A_887 : vector<1x16xi32> to vector<16xi32>
    %swap3A_889 = vector.shape_cast %or3A_883 : vector<16xi32> to vector<1x16xi32>
    tpu.vector_store %arg10[%swap3A_885, %swap3A_886], %swap3A_889 {strides = array<i32>} : memref<4x128xi32, #tpu.memory_space<vmem>>, vector<1x16xi32>,
    %get3A_890 = arith.constant 368 : index
    %get3A_891 = tpu.vector_load %arg9[%get3A_890] {strides = array<i32>} : memref<512xi32, #tpu.memory_space<vmem>>, vector<16xi32>,
    %get3A_892 = vector.shape_cast %get3A_891 : vector<16xi32> to vector<16xi32>
    %shift_right_arithmetic3A_893 = arith.constant 14 : i32
    %shift_right_arithmetic3A_894 = vector.broadcast %shift_right_arithmetic3A_893 : i32 to vector<16xi32>
    %shift_right_arithmetic3A_895 = arith.shrsi %get3A_892, %shift_right_arithmetic3A_894 : vector<16xi32>
    %shift_left3A_896 = arith.constant 12 : i32
    %shift_left3A_897 = vector.broadcast %shift_left3A_896 : i32 to vector<16xi32>
    %shift_left3A_898 = arith.shli %shift_right_arithmetic3A_895, %shift_left3A_897 : vector<16xi32>
    %and3A_899 = arith.constant 4095 : i32
    %and3A_900 = vector.broadcast %and3A_899 : i32 to vector<16xi32>
    %and3A_901 = arith.andi %get3A_892, %and3A_900 : vector<16xi32>
    %or3A_902 = arith.ori %shift_left3A_898, %and3A_901 : vector<16xi32>
    %swap3A_903 = arith.constant 2 : i32
    %swap3A_904 = arith.index_cast %swap3A_903 : i32 to index
    %swap3A_905 = arith.constant 112 : index
    %swap3A_906 = tpu.vector_load %arg11[%swap3A_904, %swap3A_905] {strides = array<i32>} : memref<4x128xi32, #tpu.memory_space<vmem>>, vector<1x16xi32>,
    %swap3A_907 = vector.shape_cast %swap3A_906 : vector<1x16xi32> to vector<16xi32>
    %swap3A_908 = vector.shape_cast %or3A_902 : vector<16xi32> to vector<1x16xi32>
    tpu.vector_store %arg11[%swap3A_904, %swap3A_905], %swap3A_908 {strides = array<i32>} : memref<4x128xi32, #tpu.memory_space<vmem>>, vector<1x16xi32>,
    %get3A_909 = arith.constant 384 : index
    %get3A_910 = tpu.vector_load %arg8[%get3A_909] {strides = array<i32>} : memref<512xi32, #tpu.memory_space<vmem>>, vector<16xi32>,
    %get3A_911 = vector.shape_cast %get3A_910 : vector<16xi32> to vector<16xi32>
    %shift_right_arithmetic3A_912 = arith.constant 14 : i32
    %shift_right_arithmetic3A_913 = vector.broadcast %shift_right_arithmetic3A_912 : i32 to vector<16xi32>
    %shift_right_arithmetic3A_914 = arith.shrsi %get3A_911, %shift_right_arithmetic3A_913 : vector<16xi32>
    %shift_left3A_915 = arith.constant 12 : i32
    %shift_left3A_916 = vector.broadcast %shift_left3A_915 : i32 to vector<16xi32>
    %shift_left3A_917 = arith.shli %shift_right_arithmetic3A_914, %shift_left3A_916 : vector<16xi32>
    %and3A_918 = arith.constant 4095 : i32
    %and3A_919 = vector.broadcast %and3A_918 : i32 to vector<16xi32>
    %and3A_920 = arith.andi %get3A_911, %and3A_919 : vector<16xi32>
    %or3A_921 = arith.ori %shift_left3A_917, %and3A_920 : vector<16xi32>
    %swap3A_922 = arith.constant 3 : i32
    %swap3A_923 = arith.index_cast %swap3A_922 : i32 to index
    %swap3A_924 = arith.constant 0 : index
    %swap3A_925 = tpu.vector_load %arg10[%swap3A_923, %swap3A_924] {strides = array<i32>} : memref<4x128xi32, #tpu.memory_space<vmem>>, vector<1x16xi32>,
    %swap3A_926 = vector.shape_cast %swap3A_925 : vector<1x16xi32> to vector<16xi32>
    %swap3A_927 = vector.shape_cast %or3A_921 : vector<16xi32> to vector<1x16xi32>
    tpu.vector_store %arg10[%swap3A_923, %swap3A_924], %swap3A_927 {strides = array<i32>} : memref<4x128xi32, #tpu.memory_space<vmem>>, vector<1x16xi32>,
    %get3A_928 = arith.constant 384 : index
    %get3A_929 = tpu.vector_load %arg9[%get3A_928] {strides = array<i32>} : memref<512xi32, #tpu.memory_space<vmem>>, vector<16xi32>,
    %get3A_930 = vector.shape_cast %get3A_929 : vector<16xi32> to vector<16xi32>
    %shift_right_arithmetic3A_931 = arith.constant 14 : i32
    %shift_right_arithmetic3A_932 = vector.broadcast %shift_right_arithmetic3A_931 : i32 to vector<16xi32>
    %shift_right_arithmetic3A_933 = arith.shrsi %get3A_930, %shift_right_arithmetic3A_932 : vector<16xi32>
    %shift_left3A_934 = arith.constant 12 : i32
    %shift_left3A_935 = vector.broadcast %shift_left3A_934 : i32 to vector<16xi32>
    %shift_left3A_936 = arith.shli %shift_right_arithmetic3A_933, %shift_left3A_935 : vector<16xi32>
    %and3A_937 = arith.constant 4095 : i32
    %and3A_938 = vector.broadcast %and3A_937 : i32 to vector<16xi32>
    %and3A_939 = arith.andi %get3A_930, %and3A_938 : vector<16xi32>
    %or3A_940 = arith.ori %shift_left3A_936, %and3A_939 : vector<16xi32>
    %swap3A_941 = arith.constant 3 : i32
    %swap3A_942 = arith.index_cast %swap3A_941 : i32 to index
    %swap3A_943 = arith.constant 0 : index
    %swap3A_944 = tpu.vector_load %arg11[%swap3A_942, %swap3A_943] {strides = array<i32>} : memref<4x128xi32, #tpu.memory_space<vmem>>, vector<1x16xi32>,
    %swap3A_945 = vector.shape_cast %swap3A_944 : vector<1x16xi32> to vector<16xi32>
    %swap3A_946 = vector.shape_cast %or3A_940 : vector<16xi32> to vector<1x16xi32>
    tpu.vector_store %arg11[%swap3A_942, %swap3A_943], %swap3A_946 {strides = array<i32>} : memref<4x128xi32, #tpu.memory_space<vmem>>, vector<1x16xi32>,
    %get3A_947 = arith.constant 400 : index
    %get3A_948 = tpu.vector_load %arg8[%get3A_947] {strides = array<i32>} : memref<512xi32, #tpu.memory_space<vmem>>, vector<16xi32>,
    %get3A_949 = vector.shape_cast %get3A_948 : vector<16xi32> to vector<16xi32>
    %shift_right_arithmetic3A_950 = arith.constant 14 : i32
    %shift_right_arithmetic3A_951 = vector.broadcast %shift_right_arithmetic3A_950 : i32 to vector<16xi32>
    %shift_right_arithmetic3A_952 = arith.shrsi %get3A_949, %shift_right_arithmetic3A_951 : vector<16xi32>
    %shift_left3A_953 = arith.constant 12 : i32
    %shift_left3A_954 = vector.broadcast %shift_left3A_953 : i32 to vector<16xi32>
    %shift_left3A_955 = arith.shli %shift_right_arithmetic3A_952, %shift_left3A_954 : vector<16xi32>
    %and3A_956 = arith.constant 4095 : i32
    %and3A_957 = vector.broadcast %and3A_956 : i32 to vector<16xi32>
    %and3A_958 = arith.andi %get3A_949, %and3A_957 : vector<16xi32>
    %or3A_959 = arith.ori %shift_left3A_955, %and3A_958 : vector<16xi32>
    %swap3A_960 = arith.constant 3 : i32
    %swap3A_961 = arith.index_cast %swap3A_960 : i32 to index
    %swap3A_962 = arith.constant 16 : index
    %swap3A_963 = tpu.vector_load %arg10[%swap3A_961, %swap3A_962] {strides = array<i32>} : memref<4x128xi32, #tpu.memory_space<vmem>>, vector<1x16xi32>,
    %swap3A_964 = vector.shape_cast %swap3A_963 : vector<1x16xi32> to vector<16xi32>
    %swap3A_965 = vector.shape_cast %or3A_959 : vector<16xi32> to vector<1x16xi32>
    tpu.vector_store %arg10[%swap3A_961, %swap3A_962], %swap3A_965 {strides = array<i32>} : memref<4x128xi32, #tpu.memory_space<vmem>>, vector<1x16xi32>,
    %get3A_966 = arith.constant 400 : index
    %get3A_967 = tpu.vector_load %arg9[%get3A_966] {strides = array<i32>} : memref<512xi32, #tpu.memory_space<vmem>>, vector<16xi32>,
    %get3A_968 = vector.shape_cast %get3A_967 : vector<16xi32> to vector<16xi32>
    %shift_right_arithmetic3A_969 = arith.constant 14 : i32
    %shift_right_arithmetic3A_970 = vector.broadcast %shift_right_arithmetic3A_969 : i32 to vector<16xi32>
    %shift_right_arithmetic3A_971 = arith.shrsi %get3A_968, %shift_right_arithmetic3A_970 : vector<16xi32>
    %shift_left3A_972 = arith.constant 12 : i32
    %shift_left3A_973 = vector.broadcast %shift_left3A_972 : i32 to vector<16xi32>
    %shift_left3A_974 = arith.shli %shift_right_arithmetic3A_971, %shift_left3A_973 : vector<16xi32>
    %and3A_975 = arith.constant 4095 : i32
    %and3A_976 = vector.broadcast %and3A_975 : i32 to vector<16xi32>
    %and3A_977 = arith.andi %get3A_968, %and3A_976 : vector<16xi32>
    %or3A_978 = arith.ori %shift_left3A_974, %and3A_977 : vector<16xi32>
    %swap3A_979 = arith.constant 3 : i32
    %swap3A_980 = arith.index_cast %swap3A_979 : i32 to index
    %swap3A_981 = arith.constant 16 : index
    %swap3A_982 = tpu.vector_load %arg11[%swap3A_980, %swap3A_981] {strides = array<i32>} : memref<4x128xi32, #tpu.memory_space<vmem>>, vector<1x16xi32>,
    %swap3A_983 = vector.shape_cast %swap3A_982 : vector<1x16xi32> to vector<16xi32>
    %swap3A_984 = vector.shape_cast %or3A_978 : vector<16xi32> to vector<1x16xi32>
    tpu.vector_store %arg11[%swap3A_980, %swap3A_981], %swap3A_984 {strides = array<i32>} : memref<4x128xi32, #tpu.memory_space<vmem>>, vector<1x16xi32>,
    %get3A_985 = arith.constant 416 : index
    %get3A_986 = tpu.vector_load %arg8[%get3A_985] {strides = array<i32>} : memref<512xi32, #tpu.memory_space<vmem>>, vector<16xi32>,
    %get3A_987 = vector.shape_cast %get3A_986 : vector<16xi32> to vector<16xi32>
    %shift_right_arithmetic3A_988 = arith.constant 14 : i32
    %shift_right_arithmetic3A_989 = vector.broadcast %shift_right_arithmetic3A_988 : i32 to vector<16xi32>
    %shift_right_arithmetic3A_990 = arith.shrsi %get3A_987, %shift_right_arithmetic3A_989 : vector<16xi32>
    %shift_left3A_991 = arith.constant 12 : i32
    %shift_left3A_992 = vector.broadcast %shift_left3A_991 : i32 to vector<16xi32>
    %shift_left3A_993 = arith.shli %shift_right_arithmetic3A_990, %shift_left3A_992 : vector<16xi32>
    %and3A_994 = arith.constant 4095 : i32
    %and3A_995 = vector.broadcast %and3A_994 : i32 to vector<16xi32>
    %and3A_996 = arith.andi %get3A_987, %and3A_995 : vector<16xi32>
    %or3A_997 = arith.ori %shift_left3A_993, %and3A_996 : vector<16xi32>
    %swap3A_998 = arith.constant 3 : i32
    %swap3A_999 = arith.index_cast %swap3A_998 : i32 to index
    %swap3A_1000 = arith.constant 32 : index
    %swap3A_1001 = tpu.vector_load %arg10[%swap3A_999, %swap3A_1000] {strides = array<i32>} : memref<4x128xi32, #tpu.memory_space<vmem>>, vector<1x16xi32>,
    %swap3A_1002 = vector.shape_cast %swap3A_1001 : vector<1x16xi32> to vector<16xi32>
    %swap3A_1003 = vector.shape_cast %or3A_997 : vector<16xi32> to vector<1x16xi32>
    tpu.vector_store %arg10[%swap3A_999, %swap3A_1000], %swap3A_1003 {strides = array<i32>} : memref<4x128xi32, #tpu.memory_space<vmem>>, vector<1x16xi32>,
    %get3A_1004 = arith.constant 416 : index
    %get3A_1005 = tpu.vector_load %arg9[%get3A_1004] {strides = array<i32>} : memref<512xi32, #tpu.memory_space<vmem>>, vector<16xi32>,
    %get3A_1006 = vector.shape_cast %get3A_1005 : vector<16xi32> to vector<16xi32>
    %shift_right_arithmetic3A_1007 = arith.constant 14 : i32
    %shift_right_arithmetic3A_1008 = vector.broadcast %shift_right_arithmetic3A_1007 : i32 to vector<16xi32>
    %shift_right_arithmetic3A_1009 = arith.shrsi %get3A_1006, %shift_right_arithmetic3A_1008 : vector<16xi32>
    %shift_left3A_1010 = arith.constant 12 : i32
    %shift_left3A_1011 = vector.broadcast %shift_left3A_1010 : i32 to vector<16xi32>
    %shift_left3A_1012 = arith.shli %shift_right_arithmetic3A_1009, %shift_left3A_1011 : vector<16xi32>
    %and3A_1013 = arith.constant 4095 : i32
    %and3A_1014 = vector.broadcast %and3A_1013 : i32 to vector<16xi32>
    %and3A_1015 = arith.andi %get3A_1006, %and3A_1014 : vector<16xi32>
    %or3A_1016 = arith.ori %shift_left3A_1012, %and3A_1015 : vector<16xi32>
    %swap3A_1017 = arith.constant 3 : i32
    %swap3A_1018 = arith.index_cast %swap3A_1017 : i32 to index
    %swap3A_1019 = arith.constant 32 : index
    %swap3A_1020 = tpu.vector_load %arg11[%swap3A_1018, %swap3A_1019] {strides = array<i32>} : memref<4x128xi32, #tpu.memory_space<vmem>>, vector<1x16xi32>,
    %swap3A_1021 = vector.shape_cast %swap3A_1020 : vector<1x16xi32> to vector<16xi32>
    %swap3A_1022 = vector.shape_cast %or3A_1016 : vector<16xi32> to vector<1x16xi32>
    tpu.vector_store %arg11[%swap3A_1018, %swap3A_1019], %swap3A_1022 {strides = array<i32>} : memref<4x128xi32, #tpu.memory_space<vmem>>, vector<1x16xi32>,
    %get3A_1023 = arith.constant 432 : index
    %get3A_1024 = tpu.vector_load %arg8[%get3A_1023] {strides = array<i32>} : memref<512xi32, #tpu.memory_space<vmem>>, vector<16xi32>,
    %get3A_1025 = vector.shape_cast %get3A_1024 : vector<16xi32> to vector<16xi32>
    %shift_right_arithmetic3A_1026 = arith.constant 14 : i32
    %shift_right_arithmetic3A_1027 = vector.broadcast %shift_right_arithmetic3A_1026 : i32 to vector<16xi32>
    %shift_right_arithmetic3A_1028 = arith.shrsi %get3A_1025, %shift_right_arithmetic3A_1027 : vector<16xi32>
    %shift_left3A_1029 = arith.constant 12 : i32
    %shift_left3A_1030 = vector.broadcast %shift_left3A_1029 : i32 to vector<16xi32>
    %shift_left3A_1031 = arith.shli %shift_right_arithmetic3A_1028, %shift_left3A_1030 : vector<16xi32>
    %and3A_1032 = arith.constant 4095 : i32
    %and3A_1033 = vector.broadcast %and3A_1032 : i32 to vector<16xi32>
    %and3A_1034 = arith.andi %get3A_1025, %and3A_1033 : vector<16xi32>
    %or3A_1035 = arith.ori %shift_left3A_1031, %and3A_1034 : vector<16xi32>
    %swap3A_1036 = arith.constant 3 : i32
    %swap3A_1037 = arith.index_cast %swap3A_1036 : i32 to index
    %swap3A_1038 = arith.constant 48 : index
    %swap3A_1039 = tpu.vector_load %arg10[%swap3A_1037, %swap3A_1038] {strides = array<i32>} : memref<4x128xi32, #tpu.memory_space<vmem>>, vector<1x16xi32>,
    %swap3A_1040 = vector.shape_cast %swap3A_1039 : vector<1x16xi32> to vector<16xi32>
    %swap3A_1041 = vector.shape_cast %or3A_1035 : vector<16xi32> to vector<1x16xi32>
    tpu.vector_store %arg10[%swap3A_1037, %swap3A_1038], %swap3A_1041 {strides = array<i32>} : memref<4x128xi32, #tpu.memory_space<vmem>>, vector<1x16xi32>,
    %get3A_1042 = arith.constant 432 : index
    %get3A_1043 = tpu.vector_load %arg9[%get3A_1042] {strides = array<i32>} : memref<512xi32, #tpu.memory_space<vmem>>, vector<16xi32>,
    %get3A_1044 = vector.shape_cast %get3A_1043 : vector<16xi32> to vector<16xi32>
    %shift_right_arithmetic3A_1045 = arith.constant 14 : i32
    %shift_right_arithmetic3A_1046 = vector.broadcast %shift_right_arithmetic3A_1045 : i32 to vector<16xi32>
    %shift_right_arithmetic3A_1047 = arith.shrsi %get3A_1044, %shift_right_arithmetic3A_1046 : vector<16xi32>
    %shift_left3A_1048 = arith.constant 12 : i32
    %shift_left3A_1049 = vector.broadcast %shift_left3A_1048 : i32 to vector<16xi32>
    %shift_left3A_1050 = arith.shli %shift_right_arithmetic3A_1047, %shift_left3A_1049 : vector<16xi32>
    %and3A_1051 = arith.constant 4095 : i32
    %and3A_1052 = vector.broadcast %and3A_1051 : i32 to vector<16xi32>
    %and3A_1053 = arith.andi %get3A_1044, %and3A_1052 : vector<16xi32>
    %or3A_1054 = arith.ori %shift_left3A_1050, %and3A_1053 : vector<16xi32>
    %swap3A_1055 = arith.constant 3 : i32
    %swap3A_1056 = arith.index_cast %swap3A_1055 : i32 to index
    %swap3A_1057 = arith.constant 48 : index
    %swap3A_1058 = tpu.vector_load %arg11[%swap3A_1056, %swap3A_1057] {strides = array<i32>} : memref<4x128xi32, #tpu.memory_space<vmem>>, vector<1x16xi32>,
    %swap3A_1059 = vector.shape_cast %swap3A_1058 : vector<1x16xi32> to vector<16xi32>
    %swap3A_1060 = vector.shape_cast %or3A_1054 : vector<16xi32> to vector<1x16xi32>
    tpu.vector_store %arg11[%swap3A_1056, %swap3A_1057], %swap3A_1060 {strides = array<i32>} : memref<4x128xi32, #tpu.memory_space<vmem>>, vector<1x16xi32>,
    %get3A_1061 = arith.constant 448 : index
    %get3A_1062 = tpu.vector_load %arg8[%get3A_1061] {strides = array<i32>} : memref<512xi32, #tpu.memory_space<vmem>>, vector<16xi32>,
    %get3A_1063 = vector.shape_cast %get3A_1062 : vector<16xi32> to vector<16xi32>
    %shift_right_arithmetic3A_1064 = arith.constant 14 : i32
    %shift_right_arithmetic3A_1065 = vector.broadcast %shift_right_arithmetic3A_1064 : i32 to vector<16xi32>
    %shift_right_arithmetic3A_1066 = arith.shrsi %get3A_1063, %shift_right_arithmetic3A_1065 : vector<16xi32>
    %shift_left3A_1067 = arith.constant 12 : i32
    %shift_left3A_1068 = vector.broadcast %shift_left3A_1067 : i32 to vector<16xi32>
    %shift_left3A_1069 = arith.shli %shift_right_arithmetic3A_1066, %shift_left3A_1068 : vector<16xi32>
    %and3A_1070 = arith.constant 4095 : i32
    %and3A_1071 = vector.broadcast %and3A_1070 : i32 to vector<16xi32>
    %and3A_1072 = arith.andi %get3A_1063, %and3A_1071 : vector<16xi32>
    %or3A_1073 = arith.ori %shift_left3A_1069, %and3A_1072 : vector<16xi32>
    %swap3A_1074 = arith.constant 3 : i32
    %swap3A_1075 = arith.index_cast %swap3A_1074 : i32 to index
    %swap3A_1076 = arith.constant 64 : index
    %swap3A_1077 = tpu.vector_load %arg10[%swap3A_1075, %swap3A_1076] {strides = array<i32>} : memref<4x128xi32, #tpu.memory_space<vmem>>, vector<1x16xi32>,
    %swap3A_1078 = vector.shape_cast %swap3A_1077 : vector<1x16xi32> to vector<16xi32>
    %swap3A_1079 = vector.shape_cast %or3A_1073 : vector<16xi32> to vector<1x16xi32>
    tpu.vector_store %arg10[%swap3A_1075, %swap3A_1076], %swap3A_1079 {strides = array<i32>} : memref<4x128xi32, #tpu.memory_space<vmem>>, vector<1x16xi32>,
    %get3A_1080 = arith.constant 448 : index
    %get3A_1081 = tpu.vector_load %arg9[%get3A_1080] {strides = array<i32>} : memref<512xi32, #tpu.memory_space<vmem>>, vector<16xi32>,
    %get3A_1082 = vector.shape_cast %get3A_1081 : vector<16xi32> to vector<16xi32>
    %shift_right_arithmetic3A_1083 = arith.constant 14 : i32
    %shift_right_arithmetic3A_1084 = vector.broadcast %shift_right_arithmetic3A_1083 : i32 to vector<16xi32>
    %shift_right_arithmetic3A_1085 = arith.shrsi %get3A_1082, %shift_right_arithmetic3A_1084 : vector<16xi32>
    %shift_left3A_1086 = arith.constant 12 : i32
    %shift_left3A_1087 = vector.broadcast %shift_left3A_1086 : i32 to vector<16xi32>
    %shift_left3A_1088 = arith.shli %shift_right_arithmetic3A_1085, %shift_left3A_1087 : vector<16xi32>
    %and3A_1089 = arith.constant 4095 : i32
    %and3A_1090 = vector.broadcast %and3A_1089 : i32 to vector<16xi32>
    %and3A_1091 = arith.andi %get3A_1082, %and3A_1090 : vector<16xi32>
    %or3A_1092 = arith.ori %shift_left3A_1088, %and3A_1091 : vector<16xi32>
    %swap3A_1093 = arith.constant 3 : i32
    %swap3A_1094 = arith.index_cast %swap3A_1093 : i32 to index
    %swap3A_1095 = arith.constant 64 : index
    %swap3A_1096 = tpu.vector_load %arg11[%swap3A_1094, %swap3A_1095] {strides = array<i32>} : memref<4x128xi32, #tpu.memory_space<vmem>>, vector<1x16xi32>,
    %swap3A_1097 = vector.shape_cast %swap3A_1096 : vector<1x16xi32> to vector<16xi32>
    %swap3A_1098 = vector.shape_cast %or3A_1092 : vector<16xi32> to vector<1x16xi32>
    tpu.vector_store %arg11[%swap3A_1094, %swap3A_1095], %swap3A_1098 {strides = array<i32>} : memref<4x128xi32, #tpu.memory_space<vmem>>, vector<1x16xi32>,
    %get3A_1099 = arith.constant 464 : index
    %get3A_1100 = tpu.vector_load %arg8[%get3A_1099] {strides = array<i32>} : memref<512xi32, #tpu.memory_space<vmem>>, vector<16xi32>,
    %get3A_1101 = vector.shape_cast %get3A_1100 : vector<16xi32> to vector<16xi32>
    %shift_right_arithmetic3A_1102 = arith.constant 14 : i32
    %shift_right_arithmetic3A_1103 = vector.broadcast %shift_right_arithmetic3A_1102 : i32 to vector<16xi32>
    %shift_right_arithmetic3A_1104 = arith.shrsi %get3A_1101, %shift_right_arithmetic3A_1103 : vector<16xi32>
    %shift_left3A_1105 = arith.constant 12 : i32
    %shift_left3A_1106 = vector.broadcast %shift_left3A_1105 : i32 to vector<16xi32>
    %shift_left3A_1107 = arith.shli %shift_right_arithmetic3A_1104, %shift_left3A_1106 : vector<16xi32>
    %and3A_1108 = arith.constant 4095 : i32
    %and3A_1109 = vector.broadcast %and3A_1108 : i32 to vector<16xi32>
    %and3A_1110 = arith.andi %get3A_1101, %and3A_1109 : vector<16xi32>
    %or3A_1111 = arith.ori %shift_left3A_1107, %and3A_1110 : vector<16xi32>
    %swap3A_1112 = arith.constant 3 : i32
    %swap3A_1113 = arith.index_cast %swap3A_1112 : i32 to index
    %swap3A_1114 = arith.constant 80 : index
    %swap3A_1115 = tpu.vector_load %arg10[%swap3A_1113, %swap3A_1114] {strides = array<i32>} : memref<4x128xi32, #tpu.memory_space<vmem>>, vector<1x16xi32>,
    %swap3A_1116 = vector.shape_cast %swap3A_1115 : vector<1x16xi32> to vector<16xi32>
    %swap3A_1117 = vector.shape_cast %or3A_1111 : vector<16xi32> to vector<1x16xi32>
    tpu.vector_store %arg10[%swap3A_1113, %swap3A_1114], %swap3A_1117 {strides = array<i32>} : memref<4x128xi32, #tpu.memory_space<vmem>>, vector<1x16xi32>,
    %get3A_1118 = arith.constant 464 : index
    %get3A_1119 = tpu.vector_load %arg9[%get3A_1118] {strides = array<i32>} : memref<512xi32, #tpu.memory_space<vmem>>, vector<16xi32>,
    %get3A_1120 = vector.shape_cast %get3A_1119 : vector<16xi32> to vector<16xi32>
    %shift_right_arithmetic3A_1121 = arith.constant 14 : i32
    %shift_right_arithmetic3A_1122 = vector.broadcast %shift_right_arithmetic3A_1121 : i32 to vector<16xi32>
    %shift_right_arithmetic3A_1123 = arith.shrsi %get3A_1120, %shift_right_arithmetic3A_1122 : vector<16xi32>
    %shift_left3A_1124 = arith.constant 12 : i32
    %shift_left3A_1125 = vector.broadcast %shift_left3A_1124 : i32 to vector<16xi32>
    %shift_left3A_1126 = arith.shli %shift_right_arithmetic3A_1123, %shift_left3A_1125 : vector<16xi32>
    %and3A_1127 = arith.constant 4095 : i32
    %and3A_1128 = vector.broadcast %and3A_1127 : i32 to vector<16xi32>
    %and3A_1129 = arith.andi %get3A_1120, %and3A_1128 : vector<16xi32>
    %or3A_1130 = arith.ori %shift_left3A_1126, %and3A_1129 : vector<16xi32>
    %swap3A_1131 = arith.constant 3 : i32
    %swap3A_1132 = arith.index_cast %swap3A_1131 : i32 to index
    %swap3A_1133 = arith.constant 80 : index
    %swap3A_1134 = tpu.vector_load %arg11[%swap3A_1132, %swap3A_1133] {strides = array<i32>} : memref<4x128xi32, #tpu.memory_space<vmem>>, vector<1x16xi32>,
    %swap3A_1135 = vector.shape_cast %swap3A_1134 : vector<1x16xi32> to vector<16xi32>
    %swap3A_1136 = vector.shape_cast %or3A_1130 : vector<16xi32> to vector<1x16xi32>
    tpu.vector_store %arg11[%swap3A_1132, %swap3A_1133], %swap3A_1136 {strides = array<i32>} : memref<4x128xi32, #tpu.memory_space<vmem>>, vector<1x16xi32>,
    %get3A_1137 = arith.constant 480 : index
    %get3A_1138 = tpu.vector_load %arg8[%get3A_1137] {strides = array<i32>} : memref<512xi32, #tpu.memory_space<vmem>>, vector<16xi32>,
    %get3A_1139 = vector.shape_cast %get3A_1138 : vector<16xi32> to vector<16xi32>
    %shift_right_arithmetic3A_1140 = arith.constant 14 : i32
    %shift_right_arithmetic3A_1141 = vector.broadcast %shift_right_arithmetic3A_1140 : i32 to vector<16xi32>
    %shift_right_arithmetic3A_1142 = arith.shrsi %get3A_1139, %shift_right_arithmetic3A_1141 : vector<16xi32>
    %shift_left3A_1143 = arith.constant 12 : i32
    %shift_left3A_1144 = vector.broadcast %shift_left3A_1143 : i32 to vector<16xi32>
    %shift_left3A_1145 = arith.shli %shift_right_arithmetic3A_1142, %shift_left3A_1144 : vector<16xi32>
    %and3A_1146 = arith.constant 4095 : i32
    %and3A_1147 = vector.broadcast %and3A_1146 : i32 to vector<16xi32>
    %and3A_1148 = arith.andi %get3A_1139, %and3A_1147 : vector<16xi32>
    %or3A_1149 = arith.ori %shift_left3A_1145, %and3A_1148 : vector<16xi32>
    %swap3A_1150 = arith.constant 3 : i32
    %swap3A_1151 = arith.index_cast %swap3A_1150 : i32 to index
    %swap3A_1152 = arith.constant 96 : index
    %swap3A_1153 = tpu.vector_load %arg10[%swap3A_1151, %swap3A_1152] {strides = array<i32>} : memref<4x128xi32, #tpu.memory_space<vmem>>, vector<1x16xi32>,
    %swap3A_1154 = vector.shape_cast %swap3A_1153 : vector<1x16xi32> to vector<16xi32>
    %swap3A_1155 = vector.shape_cast %or3A_1149 : vector<16xi32> to vector<1x16xi32>
    tpu.vector_store %arg10[%swap3A_1151, %swap3A_1152], %swap3A_1155 {strides = array<i32>} : memref<4x128xi32, #tpu.memory_space<vmem>>, vector<1x16xi32>,
    %get3A_1156 = arith.constant 480 : index
    %get3A_1157 = tpu.vector_load %arg9[%get3A_1156] {strides = array<i32>} : memref<512xi32, #tpu.memory_space<vmem>>, vector<16xi32>,
    %get3A_1158 = vector.shape_cast %get3A_1157 : vector<16xi32> to vector<16xi32>
    %shift_right_arithmetic3A_1159 = arith.constant 14 : i32
    %shift_right_arithmetic3A_1160 = vector.broadcast %shift_right_arithmetic3A_1159 : i32 to vector<16xi32>
    %shift_right_arithmetic3A_1161 = arith.shrsi %get3A_1158, %shift_right_arithmetic3A_1160 : vector<16xi32>
    %shift_left3A_1162 = arith.constant 12 : i32
    %shift_left3A_1163 = vector.broadcast %shift_left3A_1162 : i32 to vector<16xi32>
    %shift_left3A_1164 = arith.shli %shift_right_arithmetic3A_1161, %shift_left3A_1163 : vector<16xi32>
    %and3A_1165 = arith.constant 4095 : i32
    %and3A_1166 = vector.broadcast %and3A_1165 : i32 to vector<16xi32>
    %and3A_1167 = arith.andi %get3A_1158, %and3A_1166 : vector<16xi32>
    %or3A_1168 = arith.ori %shift_left3A_1164, %and3A_1167 : vector<16xi32>
    %swap3A_1169 = arith.constant 3 : i32
    %swap3A_1170 = arith.index_cast %swap3A_1169 : i32 to index
    %swap3A_1171 = arith.constant 96 : index
    %swap3A_1172 = tpu.vector_load %arg11[%swap3A_1170, %swap3A_1171] {strides = array<i32>} : memref<4x128xi32, #tpu.memory_space<vmem>>, vector<1x16xi32>,
    %swap3A_1173 = vector.shape_cast %swap3A_1172 : vector<1x16xi32> to vector<16xi32>
    %swap3A_1174 = vector.shape_cast %or3A_1168 : vector<16xi32> to vector<1x16xi32>
    tpu.vector_store %arg11[%swap3A_1170, %swap3A_1171], %swap3A_1174 {strides = array<i32>} : memref<4x128xi32, #tpu.memory_space<vmem>>, vector<1x16xi32>,
    %get3A_1175 = arith.constant 496 : index
    %get3A_1176 = tpu.vector_load %arg8[%get3A_1175] {strides = array<i32>} : memref<512xi32, #tpu.memory_space<vmem>>, vector<16xi32>,
    %get3A_1177 = vector.shape_cast %get3A_1176 : vector<16xi32> to vector<16xi32>
    %shift_right_arithmetic3A_1178 = arith.constant 14 : i32
    %shift_right_arithmetic3A_1179 = vector.broadcast %shift_right_arithmetic3A_1178 : i32 to vector<16xi32>
    %shift_right_arithmetic3A_1180 = arith.shrsi %get3A_1177, %shift_right_arithmetic3A_1179 : vector<16xi32>
    %shift_left3A_1181 = arith.constant 12 : i32
    %shift_left3A_1182 = vector.broadcast %shift_left3A_1181 : i32 to vector<16xi32>
    %shift_left3A_1183 = arith.shli %shift_right_arithmetic3A_1180, %shift_left3A_1182 : vector<16xi32>
    %and3A_1184 = arith.constant 4095 : i32
    %and3A_1185 = vector.broadcast %and3A_1184 : i32 to vector<16xi32>
    %and3A_1186 = arith.andi %get3A_1177, %and3A_1185 : vector<16xi32>
    %or3A_1187 = arith.ori %shift_left3A_1183, %and3A_1186 : vector<16xi32>
    %swap3A_1188 = arith.constant 3 : i32
    %swap3A_1189 = arith.index_cast %swap3A_1188 : i32 to index
    %swap3A_1190 = arith.constant 112 : index
    %swap3A_1191 = tpu.vector_load %arg10[%swap3A_1189, %swap3A_1190] {strides = array<i32>} : memref<4x128xi32, #tpu.memory_space<vmem>>, vector<1x16xi32>,
    %swap3A_1192 = vector.shape_cast %swap3A_1191 : vector<1x16xi32> to vector<16xi32>
    %swap3A_1193 = vector.shape_cast %or3A_1187 : vector<16xi32> to vector<1x16xi32>
    tpu.vector_store %arg10[%swap3A_1189, %swap3A_1190], %swap3A_1193 {strides = array<i32>} : memref<4x128xi32, #tpu.memory_space<vmem>>, vector<1x16xi32>,
    %get3A_1194 = arith.constant 496 : index
    %get3A_1195 = tpu.vector_load %arg9[%get3A_1194] {strides = array<i32>} : memref<512xi32, #tpu.memory_space<vmem>>, vector<16xi32>,
    %get3A_1196 = vector.shape_cast %get3A_1195 : vector<16xi32> to vector<16xi32>
    %shift_right_arithmetic3A_1197 = arith.constant 14 : i32
    %shift_right_arithmetic3A_1198 = vector.broadcast %shift_right_arithmetic3A_1197 : i32 to vector<16xi32>
    %shift_right_arithmetic3A_1199 = arith.shrsi %get3A_1196, %shift_right_arithmetic3A_1198 : vector<16xi32>
    %shift_left3A_1200 = arith.constant 12 : i32
    %shift_left3A_1201 = vector.broadcast %shift_left3A_1200 : i32 to vector<16xi32>
    %shift_left3A_1202 = arith.shli %shift_right_arithmetic3A_1199, %shift_left3A_1201 : vector<16xi32>
    %and3A_1203 = arith.constant 4095 : i32
    %and3A_1204 = vector.broadcast %and3A_1203 : i32 to vector<16xi32>
    %and3A_1205 = arith.andi %get3A_1196, %and3A_1204 : vector<16xi32>
    %or3A_1206 = arith.ori %shift_left3A_1202, %and3A_1205 : vector<16xi32>
    %swap3A_1207 = arith.constant 3 : i32
    %swap3A_1208 = arith.index_cast %swap3A_1207 : i32 to index
    %swap3A_1209 = arith.constant 112 : index
    %swap3A_1210 = tpu.vector_load %arg11[%swap3A_1208, %swap3A_1209] {strides = array<i32>} : memref<4x128xi32, #tpu.memory_space<vmem>>, vector<1x16xi32>,
    %swap3A_1211 = vector.shape_cast %swap3A_1210 : vector<1x16xi32> to vector<16xi32>
    %swap3A_1212 = vector.shape_cast %or3A_1206 : vector<16xi32> to vector<1x16xi32>
    tpu.vector_store %arg11[%swap3A_1208, %swap3A_1209], %swap3A_1212 {strides = array<i32>} : memref<4x128xi32, #tpu.memory_space<vmem>>, vector<1x16xi32>,
    %dma_start3A = arith.constant 0 : i32
    %dma_start3A_1213 = arith.constant 0 : i32
    %dma_start3A_1214 = arith.constant 0 : i32
    %dma_start3A_1215 = arith.constant 0 : i32
    %dma_start3A_1216 = tpu.memref_slice %arg12[%dma_start3A_1213, %dma_start3A_1214, %dma_start3A_1215] : memref<4x128x128xi32, #tpu.memory_space<vmem>> -> memref<1x128x128xi32, #tpu.memory_space<vmem>>
    %dma_start3A_1217 = tpu.memref_squeeze %dma_start3A_1216 : memref<1x128x128xi32, #tpu.memory_space<vmem>> -> memref<128x128xi32, #tpu.memory_space<vmem>>
    %dma_start3A_1218 = arith.constant 0 : i32
    %dma_start3A_1219 = tpu.memref_slice %arg10[%dma_start3A, %dma_start3A_1218] : memref<4x128xi32, #tpu.memory_space<vmem>> -> memref<1x128xi32, #tpu.memory_space<vmem>>
    %dma_start3A_1220 = tpu.memref_squeeze %dma_start3A_1219 : memref<1x128xi32, #tpu.memory_space<vmem>> -> memref<128xi32, #tpu.memory_space<vmem>>
    %dma_start3A_1221 = arith.constant 0 : i32
    %dma_start3A_1222 = arith.constant 0 : i32
    %dma_start3A_1223 = tpu.memref_slice %arg2[%dma_start3A_1221, %dma_start3A_1222] : memref<253952x128xi32, #tpu.memory_space<hbm>> -> memref<253952x128xi32, #tpu.memory_space<hbm>>
    tpu.enqueue_indirect_dma source(%dma_start3A_1223 : memref<253952x128xi32, #tpu.memory_space<hbm>>) target(%dma_start3A_1217 : memref<128x128xi32, #tpu.memory_space<vmem>>) offsets(%dma_start3A_1220 : memref<128xi32, #tpu.memory_space<vmem>>) semaphore(%arg13 : memref<!tpu.dma_semaphore, #tpu.memory_space<semaphore_mem>>)
    %dma_start3A_1224 = arith.constant 0 : i32
    %dma_start3A_1225 = arith.constant 1 : i32
    %dma_start3A_1226 = arith.constant 0 : i32
    %dma_start3A_1227 = arith.constant 0 : i32
    %dma_start3A_1228 = tpu.memref_slice %arg12[%dma_start3A_1225, %dma_start3A_1226, %dma_start3A_1227] : memref<4x128x128xi32, #tpu.memory_space<vmem>> -> memref<1x128x128xi32, #tpu.memory_space<vmem>>
    %dma_start3A_1229 = tpu.memref_squeeze %dma_start3A_1228 : memref<1x128x128xi32, #tpu.memory_space<vmem>> -> memref<128x128xi32, #tpu.memory_space<vmem>>
    %dma_start3A_1230 = arith.constant 0 : i32
    %dma_start3A_1231 = tpu.memref_slice %arg11[%dma_start3A_1224, %dma_start3A_1230] : memref<4x128xi32, #tpu.memory_space<vmem>> -> memref<1x128xi32, #tpu.memory_space<vmem>>
    %dma_start3A_1232 = tpu.memref_squeeze %dma_start3A_1231 : memref<1x128xi32, #tpu.memory_space<vmem>> -> memref<128xi32, #tpu.memory_space<vmem>>
    %dma_start3A_1233 = arith.constant 0 : i32
    %dma_start3A_1234 = arith.constant 0 : i32
    %dma_start3A_1235 = tpu.memref_slice %arg3[%dma_start3A_1233, %dma_start3A_1234] : memref<253952x128xi32, #tpu.memory_space<hbm>> -> memref<253952x128xi32, #tpu.memory_space<hbm>>
    tpu.enqueue_indirect_dma source(%dma_start3A_1235 : memref<253952x128xi32, #tpu.memory_space<hbm>>) target(%dma_start3A_1229 : memref<128x128xi32, #tpu.memory_space<vmem>>) offsets(%dma_start3A_1232 : memref<128xi32, #tpu.memory_space<vmem>>) semaphore(%arg13 : memref<!tpu.dma_semaphore, #tpu.memory_space<semaphore_mem>>)
    %dma_start3A_1236 = arith.constant 1 : i32
    %dma_start3A_1237 = arith.constant 2 : i32
    %dma_start3A_1238 = arith.constant 0 : i32
    %dma_start3A_1239 = arith.constant 0 : i32
    %dma_start3A_1240 = tpu.memref_slice %arg12[%dma_start3A_1237, %dma_start3A_1238, %dma_start3A_1239] : memref<4x128x128xi32, #tpu.memory_space<vmem>> -> memref<1x128x128xi32, #tpu.memory_space<vmem>>
    %dma_start3A_1241 = tpu.memref_squeeze %dma_start3A_1240 : memref<1x128x128xi32, #tpu.memory_space<vmem>> -> memref<128x128xi32, #tpu.memory_space<vmem>>
    %dma_start3A_1242 = arith.constant 0 : i32
    %dma_start3A_1243 = tpu.memref_slice %arg10[%dma_start3A_1236, %dma_start3A_1242] : memref<4x128xi32, #tpu.memory_space<vmem>> -> memref<1x128xi32, #tpu.memory_space<vmem>>
    %dma_start3A_1244 = tpu.memref_squeeze %dma_start3A_1243 : memref<1x128xi32, #tpu.memory_space<vmem>> -> memref<128xi32, #tpu.memory_space<vmem>>
    %dma_start3A_1245 = arith.constant 0 : i32
    %dma_start3A_1246 = arith.constant 0 : i32
    %dma_start3A_1247 = tpu.memref_slice %arg2[%dma_start3A_1245, %dma_start3A_1246] : memref<253952x128xi32, #tpu.memory_space<hbm>> -> memref<253952x128xi32, #tpu.memory_space<hbm>>
    tpu.enqueue_indirect_dma source(%dma_start3A_1247 : memref<253952x128xi32, #tpu.memory_space<hbm>>) target(%dma_start3A_1241 : memref<128x128xi32, #tpu.memory_space<vmem>>) offsets(%dma_start3A_1244 : memref<128xi32, #tpu.memory_space<vmem>>) semaphore(%arg13 : memref<!tpu.dma_semaphore, #tpu.memory_space<semaphore_mem>>)
    %dma_start3A_1248 = arith.constant 1 : i32
    %dma_start3A_1249 = arith.constant 3 : i32
    %dma_start3A_1250 = arith.constant 0 : i32
    %dma_start3A_1251 = arith.constant 0 : i32
    %dma_start3A_1252 = tpu.memref_slice %arg12[%dma_start3A_1249, %dma_start3A_1250, %dma_start3A_1251] : memref<4x128x128xi32, #tpu.memory_space<vmem>> -> memref<1x128x128xi32, #tpu.memory_space<vmem>>
    %dma_start3A_1253 = tpu.memref_squeeze %dma_start3A_1252 : memref<1x128x128xi32, #tpu.memory_space<vmem>> -> memref<128x128xi32, #tpu.memory_space<vmem>>
    %dma_start3A_1254 = arith.constant 0 : i32
    %dma_start3A_1255 = tpu.memref_slice %arg11[%dma_start3A_1248, %dma_start3A_1254] : memref<4x128xi32, #tpu.memory_space<vmem>> -> memref<1x128xi32, #tpu.memory_space<vmem>>
    %dma_start3A_1256 = tpu.memref_squeeze %dma_start3A_1255 : memref<1x128xi32, #tpu.memory_space<vmem>> -> memref<128xi32, #tpu.memory_space<vmem>>
    %dma_start3A_1257 = arith.constant 0 : i32
    %dma_start3A_1258 = arith.constant 0 : i32
    %dma_start3A_1259 = tpu.memref_slice %arg3[%dma_start3A_1257, %dma_start3A_1258] : memref<253952x128xi32, #tpu.memory_space<hbm>> -> memref<253952x128xi32, #tpu.memory_space<hbm>>
    tpu.enqueue_indirect_dma source(%dma_start3A_1259 : memref<253952x128xi32, #tpu.memory_space<hbm>>) target(%dma_start3A_1253 : memref<128x128xi32, #tpu.memory_space<vmem>>) offsets(%dma_start3A_1256 : memref<128xi32, #tpu.memory_space<vmem>>) semaphore(%arg13 : memref<!tpu.dma_semaphore, #tpu.memory_space<semaphore_mem>>)
    %dma_wait3A = arith.constant 0 : i32
    %dma_wait3A_1260 = arith.constant 0 : i32
    %dma_wait3A_1261 = arith.constant 0 : i32
    %dma_wait3A_1262 = arith.constant 0 : i32
    %dma_wait3A_1263 = tpu.memref_slice %arg12[%dma_wait3A_1260, %dma_wait3A_1261, %dma_wait3A_1262] : memref<4x128x128xi32, #tpu.memory_space<vmem>> -> memref<1x128x128xi32, #tpu.memory_space<vmem>>
    %dma_wait3A_1264 = tpu.memref_squeeze %dma_wait3A_1263 : memref<1x128x128xi32, #tpu.memory_space<vmem>> -> memref<128x128xi32, #tpu.memory_space<vmem>>
    %dma_wait3A_1265 = arith.constant 0 : i32
    %dma_wait3A_1266 = tpu.memref_slice %arg10[%dma_wait3A, %dma_wait3A_1265] : memref<4x128xi32, #tpu.memory_space<vmem>> -> memref<1x128xi32, #tpu.memory_space<vmem>>
    %dma_wait3A_1267 = tpu.memref_squeeze %dma_wait3A_1266 : memref<1x128xi32, #tpu.memory_space<vmem>> -> memref<128xi32, #tpu.memory_space<vmem>>
    %dma_wait3A_1268 = arith.constant 0 : i32
    %dma_wait3A_1269 = arith.constant 0 : i32
    %dma_wait3A_1270 = tpu.memref_slice %arg2[%dma_wait3A_1268, %dma_wait3A_1269] : memref<253952x128xi32, #tpu.memory_space<hbm>> -> memref<253952x128xi32, #tpu.memory_space<hbm>>
    tpu.wait_indirect_dma semaphore(%arg13 : memref<!tpu.dma_semaphore, #tpu.memory_space<semaphore_mem>>) src(%dma_wait3A_1270 : memref<253952x128xi32, #tpu.memory_space<hbm>>) dst(%dma_wait3A_1264 : memref<128x128xi32, #tpu.memory_space<vmem>>)
    %add3A_1271 = arith.constant 0 : i32
    %add3A_1272 = arith.addi %mul3A_2, %add3A_1271 : i32
    %run_scoped3A = arith.constant 0 : i32
    "tpu.region"() ({
      %run_scoped3A_1426 = tpu.sem_alloc : memref<!tpu.dma_semaphore, #tpu.memory_space<semaphore_mem>>
      %dma_start3A_1427 = arith.constant 0 : i32
      %dma_start3A_1428 = arith.constant 0 : i32
      %dma_start3A_1429 = tpu.memref_slice %arg12[%run_scoped3A, %dma_start3A_1427, %dma_start3A_1428] : memref<4x128x128xi32, #tpu.memory_space<vmem>> -> memref<1x128x128xi32, #tpu.memory_space<vmem>>
      %dma_start3A_1430 = tpu.memref_squeeze %dma_start3A_1429 : memref<1x128x128xi32, #tpu.memory_space<vmem>> -> memref<128x128xi32, #tpu.memory_space<vmem>>
      %dma_start3A_1431 = arith.constant 0 : i32
      %dma_start3A_1432 = tpu.memref_slice %arg6[%add3A_1272, %dma_start3A_1431] : memref<16384x128xi32, #tpu.memory_space<hbm>> -> memref<128x128xi32, #tpu.memory_space<hbm>>
      %dma_start3A_1433 = arith.constant 0 : i32
      %dma_start3A_1434 = tpu.memref_slice %arg6[%add3A_1272, %dma_start3A_1433] : memref<16384x128xi32, #tpu.memory_space<hbm>> -> memref<128x128xi32, #tpu.memory_space<hbm>>
      %dma_start3A_1435 = arith.constant 0 : i32
      %dma_start3A_1436 = arith.constant 0 : i32
      %dma_start3A_1437 = tpu.memref_slice %arg12[%run_scoped3A, %dma_start3A_1435, %dma_start3A_1436] : memref<4x128x128xi32, #tpu.memory_space<vmem>> -> memref<1x128x128xi32, #tpu.memory_space<vmem>>
      %dma_start3A_1438 = tpu.memref_squeeze %dma_start3A_1437 : memref<1x128x128xi32, #tpu.memory_space<vmem>> -> memref<128x128xi32, #tpu.memory_space<vmem>>
      tpu.enqueue_dma source(%dma_start3A_1438 : memref<128x128xi32, #tpu.memory_space<vmem>>) target(%dma_start3A_1434 : memref<128x128xi32, #tpu.memory_space<hbm>>) target_semaphore(%run_scoped3A_1426 : memref<!tpu.dma_semaphore, #tpu.memory_space<semaphore_mem>>)
      %dma_wait3A_1439 = arith.constant 0 : i32
      %dma_wait3A_1440 = arith.constant 0 : i32
      %dma_wait3A_1441 = tpu.memref_slice %arg12[%run_scoped3A, %dma_wait3A_1439, %dma_wait3A_1440] : memref<4x128x128xi32, #tpu.memory_space<vmem>> -> memref<1x128x128xi32, #tpu.memory_space<vmem>>
      %dma_wait3A_1442 = tpu.memref_squeeze %dma_wait3A_1441 : memref<1x128x128xi32, #tpu.memory_space<vmem>> -> memref<128x128xi32, #tpu.memory_space<vmem>>
      %dma_wait3A_1443 = arith.constant 0 : i32
      %dma_wait3A_1444 = tpu.memref_slice %arg6[%add3A_1272, %dma_wait3A_1443] : memref<16384x128xi32, #tpu.memory_space<hbm>> -> memref<128x128xi32, #tpu.memory_space<hbm>>
      %dma_wait3A_1445 = arith.constant 0 : i32
      %dma_wait3A_1446 = tpu.memref_slice %arg6[%add3A_1272, %dma_wait3A_1445] : memref<16384x128xi32, #tpu.memory_space<hbm>> -> memref<128x128xi32, #tpu.memory_space<hbm>>
      %dma_wait3A_1447 = arith.constant 0 : i32
      %dma_wait3A_1448 = arith.constant 0 : i32
      %dma_wait3A_1449 = tpu.memref_slice %arg12[%run_scoped3A, %dma_wait3A_1447, %dma_wait3A_1448] : memref<4x128x128xi32, #tpu.memory_space<vmem>> -> memref<1x128x128xi32, #tpu.memory_space<vmem>>
      %dma_wait3A_1450 = tpu.memref_squeeze %dma_wait3A_1449 : memref<1x128x128xi32, #tpu.memory_space<vmem>> -> memref<128x128xi32, #tpu.memory_space<vmem>>
      tpu.wait_dma2 semaphore(%run_scoped3A_1426 : memref<!tpu.dma_semaphore, #tpu.memory_space<semaphore_mem>>) src(%dma_wait3A_1450 : memref<128x128xi32, #tpu.memory_space<vmem>>) dst(%dma_wait3A_1446 : memref<128x128xi32, #tpu.memory_space<hbm>>)
      tpu.yield
    }) : () -> ()
    %dma_wait3A_1273 = arith.constant 0 : i32
    %dma_wait3A_1274 = arith.constant 1 : i32
    %dma_wait3A_1275 = arith.constant 0 : i32
    %dma_wait3A_1276 = arith.constant 0 : i32
    %dma_wait3A_1277 = tpu.memref_slice %arg12[%dma_wait3A_1274, %dma_wait3A_1275, %dma_wait3A_1276] : memref<4x128x128xi32, #tpu.memory_space<vmem>> -> memref<1x128x128xi32, #tpu.memory_space<vmem>>
    %dma_wait3A_1278 = tpu.memref_squeeze %dma_wait3A_1277 : memref<1x128x128xi32, #tpu.memory_space<vmem>> -> memref<128x128xi32, #tpu.memory_space<vmem>>
    %dma_wait3A_1279 = arith.constant 0 : i32
    %dma_wait3A_1280 = tpu.memref_slice %arg11[%dma_wait3A_1273, %dma_wait3A_1279] : memref<4x128xi32, #tpu.memory_space<vmem>> -> memref<1x128xi32, #tpu.memory_space<vmem>>
    %dma_wait3A_1281 = tpu.memref_squeeze %dma_wait3A_1280 : memref<1x128xi32, #tpu.memory_space<vmem>> -> memref<128xi32, #tpu.memory_space<vmem>>
    %dma_wait3A_1282 = arith.constant 0 : i32
    %dma_wait3A_1283 = arith.constant 0 : i32
    %dma_wait3A_1284 = tpu.memref_slice %arg3[%dma_wait3A_1282, %dma_wait3A_1283] : memref<253952x128xi32, #tpu.memory_space<hbm>> -> memref<253952x128xi32, #tpu.memory_space<hbm>>
    tpu.wait_indirect_dma semaphore(%arg13 : memref<!tpu.dma_semaphore, #tpu.memory_space<semaphore_mem>>) src(%dma_wait3A_1284 : memref<253952x128xi32, #tpu.memory_space<hbm>>) dst(%dma_wait3A_1278 : memref<128x128xi32, #tpu.memory_space<vmem>>)
    %add3A_1285 = arith.constant 0 : i32
    %add3A_1286 = arith.addi %mul3A_2, %add3A_1285 : i32
    %run_scoped3A_1287 = arith.constant 1 : i32
    "tpu.region"() ({
      %run_scoped3A_1426 = tpu.sem_alloc : memref<!tpu.dma_semaphore, #tpu.memory_space<semaphore_mem>>
      %dma_start3A_1427 = arith.constant 0 : i32
      %dma_start3A_1428 = arith.constant 0 : i32
      %dma_start3A_1429 = tpu.memref_slice %arg12[%run_scoped3A_1287, %dma_start3A_1427, %dma_start3A_1428] : memref<4x128x128xi32, #tpu.memory_space<vmem>> -> memref<1x128x128xi32, #tpu.memory_space<vmem>>
      %dma_start3A_1430 = tpu.memref_squeeze %dma_start3A_1429 : memref<1x128x128xi32, #tpu.memory_space<vmem>> -> memref<128x128xi32, #tpu.memory_space<vmem>>
      %dma_start3A_1431 = arith.constant 0 : i32
      %dma_start3A_1432 = tpu.memref_slice %arg7[%add3A_1286, %dma_start3A_1431] : memref<16384x128xi32, #tpu.memory_space<hbm>> -> memref<128x128xi32, #tpu.memory_space<hbm>>
      %dma_start3A_1433 = arith.constant 0 : i32
      %dma_start3A_1434 = tpu.memref_slice %arg7[%add3A_1286, %dma_start3A_1433] : memref<16384x128xi32, #tpu.memory_space<hbm>> -> memref<128x128xi32, #tpu.memory_space<hbm>>
      %dma_start3A_1435 = arith.constant 0 : i32
      %dma_start3A_1436 = arith.constant 0 : i32
      %dma_start3A_1437 = tpu.memref_slice %arg12[%run_scoped3A_1287, %dma_start3A_1435, %dma_start3A_1436] : memref<4x128x128xi32, #tpu.memory_space<vmem>> -> memref<1x128x128xi32, #tpu.memory_space<vmem>>
      %dma_start3A_1438 = tpu.memref_squeeze %dma_start3A_1437 : memref<1x128x128xi32, #tpu.memory_space<vmem>> -> memref<128x128xi32, #tpu.memory_space<vmem>>
      tpu.enqueue_dma source(%dma_start3A_1438 : memref<128x128xi32, #tpu.memory_space<vmem>>) target(%dma_start3A_1434 : memref<128x128xi32, #tpu.memory_space<hbm>>) target_semaphore(%run_scoped3A_1426 : memref<!tpu.dma_semaphore, #tpu.memory_space<semaphore_mem>>)
      %dma_wait3A_1439 = arith.constant 0 : i32
      %dma_wait3A_1440 = arith.constant 0 : i32
      %dma_wait3A_1441 = tpu.memref_slice %arg12[%run_scoped3A_1287, %dma_wait3A_1439, %dma_wait3A_1440] : memref<4x128x128xi32, #tpu.memory_space<vmem>> -> memref<1x128x128xi32, #tpu.memory_space<vmem>>
      %dma_wait3A_1442 = tpu.memref_squeeze %dma_wait3A_1441 : memref<1x128x128xi32, #tpu.memory_space<vmem>> -> memref<128x128xi32, #tpu.memory_space<vmem>>
      %dma_wait3A_1443 = arith.constant 0 : i32
      %dma_wait3A_1444 = tpu.memref_slice %arg7[%add3A_1286, %dma_wait3A_1443] : memref<16384x128xi32, #tpu.memory_space<hbm>> -> memref<128x128xi32, #tpu.memory_space<hbm>>
      %dma_wait3A_1445 = arith.constant 0 : i32
      %dma_wait3A_1446 = tpu.memref_slice %arg7[%add3A_1286, %dma_wait3A_1445] : memref<16384x128xi32, #tpu.memory_space<hbm>> -> memref<128x128xi32, #tpu.memory_space<hbm>>
      %dma_wait3A_1447 = arith.constant 0 : i32
      %dma_wait3A_1448 = arith.constant 0 : i32
      %dma_wait3A_1449 = tpu.memref_slice %arg12[%run_scoped3A_1287, %dma_wait3A_1447, %dma_wait3A_1448] : memref<4x128x128xi32, #tpu.memory_space<vmem>> -> memref<1x128x128xi32, #tpu.memory_space<vmem>>
      %dma_wait3A_1450 = tpu.memref_squeeze %dma_wait3A_1449 : memref<1x128x128xi32, #tpu.memory_space<vmem>> -> memref<128x128xi32, #tpu.memory_space<vmem>>
      tpu.wait_dma2 semaphore(%run_scoped3A_1426 : memref<!tpu.dma_semaphore, #tpu.memory_space<semaphore_mem>>) src(%dma_wait3A_1450 : memref<128x128xi32, #tpu.memory_space<vmem>>) dst(%dma_wait3A_1446 : memref<128x128xi32, #tpu.memory_space<hbm>>)
      tpu.yield
    }) : () -> ()
    %dma_start3A_1288 = arith.constant 2 : i32
    %dma_start3A_1289 = arith.constant 0 : i32
    %dma_start3A_1290 = arith.constant 0 : i32
    %dma_start3A_1291 = arith.constant 0 : i32
    %dma_start3A_1292 = tpu.memref_slice %arg12[%dma_start3A_1289, %dma_start3A_1290, %dma_start3A_1291] : memref<4x128x128xi32, #tpu.memory_space<vmem>> -> memref<1x128x128xi32, #tpu.memory_space<vmem>>
    %dma_start3A_1293 = tpu.memref_squeeze %dma_start3A_1292 : memref<1x128x128xi32, #tpu.memory_space<vmem>> -> memref<128x128xi32, #tpu.memory_space<vmem>>
    %dma_start3A_1294 = arith.constant 0 : i32
    %dma_start3A_1295 = tpu.memref_slice %arg10[%dma_start3A_1288, %dma_start3A_1294] : memref<4x128xi32, #tpu.memory_space<vmem>> -> memref<1x128xi32, #tpu.memory_space<vmem>>
    %dma_start3A_1296 = tpu.memref_squeeze %dma_start3A_1295 : memref<1x128xi32, #tpu.memory_space<vmem>> -> memref<128xi32, #tpu.memory_space<vmem>>
    %dma_start3A_1297 = arith.constant 0 : i32
    %dma_start3A_1298 = arith.constant 0 : i32
    %dma_start3A_1299 = tpu.memref_slice %arg2[%dma_start3A_1297, %dma_start3A_1298] : memref<253952x128xi32, #tpu.memory_space<hbm>> -> memref<253952x128xi32, #tpu.memory_space<hbm>>
    tpu.enqueue_indirect_dma source(%dma_start3A_1299 : memref<253952x128xi32, #tpu.memory_space<hbm>>) target(%dma_start3A_1293 : memref<128x128xi32, #tpu.memory_space<vmem>>) offsets(%dma_start3A_1296 : memref<128xi32, #tpu.memory_space<vmem>>) semaphore(%arg13 : memref<!tpu.dma_semaphore, #tpu.memory_space<semaphore_mem>>)
    %dma_start3A_1300 = arith.constant 2 : i32
    %dma_start3A_1301 = arith.constant 1 : i32
    %dma_start3A_1302 = arith.constant 0 : i32
    %dma_start3A_1303 = arith.constant 0 : i32
    %dma_start3A_1304 = tpu.memref_slice %arg12[%dma_start3A_1301, %dma_start3A_1302, %dma_start3A_1303] : memref<4x128x128xi32, #tpu.memory_space<vmem>> -> memref<1x128x128xi32, #tpu.memory_space<vmem>>
    %dma_start3A_1305 = tpu.memref_squeeze %dma_start3A_1304 : memref<1x128x128xi32, #tpu.memory_space<vmem>> -> memref<128x128xi32, #tpu.memory_space<vmem>>
    %dma_start3A_1306 = arith.constant 0 : i32
    %dma_start3A_1307 = tpu.memref_slice %arg11[%dma_start3A_1300, %dma_start3A_1306] : memref<4x128xi32, #tpu.memory_space<vmem>> -> memref<1x128xi32, #tpu.memory_space<vmem>>
    %dma_start3A_1308 = tpu.memref_squeeze %dma_start3A_1307 : memref<1x128xi32, #tpu.memory_space<vmem>> -> memref<128xi32, #tpu.memory_space<vmem>>
    %dma_start3A_1309 = arith.constant 0 : i32
    %dma_start3A_1310 = arith.constant 0 : i32
    %dma_start3A_1311 = tpu.memref_slice %arg3[%dma_start3A_1309, %dma_start3A_1310] : memref<253952x128xi32, #tpu.memory_space<hbm>> -> memref<253952x128xi32, #tpu.memory_space<hbm>>
    tpu.enqueue_indirect_dma source(%dma_start3A_1311 : memref<253952x128xi32, #tpu.memory_space<hbm>>) target(%dma_start3A_1305 : memref<128x128xi32, #tpu.memory_space<vmem>>) offsets(%dma_start3A_1308 : memref<128xi32, #tpu.memory_space<vmem>>) semaphore(%arg13 : memref<!tpu.dma_semaphore, #tpu.memory_space<semaphore_mem>>)
    %dma_wait3A_1312 = arith.constant 1 : i32
    %dma_wait3A_1313 = arith.constant 2 : i32
    %dma_wait3A_1314 = arith.constant 0 : i32
    %dma_wait3A_1315 = arith.constant 0 : i32
    %dma_wait3A_1316 = tpu.memref_slice %arg12[%dma_wait3A_1313, %dma_wait3A_1314, %dma_wait3A_1315] : memref<4x128x128xi32, #tpu.memory_space<vmem>> -> memref<1x128x128xi32, #tpu.memory_space<vmem>>
    %dma_wait3A_1317 = tpu.memref_squeeze %dma_wait3A_1316 : memref<1x128x128xi32, #tpu.memory_space<vmem>> -> memref<128x128xi32, #tpu.memory_space<vmem>>
    %dma_wait3A_1318 = arith.constant 0 : i32
    %dma_wait3A_1319 = tpu.memref_slice %arg10[%dma_wait3A_1312, %dma_wait3A_1318] : memref<4x128xi32, #tpu.memory_space<vmem>> -> memref<1x128xi32, #tpu.memory_space<vmem>>
    %dma_wait3A_1320 = tpu.memref_squeeze %dma_wait3A_1319 : memref<1x128xi32, #tpu.memory_space<vmem>> -> memref<128xi32, #tpu.memory_space<vmem>>
    %dma_wait3A_1321 = arith.constant 0 : i32
    %dma_wait3A_1322 = arith.constant 0 : i32
    %dma_wait3A_1323 = tpu.memref_slice %arg2[%dma_wait3A_1321, %dma_wait3A_1322] : memref<253952x128xi32, #tpu.memory_space<hbm>> -> memref<253952x128xi32, #tpu.memory_space<hbm>>
    tpu.wait_indirect_dma semaphore(%arg13 : memref<!tpu.dma_semaphore, #tpu.memory_space<semaphore_mem>>) src(%dma_wait3A_1323 : memref<253952x128xi32, #tpu.memory_space<hbm>>) dst(%dma_wait3A_1317 : memref<128x128xi32, #tpu.memory_space<vmem>>)
    %add3A_1324 = arith.constant 128 : i32
    %add3A_1325 = arith.addi %mul3A_2, %add3A_1324 : i32
    %run_scoped3A_1326 = arith.constant 2 : i32
    "tpu.region"() ({
      %run_scoped3A_1426 = tpu.sem_alloc : memref<!tpu.dma_semaphore, #tpu.memory_space<semaphore_mem>>
      %dma_start3A_1427 = arith.constant 0 : i32
      %dma_start3A_1428 = arith.constant 0 : i32
      %dma_start3A_1429 = tpu.memref_slice %arg12[%run_scoped3A_1326, %dma_start3A_1427, %dma_start3A_1428] : memref<4x128x128xi32, #tpu.memory_space<vmem>> -> memref<1x128x128xi32, #tpu.memory_space<vmem>>
      %dma_start3A_1430 = tpu.memref_squeeze %dma_start3A_1429 : memref<1x128x128xi32, #tpu.memory_space<vmem>> -> memref<128x128xi32, #tpu.memory_space<vmem>>
      %dma_start3A_1431 = arith.constant 0 : i32
      %dma_start3A_1432 = tpu.memref_slice %arg6[%add3A_1325, %dma_start3A_1431] : memref<16384x128xi32, #tpu.memory_space<hbm>> -> memref<128x128xi32, #tpu.memory_space<hbm>>
      %dma_start3A_1433 = arith.constant 0 : i32
      %dma_start3A_1434 = tpu.memref_slice %arg6[%add3A_1325, %dma_start3A_1433] : memref<16384x128xi32, #tpu.memory_space<hbm>> -> memref<128x128xi32, #tpu.memory_space<hbm>>
      %dma_start3A_1435 = arith.constant 0 : i32
      %dma_start3A_1436 = arith.constant 0 : i32
      %dma_start3A_1437 = tpu.memref_slice %arg12[%run_scoped3A_1326, %dma_start3A_1435, %dma_start3A_1436] : memref<4x128x128xi32, #tpu.memory_space<vmem>> -> memref<1x128x128xi32, #tpu.memory_space<vmem>>
      %dma_start3A_1438 = tpu.memref_squeeze %dma_start3A_1437 : memref<1x128x128xi32, #tpu.memory_space<vmem>> -> memref<128x128xi32, #tpu.memory_space<vmem>>
      tpu.enqueue_dma source(%dma_start3A_1438 : memref<128x128xi32, #tpu.memory_space<vmem>>) target(%dma_start3A_1434 : memref<128x128xi32, #tpu.memory_space<hbm>>) target_semaphore(%run_scoped3A_1426 : memref<!tpu.dma_semaphore, #tpu.memory_space<semaphore_mem>>)
      %dma_wait3A_1439 = arith.constant 0 : i32
      %dma_wait3A_1440 = arith.constant 0 : i32
      %dma_wait3A_1441 = tpu.memref_slice %arg12[%run_scoped3A_1326, %dma_wait3A_1439, %dma_wait3A_1440] : memref<4x128x128xi32, #tpu.memory_space<vmem>> -> memref<1x128x128xi32, #tpu.memory_space<vmem>>
      %dma_wait3A_1442 = tpu.memref_squeeze %dma_wait3A_1441 : memref<1x128x128xi32, #tpu.memory_space<vmem>> -> memref<128x128xi32, #tpu.memory_space<vmem>>
      %dma_wait3A_1443 = arith.constant 0 : i32
      %dma_wait3A_1444 = tpu.memref_slice %arg6[%add3A_1325, %dma_wait3A_1443] : memref<16384x128xi32, #tpu.memory_space<hbm>> -> memref<128x128xi32, #tpu.memory_space<hbm>>
      %dma_wait3A_1445 = arith.constant 0 : i32
      %dma_wait3A_1446 = tpu.memref_slice %arg6[%add3A_1325, %dma_wait3A_1445] : memref<16384x128xi32, #tpu.memory_space<hbm>> -> memref<128x128xi32, #tpu.memory_space<hbm>>
      %dma_wait3A_1447 = arith.constant 0 : i32
      %dma_wait3A_1448 = arith.constant 0 : i32
      %dma_wait3A_1449 = tpu.memref_slice %arg12[%run_scoped3A_1326, %dma_wait3A_1447, %dma_wait3A_1448] : memref<4x128x128xi32, #tpu.memory_space<vmem>> -> memref<1x128x128xi32, #tpu.memory_space<vmem>>
      %dma_wait3A_1450 = tpu.memref_squeeze %dma_wait3A_1449 : memref<1x128x128xi32, #tpu.memory_space<vmem>> -> memref<128x128xi32, #tpu.memory_space<vmem>>
      tpu.wait_dma2 semaphore(%run_scoped3A_1426 : memref<!tpu.dma_semaphore, #tpu.memory_space<semaphore_mem>>) src(%dma_wait3A_1450 : memref<128x128xi32, #tpu.memory_space<vmem>>) dst(%dma_wait3A_1446 : memref<128x128xi32, #tpu.memory_space<hbm>>)
      tpu.yield
    }) : () -> ()
    %dma_wait3A_1327 = arith.constant 1 : i32
    %dma_wait3A_1328 = arith.constant 3 : i32
    %dma_wait3A_1329 = arith.constant 0 : i32
    %dma_wait3A_1330 = arith.constant 0 : i32
    %dma_wait3A_1331 = tpu.memref_slice %arg12[%dma_wait3A_1328, %dma_wait3A_1329, %dma_wait3A_1330] : memref<4x128x128xi32, #tpu.memory_space<vmem>> -> memref<1x128x128xi32, #tpu.memory_space<vmem>>
    %dma_wait3A_1332 = tpu.memref_squeeze %dma_wait3A_1331 : memref<1x128x128xi32, #tpu.memory_space<vmem>> -> memref<128x128xi32, #tpu.memory_space<vmem>>
    %dma_wait3A_1333 = arith.constant 0 : i32
    %dma_wait3A_1334 = tpu.memref_slice %arg11[%dma_wait3A_1327, %dma_wait3A_1333] : memref<4x128xi32, #tpu.memory_space<vmem>> -> memref<1x128xi32, #tpu.memory_space<vmem>>
    %dma_wait3A_1335 = tpu.memref_squeeze %dma_wait3A_1334 : memref<1x128xi32, #tpu.memory_space<vmem>> -> memref<128xi32, #tpu.memory_space<vmem>>
    %dma_wait3A_1336 = arith.constant 0 : i32
    %dma_wait3A_1337 = arith.constant 0 : i32
    %dma_wait3A_1338 = tpu.memref_slice %arg3[%dma_wait3A_1336, %dma_wait3A_1337] : memref<253952x128xi32, #tpu.memory_space<hbm>> -> memref<253952x128xi32, #tpu.memory_space<hbm>>
    tpu.wait_indirect_dma semaphore(%arg13 : memref<!tpu.dma_semaphore, #tpu.memory_space<semaphore_mem>>) src(%dma_wait3A_1338 : memref<253952x128xi32, #tpu.memory_space<hbm>>) dst(%dma_wait3A_1332 : memref<128x128xi32, #tpu.memory_space<vmem>>)
    %add3A_1339 = arith.constant 128 : i32
    %add3A_1340 = arith.addi %mul3A_2, %add3A_1339 : i32
    %run_scoped3A_1341 = arith.constant 3 : i32
    "tpu.region"() ({
      %run_scoped3A_1426 = tpu.sem_alloc : memref<!tpu.dma_semaphore, #tpu.memory_space<semaphore_mem>>
      %dma_start3A_1427 = arith.constant 0 : i32
      %dma_start3A_1428 = arith.constant 0 : i32
      %dma_start3A_1429 = tpu.memref_slice %arg12[%run_scoped3A_1341, %dma_start3A_1427, %dma_start3A_1428] : memref<4x128x128xi32, #tpu.memory_space<vmem>> -> memref<1x128x128xi32, #tpu.memory_space<vmem>>
      %dma_start3A_1430 = tpu.memref_squeeze %dma_start3A_1429 : memref<1x128x128xi32, #tpu.memory_space<vmem>> -> memref<128x128xi32, #tpu.memory_space<vmem>>
      %dma_start3A_1431 = arith.constant 0 : i32
      %dma_start3A_1432 = tpu.memref_slice %arg7[%add3A_1340, %dma_start3A_1431] : memref<16384x128xi32, #tpu.memory_space<hbm>> -> memref<128x128xi32, #tpu.memory_space<hbm>>
      %dma_start3A_1433 = arith.constant 0 : i32
      %dma_start3A_1434 = tpu.memref_slice %arg7[%add3A_1340, %dma_start3A_1433] : memref<16384x128xi32, #tpu.memory_space<hbm>> -> memref<128x128xi32, #tpu.memory_space<hbm>>
      %dma_start3A_1435 = arith.constant 0 : i32
      %dma_start3A_1436 = arith.constant 0 : i32
      %dma_start3A_1437 = tpu.memref_slice %arg12[%run_scoped3A_1341, %dma_start3A_1435, %dma_start3A_1436] : memref<4x128x128xi32, #tpu.memory_space<vmem>> -> memref<1x128x128xi32, #tpu.memory_space<vmem>>
      %dma_start3A_1438 = tpu.memref_squeeze %dma_start3A_1437 : memref<1x128x128xi32, #tpu.memory_space<vmem>> -> memref<128x128xi32, #tpu.memory_space<vmem>>
      tpu.enqueue_dma source(%dma_start3A_1438 : memref<128x128xi32, #tpu.memory_space<vmem>>) target(%dma_start3A_1434 : memref<128x128xi32, #tpu.memory_space<hbm>>) target_semaphore(%run_scoped3A_1426 : memref<!tpu.dma_semaphore, #tpu.memory_space<semaphore_mem>>)
      %dma_wait3A_1439 = arith.constant 0 : i32
      %dma_wait3A_1440 = arith.constant 0 : i32
      %dma_wait3A_1441 = tpu.memref_slice %arg12[%run_scoped3A_1341, %dma_wait3A_1439, %dma_wait3A_1440] : memref<4x128x128xi32, #tpu.memory_space<vmem>> -> memref<1x128x128xi32, #tpu.memory_space<vmem>>
      %dma_wait3A_1442 = tpu.memref_squeeze %dma_wait3A_1441 : memref<1x128x128xi32, #tpu.memory_space<vmem>> -> memref<128x128xi32, #tpu.memory_space<vmem>>
      %dma_wait3A_1443 = arith.constant 0 : i32
      %dma_wait3A_1444 = tpu.memref_slice %arg7[%add3A_1340, %dma_wait3A_1443] : memref<16384x128xi32, #tpu.memory_space<hbm>> -> memref<128x128xi32, #tpu.memory_space<hbm>>
      %dma_wait3A_1445 = arith.constant 0 : i32
      %dma_wait3A_1446 = tpu.memref_slice %arg7[%add3A_1340, %dma_wait3A_1445] : memref<16384x128xi32, #tpu.memory_space<hbm>> -> memref<128x128xi32, #tpu.memory_space<hbm>>
      %dma_wait3A_1447 = arith.constant 0 : i32
      %dma_wait3A_1448 = arith.constant 0 : i32
      %dma_wait3A_1449 = tpu.memref_slice %arg12[%run_scoped3A_1341, %dma_wait3A_1447, %dma_wait3A_1448] : memref<4x128x128xi32, #tpu.memory_space<vmem>> -> memref<1x128x128xi32, #tpu.memory_space<vmem>>
      %dma_wait3A_1450 = tpu.memref_squeeze %dma_wait3A_1449 : memref<1x128x128xi32, #tpu.memory_space<vmem>> -> memref<128x128xi32, #tpu.memory_space<vmem>>
      tpu.wait_dma2 semaphore(%run_scoped3A_1426 : memref<!tpu.dma_semaphore, #tpu.memory_space<semaphore_mem>>) src(%dma_wait3A_1450 : memref<128x128xi32, #tpu.memory_space<vmem>>) dst(%dma_wait3A_1446 : memref<128x128xi32, #tpu.memory_space<hbm>>)
      tpu.yield
    }) : () -> ()
    %dma_start3A_1342 = arith.constant 3 : i32
    %dma_start3A_1343 = arith.constant 2 : i32
    %dma_start3A_1344 = arith.constant 0 : i32
    %dma_start3A_1345 = arith.constant 0 : i32
    %dma_start3A_1346 = tpu.memref_slice %arg12[%dma_start3A_1343, %dma_start3A_1344, %dma_start3A_1345] : memref<4x128x128xi32, #tpu.memory_space<vmem>> -> memref<1x128x128xi32, #tpu.memory_space<vmem>>
    %dma_start3A_1347 = tpu.memref_squeeze %dma_start3A_1346 : memref<1x128x128xi32, #tpu.memory_space<vmem>> -> memref<128x128xi32, #tpu.memory_space<vmem>>
    %dma_start3A_1348 = arith.constant 0 : i32
    %dma_start3A_1349 = tpu.memref_slice %arg10[%dma_start3A_1342, %dma_start3A_1348] : memref<4x128xi32, #tpu.memory_space<vmem>> -> memref<1x128xi32, #tpu.memory_space<vmem>>
    %dma_start3A_1350 = tpu.memref_squeeze %dma_start3A_1349 : memref<1x128xi32, #tpu.memory_space<vmem>> -> memref<128xi32, #tpu.memory_space<vmem>>
    %dma_start3A_1351 = arith.constant 0 : i32
    %dma_start3A_1352 = arith.constant 0 : i32
    %dma_start3A_1353 = tpu.memref_slice %arg2[%dma_start3A_1351, %dma_start3A_1352] : memref<253952x128xi32, #tpu.memory_space<hbm>> -> memref<253952x128xi32, #tpu.memory_space<hbm>>
    tpu.enqueue_indirect_dma source(%dma_start3A_1353 : memref<253952x128xi32, #tpu.memory_space<hbm>>) target(%dma_start3A_1347 : memref<128x128xi32, #tpu.memory_space<vmem>>) offsets(%dma_start3A_1350 : memref<128xi32, #tpu.memory_space<vmem>>) semaphore(%arg13 : memref<!tpu.dma_semaphore, #tpu.memory_space<semaphore_mem>>)
    %dma_start3A_1354 = arith.constant 3 : i32
    %dma_start3A_1355 = arith.constant 3 : i32
    %dma_start3A_1356 = arith.constant 0 : i32
    %dma_start3A_1357 = arith.constant 0 : i32
    %dma_start3A_1358 = tpu.memref_slice %arg12[%dma_start3A_1355, %dma_start3A_1356, %dma_start3A_1357] : memref<4x128x128xi32, #tpu.memory_space<vmem>> -> memref<1x128x128xi32, #tpu.memory_space<vmem>>
    %dma_start3A_1359 = tpu.memref_squeeze %dma_start3A_1358 : memref<1x128x128xi32, #tpu.memory_space<vmem>> -> memref<128x128xi32, #tpu.memory_space<vmem>>
    %dma_start3A_1360 = arith.constant 0 : i32
    %dma_start3A_1361 = tpu.memref_slice %arg11[%dma_start3A_1354, %dma_start3A_1360] : memref<4x128xi32, #tpu.memory_space<vmem>> -> memref<1x128xi32, #tpu.memory_space<vmem>>
    %dma_start3A_1362 = tpu.memref_squeeze %dma_start3A_1361 : memref<1x128xi32, #tpu.memory_space<vmem>> -> memref<128xi32, #tpu.memory_space<vmem>>
    %dma_start3A_1363 = arith.constant 0 : i32
    %dma_start3A_1364 = arith.constant 0 : i32
    %dma_start3A_1365 = tpu.memref_slice %arg3[%dma_start3A_1363, %dma_start3A_1364] : memref<253952x128xi32, #tpu.memory_space<hbm>> -> memref<253952x128xi32, #tpu.memory_space<hbm>>
    tpu.enqueue_indirect_dma source(%dma_start3A_1365 : memref<253952x128xi32, #tpu.memory_space<hbm>>) target(%dma_start3A_1359 : memref<128x128xi32, #tpu.memory_space<vmem>>) offsets(%dma_start3A_1362 : memref<128xi32, #tpu.memory_space<vmem>>) semaphore(%arg13 : memref<!tpu.dma_semaphore, #tpu.memory_space<semaphore_mem>>)
    %dma_wait3A_1366 = arith.constant 2 : i32
    %dma_wait3A_1367 = arith.constant 0 : i32
    %dma_wait3A_1368 = arith.constant 0 : i32
    %dma_wait3A_1369 = arith.constant 0 : i32
    %dma_wait3A_1370 = tpu.memref_slice %arg12[%dma_wait3A_1367, %dma_wait3A_1368, %dma_wait3A_1369] : memref<4x128x128xi32, #tpu.memory_space<vmem>> -> memref<1x128x128xi32, #tpu.memory_space<vmem>>
    %dma_wait3A_1371 = tpu.memref_squeeze %dma_wait3A_1370 : memref<1x128x128xi32, #tpu.memory_space<vmem>> -> memref<128x128xi32, #tpu.memory_space<vmem>>
    %dma_wait3A_1372 = arith.constant 0 : i32
    %dma_wait3A_1373 = tpu.memref_slice %arg10[%dma_wait3A_1366, %dma_wait3A_1372] : memref<4x128xi32, #tpu.memory_space<vmem>> -> memref<1x128xi32, #tpu.memory_space<vmem>>
    %dma_wait3A_1374 = tpu.memref_squeeze %dma_wait3A_1373 : memref<1x128xi32, #tpu.memory_space<vmem>> -> memref<128xi32, #tpu.memory_space<vmem>>
    %dma_wait3A_1375 = arith.constant 0 : i32
    %dma_wait3A_1376 = arith.constant 0 : i32
    %dma_wait3A_1377 = tpu.memref_slice %arg2[%dma_wait3A_1375, %dma_wait3A_1376] : memref<253952x128xi32, #tpu.memory_space<hbm>> -> memref<253952x128xi32, #tpu.memory_space<hbm>>
    tpu.wait_indirect_dma semaphore(%arg13 : memref<!tpu.dma_semaphore, #tpu.memory_space<semaphore_mem>>) src(%dma_wait3A_1377 : memref<253952x128xi32, #tpu.memory_space<hbm>>) dst(%dma_wait3A_1371 : memref<128x128xi32, #tpu.memory_space<vmem>>)
    %add3A_1378 = arith.constant 256 : i32
    %add3A_1379 = arith.addi %mul3A_2, %add3A_1378 : i32
    %run_scoped3A_1380 = arith.constant 0 : i32
    "tpu.region"() ({
      %run_scoped3A_1426 = tpu.sem_alloc : memref<!tpu.dma_semaphore, #tpu.memory_space<semaphore_mem>>
      %dma_start3A_1427 = arith.constant 0 : i32
      %dma_start3A_1428 = arith.constant 0 : i32
      %dma_start3A_1429 = tpu.memref_slice %arg12[%run_scoped3A_1380, %dma_start3A_1427, %dma_start3A_1428] : memref<4x128x128xi32, #tpu.memory_space<vmem>> -> memref<1x128x128xi32, #tpu.memory_space<vmem>>
      %dma_start3A_1430 = tpu.memref_squeeze %dma_start3A_1429 : memref<1x128x128xi32, #tpu.memory_space<vmem>> -> memref<128x128xi32, #tpu.memory_space<vmem>>
      %dma_start3A_1431 = arith.constant 0 : i32
      %dma_start3A_1432 = tpu.memref_slice %arg6[%add3A_1379, %dma_start3A_1431] : memref<16384x128xi32, #tpu.memory_space<hbm>> -> memref<128x128xi32, #tpu.memory_space<hbm>>
      %dma_start3A_1433 = arith.constant 0 : i32
      %dma_start3A_1434 = tpu.memref_slice %arg6[%add3A_1379, %dma_start3A_1433] : memref<16384x128xi32, #tpu.memory_space<hbm>> -> memref<128x128xi32, #tpu.memory_space<hbm>>
      %dma_start3A_1435 = arith.constant 0 : i32
      %dma_start3A_1436 = arith.constant 0 : i32
      %dma_start3A_1437 = tpu.memref_slice %arg12[%run_scoped3A_1380, %dma_start3A_1435, %dma_start3A_1436] : memref<4x128x128xi32, #tpu.memory_space<vmem>> -> memref<1x128x128xi32, #tpu.memory_space<vmem>>
      %dma_start3A_1438 = tpu.memref_squeeze %dma_start3A_1437 : memref<1x128x128xi32, #tpu.memory_space<vmem>> -> memref<128x128xi32, #tpu.memory_space<vmem>>
      tpu.enqueue_dma source(%dma_start3A_1438 : memref<128x128xi32, #tpu.memory_space<vmem>>) target(%dma_start3A_1434 : memref<128x128xi32, #tpu.memory_space<hbm>>) target_semaphore(%run_scoped3A_1426 : memref<!tpu.dma_semaphore, #tpu.memory_space<semaphore_mem>>)
      %dma_wait3A_1439 = arith.constant 0 : i32
      %dma_wait3A_1440 = arith.constant 0 : i32
      %dma_wait3A_1441 = tpu.memref_slice %arg12[%run_scoped3A_1380, %dma_wait3A_1439, %dma_wait3A_1440] : memref<4x128x128xi32, #tpu.memory_space<vmem>> -> memref<1x128x128xi32, #tpu.memory_space<vmem>>
      %dma_wait3A_1442 = tpu.memref_squeeze %dma_wait3A_1441 : memref<1x128x128xi32, #tpu.memory_space<vmem>> -> memref<128x128xi32, #tpu.memory_space<vmem>>
      %dma_wait3A_1443 = arith.constant 0 : i32
      %dma_wait3A_1444 = tpu.memref_slice %arg6[%add3A_1379, %dma_wait3A_1443] : memref<16384x128xi32, #tpu.memory_space<hbm>> -> memref<128x128xi32, #tpu.memory_space<hbm>>
      %dma_wait3A_1445 = arith.constant 0 : i32
      %dma_wait3A_1446 = tpu.memref_slice %arg6[%add3A_1379, %dma_wait3A_1445] : memref<16384x128xi32, #tpu.memory_space<hbm>> -> memref<128x128xi32, #tpu.memory_space<hbm>>
      %dma_wait3A_1447 = arith.constant 0 : i32
      %dma_wait3A_1448 = arith.constant 0 : i32
      %dma_wait3A_1449 = tpu.memref_slice %arg12[%run_scoped3A_1380, %dma_wait3A_1447, %dma_wait3A_1448] : memref<4x128x128xi32, #tpu.memory_space<vmem>> -> memref<1x128x128xi32, #tpu.memory_space<vmem>>
      %dma_wait3A_1450 = tpu.memref_squeeze %dma_wait3A_1449 : memref<1x128x128xi32, #tpu.memory_space<vmem>> -> memref<128x128xi32, #tpu.memory_space<vmem>>
      tpu.wait_dma2 semaphore(%run_scoped3A_1426 : memref<!tpu.dma_semaphore, #tpu.memory_space<semaphore_mem>>) src(%dma_wait3A_1450 : memref<128x128xi32, #tpu.memory_space<vmem>>) dst(%dma_wait3A_1446 : memref<128x128xi32, #tpu.memory_space<hbm>>)
      tpu.yield
    }) : () -> ()
    %dma_wait3A_1381 = arith.constant 2 : i32
    %dma_wait3A_1382 = arith.constant 1 : i32
    %dma_wait3A_1383 = arith.constant 0 : i32
    %dma_wait3A_1384 = arith.constant 0 : i32
    %dma_wait3A_1385 = tpu.memref_slice %arg12[%dma_wait3A_1382, %dma_wait3A_1383, %dma_wait3A_1384] : memref<4x128x128xi32, #tpu.memory_space<vmem>> -> memref<1x128x128xi32, #tpu.memory_space<vmem>>
    %dma_wait3A_1386 = tpu.memref_squeeze %dma_wait3A_1385 : memref<1x128x128xi32, #tpu.memory_space<vmem>> -> memref<128x128xi32, #tpu.memory_space<vmem>>
    %dma_wait3A_1387 = arith.constant 0 : i32
    %dma_wait3A_1388 = tpu.memref_slice %arg11[%dma_wait3A_1381, %dma_wait3A_1387] : memref<4x128xi32, #tpu.memory_space<vmem>> -> memref<1x128xi32, #tpu.memory_space<vmem>>
    %dma_wait3A_1389 = tpu.memref_squeeze %dma_wait3A_1388 : memref<1x128xi32, #tpu.memory_space<vmem>> -> memref<128xi32, #tpu.memory_space<vmem>>
    %dma_wait3A_1390 = arith.constant 0 : i32
    %dma_wait3A_1391 = arith.constant 0 : i32
    %dma_wait3A_1392 = tpu.memref_slice %arg3[%dma_wait3A_1390, %dma_wait3A_1391] : memref<253952x128xi32, #tpu.memory_space<hbm>> -> memref<253952x128xi32, #tpu.memory_space<hbm>>
    tpu.wait_indirect_dma semaphore(%arg13 : memref<!tpu.dma_semaphore, #tpu.memory_space<semaphore_mem>>) src(%dma_wait3A_1392 : memref<253952x128xi32, #tpu.memory_space<hbm>>) dst(%dma_wait3A_1386 : memref<128x128xi32, #tpu.memory_space<vmem>>)
    %add3A_1393 = arith.constant 256 : i32
    %add3A_1394 = arith.addi %mul3A_2, %add3A_1393 : i32
    %run_scoped3A_1395 = arith.constant 1 : i32
    "tpu.region"() ({
      %run_scoped3A_1426 = tpu.sem_alloc : memref<!tpu.dma_semaphore, #tpu.memory_space<semaphore_mem>>
      %dma_start3A_1427 = arith.constant 0 : i32
      %dma_start3A_1428 = arith.constant 0 : i32
      %dma_start3A_1429 = tpu.memref_slice %arg12[%run_scoped3A_1395, %dma_start3A_1427, %dma_start3A_1428] : memref<4x128x128xi32, #tpu.memory_space<vmem>> -> memref<1x128x128xi32, #tpu.memory_space<vmem>>
      %dma_start3A_1430 = tpu.memref_squeeze %dma_start3A_1429 : memref<1x128x128xi32, #tpu.memory_space<vmem>> -> memref<128x128xi32, #tpu.memory_space<vmem>>
      %dma_start3A_1431 = arith.constant 0 : i32
      %dma_start3A_1432 = tpu.memref_slice %arg7[%add3A_1394, %dma_start3A_1431] : memref<16384x128xi32, #tpu.memory_space<hbm>> -> memref<128x128xi32, #tpu.memory_space<hbm>>
      %dma_start3A_1433 = arith.constant 0 : i32
      %dma_start3A_1434 = tpu.memref_slice %arg7[%add3A_1394, %dma_start3A_1433] : memref<16384x128xi32, #tpu.memory_space<hbm>> -> memref<128x128xi32, #tpu.memory_space<hbm>>
      %dma_start3A_1435 = arith.constant 0 : i32
      %dma_start3A_1436 = arith.constant 0 : i32
      %dma_start3A_1437 = tpu.memref_slice %arg12[%run_scoped3A_1395, %dma_start3A_1435, %dma_start3A_1436] : memref<4x128x128xi32, #tpu.memory_space<vmem>> -> memref<1x128x128xi32, #tpu.memory_space<vmem>>
      %dma_start3A_1438 = tpu.memref_squeeze %dma_start3A_1437 : memref<1x128x128xi32, #tpu.memory_space<vmem>> -> memref<128x128xi32, #tpu.memory_space<vmem>>
      tpu.enqueue_dma source(%dma_start3A_1438 : memref<128x128xi32, #tpu.memory_space<vmem>>) target(%dma_start3A_1434 : memref<128x128xi32, #tpu.memory_space<hbm>>) target_semaphore(%run_scoped3A_1426 : memref<!tpu.dma_semaphore, #tpu.memory_space<semaphore_mem>>)
      %dma_wait3A_1439 = arith.constant 0 : i32
      %dma_wait3A_1440 = arith.constant 0 : i32
      %dma_wait3A_1441 = tpu.memref_slice %arg12[%run_scoped3A_1395, %dma_wait3A_1439, %dma_wait3A_1440] : memref<4x128x128xi32, #tpu.memory_space<vmem>> -> memref<1x128x128xi32, #tpu.memory_space<vmem>>
      %dma_wait3A_1442 = tpu.memref_squeeze %dma_wait3A_1441 : memref<1x128x128xi32, #tpu.memory_space<vmem>> -> memref<128x128xi32, #tpu.memory_space<vmem>>
      %dma_wait3A_1443 = arith.constant 0 : i32
      %dma_wait3A_1444 = tpu.memref_slice %arg7[%add3A_1394, %dma_wait3A_1443] : memref<16384x128xi32, #tpu.memory_space<hbm>> -> memref<128x128xi32, #tpu.memory_space<hbm>>
      %dma_wait3A_1445 = arith.constant 0 : i32
      %dma_wait3A_1446 = tpu.memref_slice %arg7[%add3A_1394, %dma_wait3A_1445] : memref<16384x128xi32, #tpu.memory_space<hbm>> -> memref<128x128xi32, #tpu.memory_space<hbm>>
      %dma_wait3A_1447 = arith.constant 0 : i32
      %dma_wait3A_1448 = arith.constant 0 : i32
      %dma_wait3A_1449 = tpu.memref_slice %arg12[%run_scoped3A_1395, %dma_wait3A_1447, %dma_wait3A_1448] : memref<4x128x128xi32, #tpu.memory_space<vmem>> -> memref<1x128x128xi32, #tpu.memory_space<vmem>>
      %dma_wait3A_1450 = tpu.memref_squeeze %dma_wait3A_1449 : memref<1x128x128xi32, #tpu.memory_space<vmem>> -> memref<128x128xi32, #tpu.memory_space<vmem>>
      tpu.wait_dma2 semaphore(%run_scoped3A_1426 : memref<!tpu.dma_semaphore, #tpu.memory_space<semaphore_mem>>) src(%dma_wait3A_1450 : memref<128x128xi32, #tpu.memory_space<vmem>>) dst(%dma_wait3A_1446 : memref<128x128xi32, #tpu.memory_space<hbm>>)
      tpu.yield
    }) : () -> ()
    %dma_wait3A_1396 = arith.constant 3 : i32
    %dma_wait3A_1397 = arith.constant 2 : i32
    %dma_wait3A_1398 = arith.constant 0 : i32
    %dma_wait3A_1399 = arith.constant 0 : i32
    %dma_wait3A_1400 = tpu.memref_slice %arg12[%dma_wait3A_1397, %dma_wait3A_1398, %dma_wait3A_1399] : memref<4x128x128xi32, #tpu.memory_space<vmem>> -> memref<1x128x128xi32, #tpu.memory_space<vmem>>
    %dma_wait3A_1401 = tpu.memref_squeeze %dma_wait3A_1400 : memref<1x128x128xi32, #tpu.memory_space<vmem>> -> memref<128x128xi32, #tpu.memory_space<vmem>>
    %dma_wait3A_1402 = arith.constant 0 : i32
    %dma_wait3A_1403 = tpu.memref_slice %arg10[%dma_wait3A_1396, %dma_wait3A_1402] : memref<4x128xi32, #tpu.memory_space<vmem>> -> memref<1x128xi32, #tpu.memory_space<vmem>>
    %dma_wait3A_1404 = tpu.memref_squeeze %dma_wait3A_1403 : memref<1x128xi32, #tpu.memory_space<vmem>> -> memref<128xi32, #tpu.memory_space<vmem>>
    %dma_wait3A_1405 = arith.constant 0 : i32
    %dma_wait3A_1406 = arith.constant 0 : i32
    %dma_wait3A_1407 = tpu.memref_slice %arg2[%dma_wait3A_1405, %dma_wait3A_1406] : memref<253952x128xi32, #tpu.memory_space<hbm>> -> memref<253952x128xi32, #tpu.memory_space<hbm>>
    tpu.wait_indirect_dma semaphore(%arg13 : memref<!tpu.dma_semaphore, #tpu.memory_space<semaphore_mem>>) src(%dma_wait3A_1407 : memref<253952x128xi32, #tpu.memory_space<hbm>>) dst(%dma_wait3A_1401 : memref<128x128xi32, #tpu.memory_space<vmem>>)
    %add3A_1408 = arith.constant 384 : i32
    %add3A_1409 = arith.addi %mul3A_2, %add3A_1408 : i32
    %run_scoped3A_1410 = arith.constant 2 : i32
    "tpu.region"() ({
      %run_scoped3A_1426 = tpu.sem_alloc : memref<!tpu.dma_semaphore, #tpu.memory_space<semaphore_mem>>
      %dma_start3A_1427 = arith.constant 0 : i32
      %dma_start3A_1428 = arith.constant 0 : i32
      %dma_start3A_1429 = tpu.memref_slice %arg12[%run_scoped3A_1410, %dma_start3A_1427, %dma_start3A_1428] : memref<4x128x128xi32, #tpu.memory_space<vmem>> -> memref<1x128x128xi32, #tpu.memory_space<vmem>>
      %dma_start3A_1430 = tpu.memref_squeeze %dma_start3A_1429 : memref<1x128x128xi32, #tpu.memory_space<vmem>> -> memref<128x128xi32, #tpu.memory_space<vmem>>
      %dma_start3A_1431 = arith.constant 0 : i32
      %dma_start3A_1432 = tpu.memref_slice %arg6[%add3A_1409, %dma_start3A_1431] : memref<16384x128xi32, #tpu.memory_space<hbm>> -> memref<128x128xi32, #tpu.memory_space<hbm>>
      %dma_start3A_1433 = arith.constant 0 : i32
      %dma_start3A_1434 = tpu.memref_slice %arg6[%add3A_1409, %dma_start3A_1433] : memref<16384x128xi32, #tpu.memory_space<hbm>> -> memref<128x128xi32, #tpu.memory_space<hbm>>
      %dma_start3A_1435 = arith.constant 0 : i32
      %dma_start3A_1436 = arith.constant 0 : i32
      %dma_start3A_1437 = tpu.memref_slice %arg12[%run_scoped3A_1410, %dma_start3A_1435, %dma_start3A_1436] : memref<4x128x128xi32, #tpu.memory_space<vmem>> -> memref<1x128x128xi32, #tpu.memory_space<vmem>>
      %dma_start3A_1438 = tpu.memref_squeeze %dma_start3A_1437 : memref<1x128x128xi32, #tpu.memory_space<vmem>> -> memref<128x128xi32, #tpu.memory_space<vmem>>
      tpu.enqueue_dma source(%dma_start3A_1438 : memref<128x128xi32, #tpu.memory_space<vmem>>) target(%dma_start3A_1434 : memref<128x128xi32, #tpu.memory_space<hbm>>) target_semaphore(%run_scoped3A_1426 : memref<!tpu.dma_semaphore, #tpu.memory_space<semaphore_mem>>)
      %dma_wait3A_1439 = arith.constant 0 : i32
      %dma_wait3A_1440 = arith.constant 0 : i32
      %dma_wait3A_1441 = tpu.memref_slice %arg12[%run_scoped3A_1410, %dma_wait3A_1439, %dma_wait3A_1440] : memref<4x128x128xi32, #tpu.memory_space<vmem>> -> memref<1x128x128xi32, #tpu.memory_space<vmem>>
      %dma_wait3A_1442 = tpu.memref_squeeze %dma_wait3A_1441 : memref<1x128x128xi32, #tpu.memory_space<vmem>> -> memref<128x128xi32, #tpu.memory_space<vmem>>
      %dma_wait3A_1443 = arith.constant 0 : i32
      %dma_wait3A_1444 = tpu.memref_slice %arg6[%add3A_1409, %dma_wait3A_1443] : memref<16384x128xi32, #tpu.memory_space<hbm>> -> memref<128x128xi32, #tpu.memory_space<hbm>>
      %dma_wait3A_1445 = arith.constant 0 : i32
      %dma_wait3A_1446 = tpu.memref_slice %arg6[%add3A_1409, %dma_wait3A_1445] : memref<16384x128xi32, #tpu.memory_space<hbm>> -> memref<128x128xi32, #tpu.memory_space<hbm>>
      %dma_wait3A_1447 = arith.constant 0 : i32
      %dma_wait3A_1448 = arith.constant 0 : i32
      %dma_wait3A_1449 = tpu.memref_slice %arg12[%run_scoped3A_1410, %dma_wait3A_1447, %dma_wait3A_1448] : memref<4x128x128xi32, #tpu.memory_space<vmem>> -> memref<1x128x128xi32, #tpu.memory_space<vmem>>
      %dma_wait3A_1450 = tpu.memref_squeeze %dma_wait3A_1449 : memref<1x128x128xi32, #tpu.memory_space<vmem>> -> memref<128x128xi32, #tpu.memory_space<vmem>>
      tpu.wait_dma2 semaphore(%run_scoped3A_1426 : memref<!tpu.dma_semaphore, #tpu.memory_space<semaphore_mem>>) src(%dma_wait3A_1450 : memref<128x128xi32, #tpu.memory_space<vmem>>) dst(%dma_wait3A_1446 : memref<128x128xi32, #tpu.memory_space<hbm>>)
      tpu.yield
    }) : () -> ()
    %dma_wait3A_1411 = arith.constant 3 : i32
    %dma_wait3A_1412 = arith.constant 3 : i32
    %dma_wait3A_1413 = arith.constant 0 : i32
    %dma_wait3A_1414 = arith.constant 0 : i32
    %dma_wait3A_1415 = tpu.memref_slice %arg12[%dma_wait3A_1412, %dma_wait3A_1413, %dma_wait3A_1414] : memref<4x128x128xi32, #tpu.memory_space<vmem>> -> memref<1x128x128xi32, #tpu.memory_space<vmem>>
    %dma_wait3A_1416 = tpu.memref_squeeze %dma_wait3A_1415 : memref<1x128x128xi32, #tpu.memory_space<vmem>> -> memref<128x128xi32, #tpu.memory_space<vmem>>
    %dma_wait3A_1417 = arith.constant 0 : i32
    %dma_wait3A_1418 = tpu.memref_slice %arg11[%dma_wait3A_1411, %dma_wait3A_1417] : memref<4x128xi32, #tpu.memory_space<vmem>> -> memref<1x128xi32, #tpu.memory_space<vmem>>
    %dma_wait3A_1419 = tpu.memref_squeeze %dma_wait3A_1418 : memref<1x128xi32, #tpu.memory_space<vmem>> -> memref<128xi32, #tpu.memory_space<vmem>>
    %dma_wait3A_1420 = arith.constant 0 : i32
    %dma_wait3A_1421 = arith.constant 0 : i32
    %dma_wait3A_1422 = tpu.memref_slice %arg3[%dma_wait3A_1420, %dma_wait3A_1421] : memref<253952x128xi32, #tpu.memory_space<hbm>> -> memref<253952x128xi32, #tpu.memory_space<hbm>>
    tpu.wait_indirect_dma semaphore(%arg13 : memref<!tpu.dma_semaphore, #tpu.memory_space<semaphore_mem>>) src(%dma_wait3A_1422 : memref<253952x128xi32, #tpu.memory_space<hbm>>) dst(%dma_wait3A_1416 : memref<128x128xi32, #tpu.memory_space<vmem>>)
    %add3A_1423 = arith.constant 384 : i32
    %add3A_1424 = arith.addi %mul3A_2, %add3A_1423 : i32
    %run_scoped3A_1425 = arith.constant 3 : i32
    "tpu.region"() ({
      %run_scoped3A_1426 = tpu.sem_alloc : memref<!tpu.dma_semaphore, #tpu.memory_space<semaphore_mem>>
      %dma_start3A_1427 = arith.constant 0 : i32
      %dma_start3A_1428 = arith.constant 0 : i32
      %dma_start3A_1429 = tpu.memref_slice %arg12[%run_scoped3A_1425, %dma_start3A_1427, %dma_start3A_1428] : memref<4x128x128xi32, #tpu.memory_space<vmem>> -> memref<1x128x128xi32, #tpu.memory_space<vmem>>
      %dma_start3A_1430 = tpu.memref_squeeze %dma_start3A_1429 : memref<1x128x128xi32, #tpu.memory_space<vmem>> -> memref<128x128xi32, #tpu.memory_space<vmem>>
      %dma_start3A_1431 = arith.constant 0 : i32
      %dma_start3A_1432 = tpu.memref_slice %arg7[%add3A_1424, %dma_start3A_1431] : memref<16384x128xi32, #tpu.memory_space<hbm>> -> memref<128x128xi32, #tpu.memory_space<hbm>>
      %dma_start3A_1433 = arith.constant 0 : i32
      %dma_start3A_1434 = tpu.memref_slice %arg7[%add3A_1424, %dma_start3A_1433] : memref<16384x128xi32, #tpu.memory_space<hbm>> -> memref<128x128xi32, #tpu.memory_space<hbm>>
      %dma_start3A_1435 = arith.constant 0 : i32
      %dma_start3A_1436 = arith.constant 0 : i32
      %dma_start3A_1437 = tpu.memref_slice %arg12[%run_scoped3A_1425, %dma_start3A_1435, %dma_start3A_1436] : memref<4x128x128xi32, #tpu.memory_space<vmem>> -> memref<1x128x128xi32, #tpu.memory_space<vmem>>
      %dma_start3A_1438 = tpu.memref_squeeze %dma_start3A_1437 : memref<1x128x128xi32, #tpu.memory_space<vmem>> -> memref<128x128xi32, #tpu.memory_space<vmem>>
      tpu.enqueue_dma source(%dma_start3A_1438 : memref<128x128xi32, #tpu.memory_space<vmem>>) target(%dma_start3A_1434 : memref<128x128xi32, #tpu.memory_space<hbm>>) target_semaphore(%run_scoped3A_1426 : memref<!tpu.dma_semaphore, #tpu.memory_space<semaphore_mem>>)
      %dma_wait3A_1439 = arith.constant 0 : i32
      %dma_wait3A_1440 = arith.constant 0 : i32
      %dma_wait3A_1441 = tpu.memref_slice %arg12[%run_scoped3A_1425, %dma_wait3A_1439, %dma_wait3A_1440] : memref<4x128x128xi32, #tpu.memory_space<vmem>> -> memref<1x128x128xi32, #tpu.memory_space<vmem>>
      %dma_wait3A_1442 = tpu.memref_squeeze %dma_wait3A_1441 : memref<1x128x128xi32, #tpu.memory_space<vmem>> -> memref<128x128xi32, #tpu.memory_space<vmem>>
      %dma_wait3A_1443 = arith.constant 0 : i32
      %dma_wait3A_1444 = tpu.memref_slice %arg7[%add3A_1424, %dma_wait3A_1443] : memref<16384x128xi32, #tpu.memory_space<hbm>> -> memref<128x128xi32, #tpu.memory_space<hbm>>
      %dma_wait3A_1445 = arith.constant 0 : i32
      %dma_wait3A_1446 = tpu.memref_slice %arg7[%add3A_1424, %dma_wait3A_1445] : memref<16384x128xi32, #tpu.memory_space<hbm>> -> memref<128x128xi32, #tpu.memory_space<hbm>>
      %dma_wait3A_1447 = arith.constant 0 : i32
      %dma_wait3A_1448 = arith.constant 0 : i32
      %dma_wait3A_1449 = tpu.memref_slice %arg12[%run_scoped3A_1425, %dma_wait3A_1447, %dma_wait3A_1448] : memref<4x128x128xi32, #tpu.memory_space<vmem>> -> memref<1x128x128xi32, #tpu.memory_space<vmem>>
      %dma_wait3A_1450 = tpu.memref_squeeze %dma_wait3A_1449 : memref<1x128x128xi32, #tpu.memory_space<vmem>> -> memref<128x128xi32, #tpu.memory_space<vmem>>
      tpu.wait_dma2 semaphore(%run_scoped3A_1426 : memref<!tpu.dma_semaphore, #tpu.memory_space<semaphore_mem>>) src(%dma_wait3A_1450 : memref<128x128xi32, #tpu.memory_space<vmem>>) dst(%dma_wait3A_1446 : memref<128x128xi32, #tpu.memory_space<hbm>>)
      tpu.yield
    }) : () -> ()
    return
  }
}

module attributes {stable_mosaic.version = 14 : i64} {
  func.func @_tower_body(%arg0: i32, %arg1: memref<2048x128xi32, #tpu.memory_space<vmem>>, %arg2: memref<2048x128xi32, #tpu.memory_space<vmem>>, %arg3: memref<2048x1xi32, #tpu.memory_space<vmem>>, %arg4: memref<2048x1xi32, #tpu.memory_space<vmem>>, %arg5: memref<64x128xf32, #tpu.memory_space<vmem>>, %arg6: memref<1x128xf32, #tpu.memory_space<vmem>>, %arg7: memref<128x64xf32, #tpu.memory_space<vmem>>, %arg8: memref<1x64xf32, #tpu.memory_space<vmem>>, %arg9: memref<64x128xf32, #tpu.memory_space<vmem>>, %arg10: memref<1x128xf32, #tpu.memory_space<vmem>>, %arg11: memref<128x64xf32, #tpu.memory_space<vmem>>, %arg12: memref<1x64xf32, #tpu.memory_space<vmem>>, %arg13: memref<2048x1xf32, #tpu.memory_space<vmem>>) attributes {dimension_semantics = [#tpu.dimension_semantics<arbitrary>], iteration_bounds = array<i64: 8>, scalar_prefetch = 0 : i64, scratch_operands = 0 : i64, tpu.core_type = #tpu.core_type<tc>, window_params = [{transform_indices = @transform_0, window_bounds = array<i64: 2048, 128>}, {transform_indices = @transform_1, window_bounds = array<i64: 2048, 128>}, {transform_indices = @transform_2, window_bounds = array<i64: 2048, 1>}, {transform_indices = @transform_3, window_bounds = array<i64: 2048, 1>}, {pipeline_mode = #tpu.pipeline_mode<synchronous>, transform_indices = @transform_4, window_bounds = array<i64: 64, 128>}, {pipeline_mode = #tpu.pipeline_mode<synchronous>, transform_indices = @transform_5, window_bounds = array<i64: 1, 128>}, {pipeline_mode = #tpu.pipeline_mode<synchronous>, transform_indices = @transform_6, window_bounds = array<i64: 128, 64>}, {pipeline_mode = #tpu.pipeline_mode<synchronous>, transform_indices = @transform_7, window_bounds = array<i64: 1, 64>}, {pipeline_mode = #tpu.pipeline_mode<synchronous>, transform_indices = @transform_8, window_bounds = array<i64: 64, 128>}, {pipeline_mode = #tpu.pipeline_mode<synchronous>, transform_indices = @transform_9, window_bounds = array<i64: 1, 128>}, {pipeline_mode = #tpu.pipeline_mode<synchronous>, transform_indices = @transform_10, window_bounds = array<i64: 128, 64>}, {pipeline_mode = #tpu.pipeline_mode<synchronous>, transform_indices = @transform_11, window_bounds = array<i64: 1, 64>}, {transform_indices = @transform_12, window_bounds = array<i64: 2048, 1>}]} {
    %get3A = arith.constant 0 : index
    %get3A_0 = arith.constant 0 : index
    %get3A_1 = vector.load %arg3[%get3A, %get3A_0] : memref<2048x1xi32, #tpu.memory_space<vmem>>, vector<2048x1xi32>
    %shift_right_arithmetic3A = arith.constant 12 : i32
    %shift_right_arithmetic3A_2 = vector.broadcast %shift_right_arithmetic3A : i32 to vector<2048x1xi32>
    %shift_right_arithmetic3A_3 = arith.shrsi %get3A_1, %shift_right_arithmetic3A_2 : vector<2048x1xi32>
    %and3A = arith.constant 3 : i32
    %and3A_4 = vector.broadcast %and3A : i32 to vector<2048x1xi32>
    %and3A_5 = arith.andi %shift_right_arithmetic3A_3, %and3A_4 : vector<2048x1xi32>
    %get3A_6 = arith.constant 0 : index
    %get3A_7 = arith.constant 0 : index
    %get3A_8 = vector.load %arg4[%get3A_6, %get3A_7] : memref<2048x1xi32, #tpu.memory_space<vmem>>, vector<2048x1xi32>
    %shift_right_arithmetic3A_9 = arith.constant 12 : i32
    %shift_right_arithmetic3A_10 = vector.broadcast %shift_right_arithmetic3A_9 : i32 to vector<2048x1xi32>
    %shift_right_arithmetic3A_11 = arith.shrsi %get3A_8, %shift_right_arithmetic3A_10 : vector<2048x1xi32>
    %and3A_12 = arith.constant 3 : i32
    %and3A_13 = vector.broadcast %and3A_12 : i32 to vector<2048x1xi32>
    %and3A_14 = arith.andi %shift_right_arithmetic3A_11, %and3A_13 : vector<2048x1xi32>
    %ge3A = arith.constant 2 : i32
    %ge3A_15 = vector.broadcast %ge3A : i32 to vector<2048x1xi32>
    %ge3A_16 = arith.cmpi sge, %and3A_5, %ge3A_15 : vector<2048x1xi32>
    %get3A_17 = arith.constant 0 : index
    %get3A_18 = arith.constant 64 : index
    %get3A_19 = vector.load %arg1[%get3A_17, %get3A_18] : memref<2048x128xi32, #tpu.memory_space<vmem>>, vector<2048x64xi32>
    %get3A_20 = arith.constant 0 : index
    %get3A_21 = arith.constant 0 : index
    %get3A_22 = vector.load %arg1[%get3A_20, %get3A_21] : memref<2048x128xi32, #tpu.memory_space<vmem>>, vector<2048x64xi32>
    %broadcast_in_dim3A = vector.shape_cast %ge3A_16 : vector<2048x1xi1> to vector<2048x1xi1>
    %broadcast_in_dim3A_23 = vector.broadcast %broadcast_in_dim3A : vector<2048x1xi1> to vector<2048x64xi1>
    %select_n3A = arith.select %broadcast_in_dim3A_23, %get3A_19, %get3A_22 : vector<2048x64xi1>, vector<2048x64xi32>
    %ge3A_24 = arith.constant 2 : i32
    %ge3A_25 = vector.broadcast %ge3A_24 : i32 to vector<2048x1xi32>
    %ge3A_26 = arith.cmpi sge, %and3A_14, %ge3A_25 : vector<2048x1xi32>
    %get3A_27 = arith.constant 0 : index
    %get3A_28 = arith.constant 64 : index
    %get3A_29 = vector.load %arg2[%get3A_27, %get3A_28] : memref<2048x128xi32, #tpu.memory_space<vmem>>, vector<2048x64xi32>
    %get3A_30 = arith.constant 0 : index
    %get3A_31 = arith.constant 0 : index
    %get3A_32 = vector.load %arg2[%get3A_30, %get3A_31] : memref<2048x128xi32, #tpu.memory_space<vmem>>, vector<2048x64xi32>
    %broadcast_in_dim3A_33 = vector.shape_cast %ge3A_26 : vector<2048x1xi1> to vector<2048x1xi1>
    %broadcast_in_dim3A_34 = vector.broadcast %broadcast_in_dim3A_33 : vector<2048x1xi1> to vector<2048x64xi1>
    %select_n3A_35 = arith.select %broadcast_in_dim3A_34, %get3A_29, %get3A_32 : vector<2048x64xi1>, vector<2048x64xi32>
    %and3A_36 = arith.constant 1 : i32
    %and3A_37 = vector.broadcast %and3A_36 : i32 to vector<2048x1xi32>
    %and3A_38 = arith.andi %and3A_5, %and3A_37 : vector<2048x1xi32>
    %eq3A = arith.constant 1 : i32
    %eq3A_39 = vector.broadcast %eq3A : i32 to vector<2048x1xi32>
    %eq3A_40 = arith.cmpi eq, %and3A_38, %eq3A_39 : vector<2048x1xi32>
    %and3A_41 = arith.constant -65536 : i32
    %and3A_42 = vector.broadcast %and3A_41 : i32 to vector<2048x64xi32>
    %and3A_43 = arith.andi %select_n3A, %and3A_42 : vector<2048x64xi32>
    %shift_left3A = arith.constant 16 : i32
    %shift_left3A_44 = vector.broadcast %shift_left3A : i32 to vector<2048x64xi32>
    %shift_left3A_45 = arith.shli %select_n3A, %shift_left3A_44 : vector<2048x64xi32>
    %broadcast_in_dim3A_46 = vector.shape_cast %eq3A_40 : vector<2048x1xi1> to vector<2048x1xi1>
    %broadcast_in_dim3A_47 = vector.broadcast %broadcast_in_dim3A_46 : vector<2048x1xi1> to vector<2048x64xi1>
    %select_n3A_48 = arith.select %broadcast_in_dim3A_47, %and3A_43, %shift_left3A_45 : vector<2048x64xi1>, vector<2048x64xi32>
    %bitcast_convert_type3A = tpu.bitcast %select_n3A_48 : vector<2048x64xi32> -> vector<2048x64xf32>
    %and3A_49 = arith.constant 1 : i32
    %and3A_50 = vector.broadcast %and3A_49 : i32 to vector<2048x1xi32>
    %and3A_51 = arith.andi %and3A_14, %and3A_50 : vector<2048x1xi32>
    %eq3A_52 = arith.constant 1 : i32
    %eq3A_53 = vector.broadcast %eq3A_52 : i32 to vector<2048x1xi32>
    %eq3A_54 = arith.cmpi eq, %and3A_51, %eq3A_53 : vector<2048x1xi32>
    %and3A_55 = arith.constant -65536 : i32
    %and3A_56 = vector.broadcast %and3A_55 : i32 to vector<2048x64xi32>
    %and3A_57 = arith.andi %select_n3A_35, %and3A_56 : vector<2048x64xi32>
    %shift_left3A_58 = arith.constant 16 : i32
    %shift_left3A_59 = vector.broadcast %shift_left3A_58 : i32 to vector<2048x64xi32>
    %shift_left3A_60 = arith.shli %select_n3A_35, %shift_left3A_59 : vector<2048x64xi32>
    %broadcast_in_dim3A_61 = vector.shape_cast %eq3A_54 : vector<2048x1xi1> to vector<2048x1xi1>
    %broadcast_in_dim3A_62 = vector.broadcast %broadcast_in_dim3A_61 : vector<2048x1xi1> to vector<2048x64xi1>
    %select_n3A_63 = arith.select %broadcast_in_dim3A_62, %and3A_57, %shift_left3A_60 : vector<2048x64xi1>, vector<2048x64xi32>
    %bitcast_convert_type3A_64 = tpu.bitcast %select_n3A_63 : vector<2048x64xi32> -> vector<2048x64xf32>
    %get3A_65 = arith.constant 0 : index
    %get3A_66 = arith.constant 0 : index
    %get3A_67 = vector.load %arg5[%get3A_65, %get3A_66] : memref<64x128xf32, #tpu.memory_space<vmem>>, vector<64x128xf32>
    %dot_general3A = arith.constant dense<0.000000e+00> : vector<2048x128xf32>
    %dot_general3A_68 = tpu.matmul %bitcast_convert_type3A, %get3A_67, %dot_general3A {dimension_numbers = #tpu.dot_dimension_numbers<[1], [0], [0], [1], [0, 0, 1, 1], [], []>, transpose_lhs_hint = false} : vector<2048x64xf32>, vector<64x128xf32>, vector<2048x128xf32> -> vector<2048x128xf32>
    %get3A_69 = arith.constant 0 : index
    %get3A_70 = arith.constant 0 : index
    %get3A_71 = vector.load %arg6[%get3A_69, %get3A_70] : memref<1x128xf32, #tpu.memory_space<vmem>>, vector<1x128xf32>
    %add3A = vector.broadcast %get3A_71 : vector<1x128xf32> to vector<2048x128xf32>
    %add3A_72 = arith.addf %dot_general3A_68, %add3A : vector<2048x128xf32>
    %max3A = arith.constant 0.000000e+00 : f32
    %max3A_73 = vector.broadcast %max3A : f32 to vector<2048x128xf32>
    %max3A_74 = arith.maximumf %add3A_72, %max3A_73 : vector<2048x128xf32>
    %get3A_75 = arith.constant 0 : index
    %get3A_76 = arith.constant 0 : index
    %get3A_77 = vector.load %arg7[%get3A_75, %get3A_76] : memref<128x64xf32, #tpu.memory_space<vmem>>, vector<128x64xf32>
    %dot_general3A_78 = arith.constant dense<0.000000e+00> : vector<2048x64xf32>
    %dot_general3A_79 = tpu.matmul %max3A_74, %get3A_77, %dot_general3A_78 {dimension_numbers = #tpu.dot_dimension_numbers<[1], [0], [0], [1], [0, 0, 1, 1], [], []>, transpose_lhs_hint = false} : vector<2048x128xf32>, vector<128x64xf32>, vector<2048x64xf32> -> vector<2048x64xf32>
    %get3A_80 = arith.constant 0 : index
    %get3A_81 = arith.constant 0 : index
    %get3A_82 = vector.load %arg8[%get3A_80, %get3A_81] : memref<1x64xf32, #tpu.memory_space<vmem>>, vector<1x64xf32>
    %add3A_83 = vector.broadcast %get3A_82 : vector<1x64xf32> to vector<2048x64xf32>
    %add3A_84 = arith.addf %dot_general3A_79, %add3A_83 : vector<2048x64xf32>
    %max3A_85 = arith.constant 0.000000e+00 : f32
    %max3A_86 = vector.broadcast %max3A_85 : f32 to vector<2048x64xf32>
    %max3A_87 = arith.maximumf %add3A_84, %max3A_86 : vector<2048x64xf32>
    %get3A_88 = arith.constant 0 : index
    %get3A_89 = arith.constant 0 : index
    %get3A_90 = vector.load %arg9[%get3A_88, %get3A_89] : memref<64x128xf32, #tpu.memory_space<vmem>>, vector<64x128xf32>
    %dot_general3A_91 = arith.constant dense<0.000000e+00> : vector<2048x128xf32>
    %dot_general3A_92 = tpu.matmul %bitcast_convert_type3A_64, %get3A_90, %dot_general3A_91 {dimension_numbers = #tpu.dot_dimension_numbers<[1], [0], [0], [1], [0, 0, 1, 1], [], []>, transpose_lhs_hint = false} : vector<2048x64xf32>, vector<64x128xf32>, vector<2048x128xf32> -> vector<2048x128xf32>
    %get3A_93 = arith.constant 0 : index
    %get3A_94 = arith.constant 0 : index
    %get3A_95 = vector.load %arg10[%get3A_93, %get3A_94] : memref<1x128xf32, #tpu.memory_space<vmem>>, vector<1x128xf32>
    %add3A_96 = vector.broadcast %get3A_95 : vector<1x128xf32> to vector<2048x128xf32>
    %add3A_97 = arith.addf %dot_general3A_92, %add3A_96 : vector<2048x128xf32>
    %max3A_98 = arith.constant 0.000000e+00 : f32
    %max3A_99 = vector.broadcast %max3A_98 : f32 to vector<2048x128xf32>
    %max3A_100 = arith.maximumf %add3A_97, %max3A_99 : vector<2048x128xf32>
    %get3A_101 = arith.constant 0 : index
    %get3A_102 = arith.constant 0 : index
    %get3A_103 = vector.load %arg11[%get3A_101, %get3A_102] : memref<128x64xf32, #tpu.memory_space<vmem>>, vector<128x64xf32>
    %dot_general3A_104 = arith.constant dense<0.000000e+00> : vector<2048x64xf32>
    %dot_general3A_105 = tpu.matmul %max3A_100, %get3A_103, %dot_general3A_104 {dimension_numbers = #tpu.dot_dimension_numbers<[1], [0], [0], [1], [0, 0, 1, 1], [], []>, transpose_lhs_hint = false} : vector<2048x128xf32>, vector<128x64xf32>, vector<2048x64xf32> -> vector<2048x64xf32>
    %get3A_106 = arith.constant 0 : index
    %get3A_107 = arith.constant 0 : index
    %get3A_108 = vector.load %arg12[%get3A_106, %get3A_107] : memref<1x64xf32, #tpu.memory_space<vmem>>, vector<1x64xf32>
    %add3A_109 = vector.broadcast %get3A_108 : vector<1x64xf32> to vector<2048x64xf32>
    %add3A_110 = arith.addf %dot_general3A_105, %add3A_109 : vector<2048x64xf32>
    %max3A_111 = arith.constant 0.000000e+00 : f32
    %max3A_112 = vector.broadcast %max3A_111 : f32 to vector<2048x64xf32>
    %max3A_113 = arith.maximumf %add3A_110, %max3A_112 : vector<2048x64xf32>
    %mul3A = arith.mulf %max3A_87, %max3A_87 : vector<2048x64xf32>
    %reduce_sum3A = arith.constant dense<0.000000e+00> : vector<2048xf32>
    %reduce_sum3A_114 = vector.multi_reduction <add>, %mul3A, %reduce_sum3A [1] : vector<2048x64xf32> to vector<2048xf32>
    %broadcast_in_dim3A_115 = vector.shape_cast %reduce_sum3A_114 : vector<2048xf32> to vector<2048x1xf32>
    %sqrt3A = math.sqrt %broadcast_in_dim3A_115 : vector<2048x1xf32>
    %mul3A_116 = arith.mulf %max3A_113, %max3A_113 : vector<2048x64xf32>
    %reduce_sum3A_117 = arith.constant dense<0.000000e+00> : vector<2048xf32>
    %reduce_sum3A_118 = vector.multi_reduction <add>, %mul3A_116, %reduce_sum3A_117 [1] : vector<2048x64xf32> to vector<2048xf32>
    %broadcast_in_dim3A_119 = vector.shape_cast %reduce_sum3A_118 : vector<2048xf32> to vector<2048x1xf32>
    %sqrt3A_120 = math.sqrt %broadcast_in_dim3A_119 : vector<2048x1xf32>
    %mul3A_121 = arith.mulf %max3A_87, %max3A_113 : vector<2048x64xf32>
    %reduce_sum3A_122 = arith.constant dense<0.000000e+00> : vector<2048xf32>
    %reduce_sum3A_123 = vector.multi_reduction <add>, %mul3A_121, %reduce_sum3A_122 [1] : vector<2048x64xf32> to vector<2048xf32>
    %broadcast_in_dim3A_124 = vector.shape_cast %reduce_sum3A_123 : vector<2048xf32> to vector<2048x1xf32>
    %max3A_125 = arith.constant 9.99999996E-13 : f32
    %max3A_126 = vector.broadcast %max3A_125 : f32 to vector<2048x1xf32>
    %max3A_127 = arith.maximumf %sqrt3A, %max3A_126 : vector<2048x1xf32>
    %max3A_128 = arith.constant 9.99999996E-13 : f32
    %max3A_129 = vector.broadcast %max3A_128 : f32 to vector<2048x1xf32>
    %max3A_130 = arith.maximumf %sqrt3A_120, %max3A_129 : vector<2048x1xf32>
    %mul3A_131 = arith.mulf %max3A_127, %max3A_130 : vector<2048x1xf32>
    %div3A = arith.divf %broadcast_in_dim3A_124, %mul3A_131 : vector<2048x1xf32>
    %swap3A = arith.constant 0 : index
    %swap3A_132 = arith.constant 0 : index
    %swap3A_133 = vector.load %arg13[%swap3A, %swap3A_132] : memref<2048x1xf32, #tpu.memory_space<vmem>>, vector<2048x1xf32>
    tpu.vector_store %arg13[%swap3A, %swap3A_132], %div3A {strides = array<i32>} : memref<2048x1xf32, #tpu.memory_space<vmem>>, vector<2048x1xf32>,
    return
  }
  func.func @transform_0(%arg0: i32) -> (i32, i32) {
    %c0_i32 = arith.constant 0 : i32
    %c0_i32_0 = arith.constant 0 : i32
    return %arg0, %c0_i32 : i32, i32
  }
  func.func @transform_1(%arg0: i32) -> (i32, i32) {
    %c0_i32 = arith.constant 0 : i32
    %c0_i32_0 = arith.constant 0 : i32
    return %arg0, %c0_i32 : i32, i32
  }
  func.func @transform_2(%arg0: i32) -> (i32, i32) {
    %c0_i32 = arith.constant 0 : i32
    %c0_i32_0 = arith.constant 0 : i32
    return %arg0, %c0_i32 : i32, i32
  }
  func.func @transform_3(%arg0: i32) -> (i32, i32) {
    %c0_i32 = arith.constant 0 : i32
    %c0_i32_0 = arith.constant 0 : i32
    return %arg0, %c0_i32 : i32, i32
  }
  func.func @transform_4(%arg0: i32) -> (i32, i32) {
    %c0_i32 = arith.constant 0 : i32
    %c0_i32_0 = arith.constant 0 : i32
    %c0_i32_1 = arith.constant 0 : i32
    return %c0_i32, %c0_i32_0 : i32, i32
  }
  func.func @transform_5(%arg0: i32) -> (i32, i32) {
    %c0_i32 = arith.constant 0 : i32
    %c0_i32_0 = arith.constant 0 : i32
    %c0_i32_1 = arith.constant 0 : i32
    return %c0_i32, %c0_i32_0 : i32, i32
  }
  func.func @transform_6(%arg0: i32) -> (i32, i32) {
    %c0_i32 = arith.constant 0 : i32
    %c0_i32_0 = arith.constant 0 : i32
    %c0_i32_1 = arith.constant 0 : i32
    return %c0_i32, %c0_i32_0 : i32, i32
  }
  func.func @transform_7(%arg0: i32) -> (i32, i32) {
    %c0_i32 = arith.constant 0 : i32
    %c0_i32_0 = arith.constant 0 : i32
    %c0_i32_1 = arith.constant 0 : i32
    return %c0_i32, %c0_i32_0 : i32, i32
  }
  func.func @transform_8(%arg0: i32) -> (i32, i32) {
    %c0_i32 = arith.constant 0 : i32
    %c0_i32_0 = arith.constant 0 : i32
    %c0_i32_1 = arith.constant 0 : i32
    return %c0_i32, %c0_i32_0 : i32, i32
  }
  func.func @transform_9(%arg0: i32) -> (i32, i32) {
    %c0_i32 = arith.constant 0 : i32
    %c0_i32_0 = arith.constant 0 : i32
    %c0_i32_1 = arith.constant 0 : i32
    return %c0_i32, %c0_i32_0 : i32, i32
  }
  func.func @transform_10(%arg0: i32) -> (i32, i32) {
    %c0_i32 = arith.constant 0 : i32
    %c0_i32_0 = arith.constant 0 : i32
    %c0_i32_1 = arith.constant 0 : i32
    return %c0_i32, %c0_i32_0 : i32, i32
  }
  func.func @transform_11(%arg0: i32) -> (i32, i32) {
    %c0_i32 = arith.constant 0 : i32
    %c0_i32_0 = arith.constant 0 : i32
    %c0_i32_1 = arith.constant 0 : i32
    return %c0_i32, %c0_i32_0 : i32, i32
  }
  func.func @transform_12(%arg0: i32) -> (i32, i32) {
    %c0_i32 = arith.constant 0 : i32
    %c0_i32_0 = arith.constant 0 : i32
    return %arg0, %c0_i32 : i32, i32
  }
}

module attributes {stable_mosaic.version = 14 : i64} {
  func.func @_pack_body(%arg0: i32, %arg1: memref<64x16384xf32, #tpu.memory_space<vmem>>, %arg2: memref<64x16384xf32, #tpu.memory_space<vmem>>, %arg3: memref<4096x128xi32, #tpu.memory_space<vmem>>, %arg4: memref<4096x128xi32, #tpu.memory_space<vmem>>) attributes {dimension_semantics = [#tpu.dimension_semantics<arbitrary>], iteration_bounds = array<i64: 62>, scalar_prefetch = 0 : i64, scratch_operands = 0 : i64, tpu.core_type = #tpu.core_type<tc>, window_params = [{transform_indices = @transform_0, window_bounds = array<i64: 64, 16384>}, {transform_indices = @transform_1, window_bounds = array<i64: 64, 16384>}, {transform_indices = @transform_2, window_bounds = array<i64: 4096, 128>}, {transform_indices = @transform_3, window_bounds = array<i64: 4096, 128>}]} {
    %get3A = arith.constant 0 : index
    %get3A_0 = arith.constant 0 : index
    %get3A_1 = vector.load %arg1[%get3A, %get3A_0] : memref<64x16384xf32, #tpu.memory_space<vmem>>, vector<64x16384xf32>
    %slice3A = vector.extract_strided_slice %get3A_1 {offsets = [0, 0], sizes = [64, 4096], strides = [1, 1]} : vector<64x16384xf32> to vector<64x4096xf32>
    %transpose3A = tpu.transpose %slice3A, [1, 0] : vector<64x4096xf32> -> vector<4096x64xf32>
    %convert_element_type3A = arith.truncf %transpose3A : vector<4096x64xf32> to vector<4096x64xbf16>
    %slice3A_2 = vector.extract_strided_slice %get3A_1 {offsets = [0, 4096], sizes = [64, 4096], strides = [1, 1]} : vector<64x16384xf32> to vector<64x4096xf32>
    %transpose3A_3 = tpu.transpose %slice3A_2, [1, 0] : vector<64x4096xf32> -> vector<4096x64xf32>
    %convert_element_type3A_4 = arith.truncf %transpose3A_3 : vector<4096x64xf32> to vector<4096x64xbf16>
    %bitcast_convert_type3A = tpu.bitcast %convert_element_type3A : vector<4096x64xbf16> -> vector<4096x64xi16>
    %convert_element_type3A_5 = arith.extui %bitcast_convert_type3A : vector<4096x64xi16> to vector<4096x64xi32>
    %bitcast_convert_type3A_6 = tpu.bitcast %convert_element_type3A_4 : vector<4096x64xbf16> -> vector<4096x64xi16>
    %convert_element_type3A_7 = arith.extui %bitcast_convert_type3A_6 : vector<4096x64xi16> to vector<4096x64xi32>
    %shift_left3A = arith.constant 16 : i32
    %shift_left3A_8 = vector.broadcast %shift_left3A : i32 to vector<4096x64xi32>
    %shift_left3A_9 = arith.shli %convert_element_type3A_7, %shift_left3A_8 : vector<4096x64xi32>
    %or3A = arith.ori %convert_element_type3A_5, %shift_left3A_9 : vector<4096x64xi32>
    %slice3A_10 = vector.extract_strided_slice %get3A_1 {offsets = [0, 8192], sizes = [64, 4096], strides = [1, 1]} : vector<64x16384xf32> to vector<64x4096xf32>
    %transpose3A_11 = tpu.transpose %slice3A_10, [1, 0] : vector<64x4096xf32> -> vector<4096x64xf32>
    %convert_element_type3A_12 = arith.truncf %transpose3A_11 : vector<4096x64xf32> to vector<4096x64xbf16>
    %slice3A_13 = vector.extract_strided_slice %get3A_1 {offsets = [0, 12288], sizes = [64, 4096], strides = [1, 1]} : vector<64x16384xf32> to vector<64x4096xf32>
    %transpose3A_14 = tpu.transpose %slice3A_13, [1, 0] : vector<64x4096xf32> -> vector<4096x64xf32>
    %convert_element_type3A_15 = arith.truncf %transpose3A_14 : vector<4096x64xf32> to vector<4096x64xbf16>
    %bitcast_convert_type3A_16 = tpu.bitcast %convert_element_type3A_12 : vector<4096x64xbf16> -> vector<4096x64xi16>
    %convert_element_type3A_17 = arith.extui %bitcast_convert_type3A_16 : vector<4096x64xi16> to vector<4096x64xi32>
    %bitcast_convert_type3A_18 = tpu.bitcast %convert_element_type3A_15 : vector<4096x64xbf16> -> vector<4096x64xi16>
    %convert_element_type3A_19 = arith.extui %bitcast_convert_type3A_18 : vector<4096x64xi16> to vector<4096x64xi32>
    %shift_left3A_20 = arith.constant 16 : i32
    %shift_left3A_21 = vector.broadcast %shift_left3A_20 : i32 to vector<4096x64xi32>
    %shift_left3A_22 = arith.shli %convert_element_type3A_19, %shift_left3A_21 : vector<4096x64xi32>
    %or3A_23 = arith.ori %convert_element_type3A_17, %shift_left3A_22 : vector<4096x64xi32>
    %concatenate3A = tpu.concatenate %or3A, %or3A_23 in 1 : vector<4096x64xi32>, vector<4096x64xi32> -> vector<4096x128xi32>
    %bitcast_convert_type3A_24 = tpu.bitcast %concatenate3A : vector<4096x128xi32> -> vector<4096x128xi32>
    %swap3A = arith.constant 0 : index
    %swap3A_25 = arith.constant 0 : index
    %swap3A_26 = vector.load %arg3[%swap3A, %swap3A_25] : memref<4096x128xi32, #tpu.memory_space<vmem>>, vector<4096x128xi32>
    tpu.vector_store %arg3[%swap3A, %swap3A_25], %bitcast_convert_type3A_24 {strides = array<i32>} : memref<4096x128xi32, #tpu.memory_space<vmem>>, vector<4096x128xi32>,
    %get3A_27 = arith.constant 0 : index
    %get3A_28 = arith.constant 0 : index
    %get3A_29 = vector.load %arg2[%get3A_27, %get3A_28] : memref<64x16384xf32, #tpu.memory_space<vmem>>, vector<64x16384xf32>
    %slice3A_30 = vector.extract_strided_slice %get3A_29 {offsets = [0, 0], sizes = [64, 4096], strides = [1, 1]} : vector<64x16384xf32> to vector<64x4096xf32>
    %transpose3A_31 = tpu.transpose %slice3A_30, [1, 0] : vector<64x4096xf32> -> vector<4096x64xf32>
    %convert_element_type3A_32 = arith.truncf %transpose3A_31 : vector<4096x64xf32> to vector<4096x64xbf16>
    %slice3A_33 = vector.extract_strided_slice %get3A_29 {offsets = [0, 4096], sizes = [64, 4096], strides = [1, 1]} : vector<64x16384xf32> to vector<64x4096xf32>
    %transpose3A_34 = tpu.transpose %slice3A_33, [1, 0] : vector<64x4096xf32> -> vector<4096x64xf32>
    %convert_element_type3A_35 = arith.truncf %transpose3A_34 : vector<4096x64xf32> to vector<4096x64xbf16>
    %bitcast_convert_type3A_36 = tpu.bitcast %convert_element_type3A_32 : vector<4096x64xbf16> -> vector<4096x64xi16>
    %convert_element_type3A_37 = arith.extui %bitcast_convert_type3A_36 : vector<4096x64xi16> to vector<4096x64xi32>
    %bitcast_convert_type3A_38 = tpu.bitcast %convert_element_type3A_35 : vector<4096x64xbf16> -> vector<4096x64xi16>
    %convert_element_type3A_39 = arith.extui %bitcast_convert_type3A_38 : vector<4096x64xi16> to vector<4096x64xi32>
    %shift_left3A_40 = arith.constant 16 : i32
    %shift_left3A_41 = vector.broadcast %shift_left3A_40 : i32 to vector<4096x64xi32>
    %shift_left3A_42 = arith.shli %convert_element_type3A_39, %shift_left3A_41 : vector<4096x64xi32>
    %or3A_43 = arith.ori %convert_element_type3A_37, %shift_left3A_42 : vector<4096x64xi32>
    %slice3A_44 = vector.extract_strided_slice %get3A_29 {offsets = [0, 8192], sizes = [64, 4096], strides = [1, 1]} : vector<64x16384xf32> to vector<64x4096xf32>
    %transpose3A_45 = tpu.transpose %slice3A_44, [1, 0] : vector<64x4096xf32> -> vector<4096x64xf32>
    %convert_element_type3A_46 = arith.truncf %transpose3A_45 : vector<4096x64xf32> to vector<4096x64xbf16>
    %slice3A_47 = vector.extract_strided_slice %get3A_29 {offsets = [0, 12288], sizes = [64, 4096], strides = [1, 1]} : vector<64x16384xf32> to vector<64x4096xf32>
    %transpose3A_48 = tpu.transpose %slice3A_47, [1, 0] : vector<64x4096xf32> -> vector<4096x64xf32>
    %convert_element_type3A_49 = arith.truncf %transpose3A_48 : vector<4096x64xf32> to vector<4096x64xbf16>
    %bitcast_convert_type3A_50 = tpu.bitcast %convert_element_type3A_46 : vector<4096x64xbf16> -> vector<4096x64xi16>
    %convert_element_type3A_51 = arith.extui %bitcast_convert_type3A_50 : vector<4096x64xi16> to vector<4096x64xi32>
    %bitcast_convert_type3A_52 = tpu.bitcast %convert_element_type3A_49 : vector<4096x64xbf16> -> vector<4096x64xi16>
    %convert_element_type3A_53 = arith.extui %bitcast_convert_type3A_52 : vector<4096x64xi16> to vector<4096x64xi32>
    %shift_left3A_54 = arith.constant 16 : i32
    %shift_left3A_55 = vector.broadcast %shift_left3A_54 : i32 to vector<4096x64xi32>
    %shift_left3A_56 = arith.shli %convert_element_type3A_53, %shift_left3A_55 : vector<4096x64xi32>
    %or3A_57 = arith.ori %convert_element_type3A_51, %shift_left3A_56 : vector<4096x64xi32>
    %concatenate3A_58 = tpu.concatenate %or3A_43, %or3A_57 in 1 : vector<4096x64xi32>, vector<4096x64xi32> -> vector<4096x128xi32>
    %bitcast_convert_type3A_59 = tpu.bitcast %concatenate3A_58 : vector<4096x128xi32> -> vector<4096x128xi32>
    %swap3A_60 = arith.constant 0 : index
    %swap3A_61 = arith.constant 0 : index
    %swap3A_62 = vector.load %arg4[%swap3A_60, %swap3A_61] : memref<4096x128xi32, #tpu.memory_space<vmem>>, vector<4096x128xi32>
    tpu.vector_store %arg4[%swap3A_60, %swap3A_61], %bitcast_convert_type3A_59 {strides = array<i32>} : memref<4096x128xi32, #tpu.memory_space<vmem>>, vector<4096x128xi32>,
    return
  }
  func.func @transform_0(%arg0: i32) -> (i32, i32) {
    %c0_i32 = arith.constant 0 : i32
    %c0_i32_0 = arith.constant 0 : i32
    return %c0_i32, %arg0 : i32, i32
  }
  func.func @transform_1(%arg0: i32) -> (i32, i32) {
    %c0_i32 = arith.constant 0 : i32
    %c0_i32_0 = arith.constant 0 : i32
    return %c0_i32, %arg0 : i32, i32
  }
  func.func @transform_2(%arg0: i32) -> (i32, i32) {
    %c0_i32 = arith.constant 0 : i32
    %c0_i32_0 = arith.constant 0 : i32
    return %arg0, %c0_i32 : i32, i32
  }
  func.func @transform_3(%arg0: i32) -> (i32, i32) {
    %c0_i32 = arith.constant 0 : i32
    %c0_i32_0 = arith.constant 0 : i32
    return %arg0, %c0_i32 : i32, i32
  }
}

</mosaic_0001>

<sc_bundles>
// kernel: kernel.5.cloned.1.call-start
scs
__scs_entry_jumppad:
0x0: {  	(pc) =	sbr.rel $0x88, $3  }
0x1: {  	(tag) =	ssettag $0x0;
	lr =	simm.s32 $0x1  }
0x2: {  	[smem:$0x3F95] =	sst lr;
	_ =	strace $0xD0000000  }
0x3: {  	_ = 	snop  }
0x4: {  	_ = 	snop  }
0x5: {  	_ = 	snop  }
0x6: {  	_ = 	snop  }
0x7: {  	_ = 	snop  }
__scs_overlays_trampoline_lowered:
0x8: {  	[smem:$0x3FA4] =	sst s0  }
0x9: {  	[smem:$0x3FA5] =	sst s1  }
0xa: {  	[smem:$0x3FA6] =	sst s2  }
0xb: {  	[smem:$0x3FA7] =	sst s3  }
0xc: {  	[smem:$0x3FA8] =	sst s4  }
0xd: {  	[smem:$0x3FA9] =	sst s5  }
0xe: {  	[smem:$0x3FAA] =	sst s6  }
0xf: {  	[smem:$0x3FAB] =	sst s7  }
0x10: {  	[smem:$0x3FAC] =	sst s8  }
0x11: {  	[smem:$0x3FAD] =	sst s9;
	s0 =	simm.s32 @!p0 $0x0  }
0x12: {  	s1 =	sld [smem:$0x3F93];
	s0 =	simm.s32 @p0 $0x1  }
0x13: {  	[smem:$0x3FAE] =	sst s0;
	s0 =	simm.s32 @!p1 $0x0  }
0x14: {  	s2 =	sld [smem:$0x3F92];
	s0 =	simm.s32 @p1 $0x1  }
0x15: {  	[smem:$0x3FAF] =	sst s0;
	s0 =	simm.s32 @!p2 $0x0  }
0x16: {  	s3 =	sld [smem:$0x3FDB];
	s0 =	simm.s32 @p2 $0x1  }
0x17: {  	s4 =	simm.s32 $0x1BF5;
	[smem:$0x3FB1] =	sst s0  }
0x18: {  	s0 =	sld [smem:$0x3F94];
	_ =	swait.ge [sflag:s4], $0x0  }
0x19: {  	s7 =	sld [smem:$0x3F95]  }
0x1a: {  	s8 =	sadd.s32 $0xFFFFE003, lr  }
0x1b: {  	s9 =	sadd.s32 $0xFFFFFEF7, lr;
	s5 =	simm.s32 $0xFFFFFFFF;
	p2 =	slt.u32 s8, $0xFFFFF086  }
0x1c: {  	p1 =	slt.u32 s9, $0xF7A;
	s5 =	simm.s32 @!p2 $0x0  }
0x1d: {  	s5 =	simm.s32 @p1 $0x1;
	p0 =	seq.s32 s7, s2  }
0x1e: {  	s7 =	smul.u32 @!p0 $0xF7A, s2;
	p2 =	seq.s32 @!p0 s5, $0x0  }
0x1f: {  	s9 =	smul.u32 $0xF7A, s1;
	s8 =	simm.s32 @!p0 $0x1BF5;
	p2 =	por !p2, p0  }
0x20: {  	[sflag:s8] =	ssyncset.s32 @!p0 $0xFFFFF086;
	s6 =	sadd.s32 @!p0 s3, s7;
	s7 =	simm.s32 @!p0 $0x108  }
0x21: {  	s3 =	sadd.s32 s3, s9;
	s6 =	sadd.s32 @!p0 $0x88, s6;
	s7 =	simm.s32 @p2 $0x1082  }
0x22: {  	[simem:s7], [sflag:s8] =	dma.local @!p0 [hbm:s6], $0xF7A  }
0x23: {  	s9 =	sor.u32 $0xD0000000, s2;
	s6 =	simm.s32 $0x108;
	_ =	swait.ge @!p0 [sflag:s8], $0x0  }
0x24: {  	s3 =	sadd.s32 $0x88, s3;
	s6 =	simm.s32 @!p1 $0x1082;
	[sflag:s4] =	ssyncset.s32 $0xFFFFF086  }
0x25: {  	[simem:s6], [sflag:s4] =	dma.local [hbm:s3], $0xF7A  }
0x26: {  	[smem:$0x3F95] =	sst s1;
	(tag) =	ssettag s2;
	_ =	strace s9  }
0x27: {  	s1 =	sld [smem:$0x3FA5]  }
0x28: {  	s2 =	sld [smem:$0x3FA6]  }
0x29: {  	s4 =	sld [smem:$0x3FA8]  }
0x2a: {  	p0 =	seq.s32 s5, $0x0;
	s5 =	sld [smem:$0x3FA9]  }
0x2b: {  	s6 =	sld [smem:$0x3FAA]  }
0x2c: {  	s7 =	sld [smem:$0x3FAB]  }
0x2d: {  	s3 =	simm.s32 $0x108;
	s8 =	sld [smem:$0x3FAC]  }
0x2e: {  	s3 =	simm.s32 @!p0 $0x1082;
	s9 =	sld [smem:$0x3FAD]  }
0x2f: {  	lr =	sadd.s32 s0, s3;
	s0 =	sld [smem:$0x3FA4]  }
0x30: {  	s3 =	sld [smem:$0x3FA7]  }
0x31: {  	[smem:$0x3FB0] =	sst s10  }
0x32: {  	s10 =	sld [smem:$0x3FAE];
	_ =	sdelay $0x3  }
0x33: {  	p0 =	seq.s32 s10, $0x1;
	s10 =	sld [smem:$0x3FB0];
	_ =	sdelay $0x3  }
0x34: {  	[smem:$0x3FB0] =	sst s10  }
0x35: {  	s10 =	sld [smem:$0x3FAF];
	_ =	sdelay $0x3  }
0x36: {  	p1 =	seq.s32 s10, $0x1;
	s10 =	sld [smem:$0x3FB0];
	_ =	sdelay $0x3  }
0x37: {  	[smem:$0x3FB0] =	sst s10  }
0x38: {  	s10 =	sld [smem:$0x3FB1]  }
0x39: {  	_ = 	snop;
	(pc) =	sbr.ind lr, $3  }
0x3a: {  	_ = 	snop  }
0x3b: {  	_ = 	snop  }
0x3c: {  	p2 =	seq.s32 s10, $0x1;
	s10 =	sld [smem:$0x3FB0]  }
0x3d: {  	_ =	shalt  }
0x3e: {  	_ =	shalt  }
0x3f: {  	_ =	shalt  }
0x40: {  	_ =	shalt  }
0x41: {  	_ =	shalt  }
0x42: {  	_ =	shalt  }
0x43: {  	_ =	shalt  }
0x44: {  	_ =	shalt  }
0x45: {  	_ =	shalt  }
0x46: {  	_ =	shalt  }
0x47: {  	_ =	shalt  }
0x48: {  	_ =	shalt  }
0x49: {  	_ =	shalt  }
0x4a: {  	_ =	shalt  }
0x4b: {  	_ =	shalt  }
0x4c: {  	_ =	shalt  }
0x4d: {  	_ =	shalt  }
0x4e: {  	_ =	shalt  }
0x4f: {  	_ =	shalt  }
0x50: {  	_ =	shalt  }
0x51: {  	_ =	shalt  }
0x52: {  	_ =	shalt  }
0x53: {  	_ =	shalt  }
0x54: {  	_ =	shalt  }
0x55: {  	_ =	shalt  }
0x56: {  	_ =	shalt  }
0x57: {  	_ =	shalt  }
0x58: {  	_ =	shalt  }
0x59: {  	_ =	shalt  }
0x5a: {  	_ =	shalt  }
0x5b: {  	_ =	shalt  }
0x5c: {  	_ =	shalt  }
0x5d: {  	_ =	shalt  }
0x5e: {  	_ =	shalt  }
0x5f: {  	_ =	shalt  }
0x60: {  	_ =	shalt  }
0x61: {  	_ =	shalt  }
0x62: {  	_ =	shalt  }
0x63: {  	_ =	shalt  }
0x64: {  	_ =	shalt  }
0x65: {  	_ =	shalt  }
0x66: {  	_ =	shalt  }
0x67: {  	_ =	shalt  }
0x68: {  	_ =	shalt  }
0x69: {  	_ =	shalt  }
0x6a: {  	_ =	shalt  }
0x6b: {  	_ =	shalt  }
0x6c: {  	_ =	shalt  }
0x6d: {  	_ =	shalt  }
0x6e: {  	_ =	shalt  }
0x6f: {  	_ =	shalt  }
0x70: {  	_ =	shalt  }
0x71: {  	_ =	shalt  }
0x72: {  	_ =	shalt  }
0x73: {  	_ =	shalt  }
0x74: {  	_ =	shalt  }
0x75: {  	_ =	shalt  }
0x76: {  	_ =	shalt  }
0x77: {  	_ =	shalt  }
0x78: {  	_ =	shalt  }
0x79: {  	_ =	shalt  }
0x7a: {  	_ =	shalt  }
0x7b: {  	_ =	shalt  }
0x7c: {  	_ =	shalt  }
0x7d: {  	_ =	shalt  }
0x7e: {  	_ =	shalt  }
0x7f: {  	_ =	shalt  }
0x80: {  	_ =	shalt  }
0x81: {  	_ =	shalt  }
0x82: {  	_ =	shalt  }
0x83: {  	_ =	shalt  }
0x84: {  	_ =	shalt  }
0x85: {  	_ =	shalt  }
0x86: {  	_ =	shalt  }
0x87: {  	_ =	shalt  }
.Lfunc_end0:
.L_simem_size_0:
called_computation_lowered:
.L_overlay_start_0:
0x88: {  	s2 =	sld [smem:$0x3FD9]  }
0x89: {  	s3 =	sld [smem:$0x3FFE];
	_ =	sdelay $0x1  }
0x8a: {  	s1 =	srdreg.scid  }
0x8b: {  	s0 =	sand.u32 $0x1, s1  }
0x8c: {  	s17 =	sshll.u32 s0, $0xA;
	s2 =	sadd.s32 s3, s2  }
0x8d: {  	s2 =	sadd.s32 s2, s17  }
0x8e: {  	[smem:$0x3FBC] =	sst s2  }
0x8f: {  	_ = 	snop  }
0x90: {  	s2 =	sld [smem:$0x3FC9]  }
0x91: {  	s18 =	sld [smem:$0x3FC8];
	(tm) =	ssettm $0x1  }
0x92: {  	s4 =	sld [smem:$0x3FFB];
	_ =	sdelay $0x3  }
0x93: {  	_ =	strace s4  }
0x94: {  	s4 =	sld [smem:$0x3FFC];
	_ =	sdelay $0x3  }
0x95: {  	_ =	strace s4  }
0x96: {  	s4 =	sld [smem:$0x3FFD];
	_ =	sdelay $0x3  }
0x97: {  	_ =	strace s4  }
0x98: {  	_ =	strace $0x8FFFFFFF  }
0x99: {  	s19 =	sld [smem:$0x3FDB];
	_ =	sdelay $0x1  }
0x9a: {  	s5 =	simm.s32 $_scs_section_size  }
0x9b: {  	s6 =	simm.s32 $_size__tile_overlayer_lowered;
	s7 =	simm.s32 $_tile_overlayer_lowered  }
0x9c: {  	s22 =	simm.s32 $0x1BFF;
	s21 =	sshll.u32 s7, $0x1;
	s4 =	sadd.s32 s5, s19  }
0x9d: {  	s8 =	simm.s32 $0x0;
	s20 =	sshll.u32 s6, $0x1;
	s6 =	sadd.s32 s21, s4  }
0x9e: {  	[timem:s8], [sflag:s22] =	dma.local [hbm:s6], s20  }
0x9f: {  	_ =	swait.ge [sflag:s22], s20  }
0xa0: {  	s5 =	ssub.s32 $0x0, s20;
	[sflag:s22] =	ssyncset.done $0x0  }
0xa1: {  	[sflag:s22] =	ssyncadd.s32 s5;
	_ =	sdelay $0x1  }
0xa2: {  	s23 =	simm.s32 $0x1B8B  }
0xa3: {  	_ =	swait.ge [sflag:s23], $0x1  }
0xa4: {  	[sflag:s23] =	ssyncset.done $0x0  }
0xa5: {  	s25 =	simm.s32 $0x1B8E;
	s24 =	sld [smem:$0x3FFE];
	[sflag:s23] =	ssyncadd.s32 $0xFFFFFFFF  }
0xa6: {  	s26 =	simm.s32 $execute0_lowered;
	[smem:$0x3FD2] =	sst s25  }
0xa7: {  	s6 =	sshll.u32 s26, $0x1;
	_ =	strace $0x80000046;
	[dreg:$0x1] =	wrdreg $0xFFFFFFFF  }
0xa8: {  	s28 =	simm.s32 $_size_execute0_lowered;
	s4 =	sadd.s32 s4, s6;
	[dreg:$0x0] =	wrdreg $0x0  }
0xa9: {  	s6 =	sshll.u32 s28, $0x1;
	[dreg:$0x2] =	wrdreg s4  }
0xaa: {  	[dreg:$0x3] =	wrdreg s6  }
0xab: {  	[dreg:$0x4] =	wrdreg $0xC0  }
0xac: {  	_ =	task [dreg:s8], $0x5FFFF  }
0xad: {  	[dreg:$0x1] =	wrdreg $0xFFFFFFFF  }
0xae: {  	[dreg:$0x0] =	wrdreg $0x60  }
0xaf: {  	[dreg:$0x2] =	wrdreg s24  }
0xb0: {  	[dreg:$0x3] =	wrdreg s2  }
0xb1: {  	[dreg:$0x4] =	wrdreg s18  }
0xb2: {  	[dreg:$0x5] =	wrdreg $0x9  }
0xb3: {  	_ =	task.clear_ibuf [dreg:s8], $0x6FFFF;
	_ =	strace $0x90000046  }
0xb4: {  	s29 =	simm.s32 $0x9;
	_ =	strace $0x80000048  }
0xb5: {  	_ =	swait.ge [sflag:s29], $0x1  }
0xb6: {  	[sflag:s29] =	ssyncadd.s32 $0xFFFFFFFF  }
0xb7: {  	_ =	strace $0x90000048  }
0xb8: {  	_ =	sfence  }
0xb9: {  	s30 =	sld [smem:$0x0];
	_ =	sdelay $0x2  }
0xba: {  	s31 =	sshll.u32 s1, $0xD;
	s1 =	sshrl.u32 s1, $0x2  }
0xbb: {  	s3 =	sand.u32 $0x4000, s31;
	s1 =	sadd.s32 s1, s30  }
0xbc: {  	s0 =	sor.u32 s3, s0;
	s1 =	sshll.u32 s1, $0x11  }
0xbd: {  	s0 =	sor.u32 s1, s0  }
0xbe: {  	s0 =	sadd.s32 $0x8F2B, s0  }
0xbf: {  	[sflag:s0] =	ssyncadd.remote.s32 $0x1  }
0xc0: {  	_ =	sfence.sel $0xFFFF  }
0xc1: {  	[dreg:$0x0] =	wrdreg $0xFFFFFFFF;
	(pc) =	sbr.abs _section_cstart, $3  }
0xc2: {  	[dreg:$0x1] =	wrdreg $0xFFFFFFFF  }
0xc3: {  	_ =	task.clear_ibuf [dreg:s8], $0x2FFFF;
	_ =	strace $0x9FFFFFFF  }
0xc4: {  	(tm) =	ssettm $0x7FFFFFFF  }
0xc5: {  	_ =	shalt  }
tec
execute0_lowered:
.L_overlay_start_1:
0x0: {  	(tag) =	ssettag $0x1  }
0x1: {  	s5 =	rddreg [dreg:$0x0]  }
0x2: {  	s6 =	rddreg [dreg:$0x1]  }
0x3: {  	s7 =	rddreg [dreg:$0x2];
	s1 =	simm.s32 $0x0  }
0x4: {  	s4 =	srdreg.scid;
	s2 =	stileid.u32;
	s17 =	simm.s32 $0x80  }
0x5: {  	s18 =	simm.s32 $0x400;
	s19 =	simm.s32 $0x800;
	s20 =	simm.s32 $0x600  }
0x6: {  	s21 =	simm.s32 $0x4800;
	s22 =	simm.s32 $0x480;
	s23 =	simm.s32 $0x8800  }
0x7: {  	s24 =	simm.s32 $0x680;
	s28 =	simm.s32 $0x500;
	s29 =	simm.s32 $0x700  }
0x8: {  	s30 =	simm.s32 $0x580;
	s31 =	simm.s32 $0x780;
	[smem:$0x7FF] =	sst s1  }
0x9: {  	s3 =	sadd.s32 $0x1C00, s5;
	s8 =	sand.u32 $0x1, s4;
	s4 =	sadd.s32 $0x3E1C00, s5  }
0xa: {  	s9 =	sshll.u32 s2, $0xA;
	s12 =	sadd.s32 $0x7C1C00, s5;
	s10 =	sshll.u32 s8, $0x9  }
0xb: {  	s13 =	sadd.s32 $0x801C00, s5;
	s8 =	ssub.s32 $0x2, s8;
	s9 =	sor.u32 s10, s9  }
0xc: {  	_ =	strace $0x80000047;
	s25 =	sshrl.u32 s8, $0x1;
	s10 =	sshrl.u32 s9, $0x3  }
0xd: {  	s14 =	ssub.s32 s8, s25;
	s11 =	sshll.u32 s9, $0x4;
	s25 =	simm.s32 $0xC800  }
0xe: {  	s26 =	sadd.s32 s6, s10;
	s5 =	sadd.s32 s7, s10;
	s9 =	sor.u32 $0x800, s11  }
0xf: {  	s6 =	sadd.s32 s12, s11;
	s7 =	sadd.s32 s13, s11;
	s15 =	sor.u32 $0x1000, s11  }
0x10: {  	s16 =	sor.u32 $0x1800, s11;
	s14 =	smax.u32 s14, $0x1;
	[dreg:$0x4] =	wrdreg s26  }
0x11: {  	s8 =	sadd.s32 s12, s9;
	s9 =	sadd.s32 s13, s9;
	s10 =	sadd.s32 s12, s15  }
0x12: {  	s11 =	sadd.s32 s13, s15;
	s12 =	sadd.s32 s12, s16;
	s13 =	sadd.s32 s13, s16  }
0x13: {  	s15 =	simm.s32 $0x2;
	s16 =	simm.s32 $0x200;
	s26 =	simm.s32 $0x1  }
.LBB2_1:
0x14: {  	s0 =	rddreg [dreg:$0x4]  }
0x15: {  	[tilespmem:s1], [sflag:$0x2] =	stream.linear.gather [hbm4b:s0+s1], $0x200, $0x38;
	[tilespmem:$0x10800] =	vst v63  }
0x16: {  	_ =	swait.ge [sflag:s15], $0x200  }
0x17: {  	[sflag:s15] =	ssyncset.done $0x0  }
0x18: {  	[sflag:s15] =	ssyncadd.s32 $0xFFFFFE00  }
0x19: {  	[tilespmem:s16], [sflag:$0x2] =	stream.linear.gather [hbm4b:s5+s1], $0x200, $0x38;
	[tilespmem:$0x10800] =	vst v63  }
0x1a: {  	_ =	swait.ge [sflag:s15], $0x200  }
0x1b: {  	[sflag:s15] =	ssyncset.done $0x0  }
0x1c: {  	[sflag:s15] =	ssyncadd.s32 $0xFFFFFE00  }
0x1d: {  	v0 =	vld [tilespmem:$0x0]  }
0x1e: {  	v1 =	vld [tilespmem:$0x200]  }
0x1f: {  	v2 =	vld [tilespmem:$0x10]  }
0x20: {  	v3 =	vld [tilespmem:$0x210]  }
0x21: {  	v5 =	vld [tilespmem:$0x20]  }
0x22: {  	v7 =	vld [tilespmem:$0x220]  }
0x23: {  	v41 =	vld [tilespmem:$0x30]  }
0x24: {  	v9 =	vld [tilespmem:$0x230]  }
0x25: {  	v10 =	vld [tilespmem:$0x40]  }
0x26: {  	v46 =	vld [tilespmem:$0x240]  }
0x27: {  	v12 =	vld [tilespmem:$0x50]  }
0x28: {  	v13 =	vld [tilespmem:$0x250]  }
0x29: {  	v51 =	vld [tilespmem:$0x60]  }
0x2a: {  	v15 =	vld [tilespmem:$0x260]  }
0x2b: {  	v16 =	vld [tilespmem:$0x70];
	v4 =	vshra.s32 v0, $0x2;
	v6 =	vshra.s32 v1, $0x2;
	v0 =	vand.u32 $0xFFF, v0  }
0x2c: {  	v56 =	vld [tilespmem:$0x270];
	v1 =	vand.u32 $0xFFF, v1;
	v40 =	vshra.s32 v2, $0x2;
	v2 =	vand.u32 $0xFFF, v2  }
0x2d: {  	v18 =	vld [tilespmem:$0x80];
	v8 =	vshra.s32 v3, $0x2;
	v43 =	vshra.s32 v5, $0x2;
	v3 =	vand.u32 $0xFFF, v3  }
0x2e: {  	v19 =	vld [tilespmem:$0x280];
	v5 =	vand.u32 $0xFFF, v5;
	v45 =	vshra.s32 v7, $0x2;
	v7 =	vand.u32 $0xFFF, v7  }
0x2f: {  	v60 =	vld [tilespmem:$0x90];
	v11 =	vshra.s32 v41, $0x2;
	v48 =	vshra.s32 v9, $0x2;
	v9 =	vand.u32 $0xFFF, v9  }
0x30: {  	v21 =	vld [tilespmem:$0x290];
	v50 =	vshra.s32 v10, $0x2;
	v10 =	vand.u32 $0xFFF, v10;
	v14 =	vshra.s32 v46, $0x2  }
0x31: {  	v22 =	vld [tilespmem:$0xA0];
	v53 =	vshra.s32 v12, $0x2;
	v12 =	vand.u32 $0xFFF, v12;
	v55 =	vshra.s32 v13, $0x2  }
0x32: {  	v24 =	vld [tilespmem:$0x2A0];
	v13 =	vand.u32 $0xFFF, v13;
	v17 =	vshra.s32 v51, $0x2;
	v58 =	vshra.s32 v15, $0x2  }
0x33: {  	v15 =	vand.u32 $0xFFF, v15;
	v59 =	vshra.s32 v16, $0x2;
	v16 =	vand.u32 $0xFFF, v16  }
0x34: {  	v20 =	vshra.s32 v56, $0x2;
	v62 =	vshra.s32 v18, $0x2;
	v18 =	vand.u32 $0xFFF, v18  }
0x35: {  	v63 =	vshra.s32 v19, $0x2;
	v26 =	vand.u32 $0xFFF, v19;
	v27 =	vshra.s32 v60, $0x2  }
0x36: {  	v23 =	vld [tilespmem:$0xB0];
	v29 =	vshra.s32 v21, $0x2;
	v30 =	vand.u32 $0xFFF, v60;
	v32 =	vand.u32 $0xFFF, v21  }
0x37: {  	v36 =	vld [tilespmem:$0xC0];
	v35 =	vshra.s32 v22, $0x2;
	v37 =	vand.u32 $0xFFF, v22;
	v38 =	vshra.s32 v24, $0x2  }
0x38: {  	v39 =	vld [tilespmem:$0x2C0];
	v4 =	vand.u32 $0xFFFFF000, v4;
	v6 =	vand.u32 $0xFFFFF000, v6;
	v42 =	vand.u32 $0xFFFFF000, v8  }
0x39: {  	v8 =	vand.u32 $0xFFFFF000, v43;
	v47 =	vand.u32 $0xFFFFF000, v11;
	v11 =	vand.u32 $0xFFFFF000, v48  }
0x3a: {  	v52 =	vand.u32 $0xFFFFF000, v14;
	v14 =	vand.u32 $0xFFFFF000, v53;
	v57 =	vand.u32 $0xFFFFF000, v17  }
0x3b: {  	v17 =	vand.u32 $0xFFFFF000, v58;
	v61 =	vand.u32 $0xFFFFF000, v20;
	v20 =	vand.u32 $0xFFFFF000, v62  }
0x3c: {  	v25 =	vand.u32 $0xFFFFF000, v63;
	v28 =	vand.u32 $0xFFFFF000, v27;
	v31 =	vand.u32 $0xFFFFF000, v29  }
0x3d: {  	v43 =	vand.u32 $0xFFF, v23;
	v48 =	vshra.s32 v36, $0x2;
	v53 =	vand.u32 $0xFFF, v39  }
0x3e: {  	v0 =	vor.u32 v0, v4;
	v1 =	vor.u32 v1, v6;
	v4 =	vand.u32 $0xFFFFF000, v40  }
0x3f: {  	v33 =	vld [tilespmem:$0x2B0];
	v3 =	vor.u32 v3, v42;
	v44 =	vor.u32 v5, v8;
	v5 =	vand.u32 $0xFFFFF000, v45  }
0x40: {  	v6 =	vand.u32 $0xFFF, v41;
	v49 =	vor.u32 v9, v11;
	v9 =	vand.u32 $0xFFFFF000, v50  }
0x41: {  	v8 =	vand.u32 $0xFFF, v46;
	v54 =	vor.u32 v12, v14;
	v12 =	vand.u32 $0xFFFFF000, v55  }
0x42: {  	v11 =	vand.u32 $0xFFF, v51;
	v14 =	vand.u32 $0xFFF, v56;
	v34 =	vor.u32 v32, v31;
	[tilespmem:$0x400] =	vst v0  }
0x43: {  	v40 =	vand.u32 $0xFFFFF000, v38;
	v41 =	vshra.s32 v23, $0x2;
	v42 =	vand.u32 $0xFFF, v24;
	[tilespmem:$0x600] =	vst v1  }
0x44: {  	v45 =	vshra.s32 v33, $0x2;
	v50 =	vand.u32 $0xFFFFF000, v48;
	v51 =	vshra.s32 v39, $0x2;
	[tilespmem:$0x610] =	vst v3  }
0x45: {  	v2 =	vor.u32 v2, v4;
	v5 =	vor.u32 v7, v5;
	v6 =	vor.u32 v6, v47;
	[tilespmem:$0x420] =	vst v44  }
0x46: {  	v63 =	vld [tilespmem:$0x100];
	v9 =	vor.u32 v10, v9;
	v8 =	vor.u32 v8, v52;
	v12 =	vor.u32 v13, v12;
	[tilespmem:$0x630] =	vst v49  }
0x47: {  	v46 =	vld [tilespmem:$0x2D0];
	v11 =	vor.u32 v11, v57;
	v13 =	vor.u32 v15, v17;
	v15 =	vand.u32 $0xFFFFF000, v59;
	[tilespmem:$0x450] =	vst v54  }
0x48: {  	v56 =	vld [tilespmem:$0xF0];
	v14 =	vor.u32 v14, v61;
	v0 =	vor.u32 v26, v25;
	v1 =	vor.u32 v30, v28;
	[tilespmem:$0x690] =	vst v34  }
0x49: {  	v23 =	vld [tilespmem:$0x300];
	v3 =	vand.u32 $0xFFFFF000, v35;
	v4 =	vor.u32 v42, v40;
	v47 =	vand.u32 $0xFFF, v33;
	[tilespmem:$0x620] =	vst v5  }
0x4a: {  	v44 =	vld [tilespmem:$0xD0];
	v52 =	vand.u32 $0xFFF, v36;
	v15 =	vor.u32 v16, v15;
	v16 =	vor.u32 v18, v20;
	[tilespmem:$0x430] =	vst v6  }
0x4b: {  	v49 =	vld [tilespmem:$0xE0];
	v3 =	vor.u32 v37, v3;
	v5 =	vand.u32 $0xFFFFF000, v41;
	[tilespmem:$0x440] =	vst v9;
	v6 =	vand.u32 $0xFFFFF000, v45  }
0x4c: {  	v54 =	vld [tilespmem:$0x2E0];
	[tilespmem:$0x640] =	vst v8;
	v9 =	vand.u32 $0xFFFFF000, v51;
	v8 =	vor.u32 v52, v50;
	v5 =	vor.u32 v43, v5  }
0x4d: {  	v59 =	vld [tilespmem:$0x2F0];
	[tilespmem:$0x410] =	vst v2;
	v6 =	vor.u32 v47, v6;
	v9 =	vor.u32 v53, v9;
	v35 =	vshra.s32 v63, $0x2  }
0x4e: {  	v26 =	vld [tilespmem:$0x110];
	[tilespmem:$0x650] =	vst v12;
	v38 =	vand.u32 $0xFFF, v63;
	v58 =	vshra.s32 v46, $0x2;
	v7 =	vand.u32 $0xFFF, v46  }
0x4f: {  	v33 =	vld [tilespmem:$0x310];
	[tilespmem:$0x460] =	vst v11;
	v25 =	vshra.s32 v56, $0x2;
	v30 =	vand.u32 $0xFFF, v56;
	v37 =	vand.u32 $0xFFFFF000, v35  }
0x50: {  	v36 =	vld [tilespmem:$0x120];
	[tilespmem:$0x660] =	vst v13;
	v39 =	vshra.s32 v23, $0x2;
	v43 =	vand.u32 $0xFFF, v23;
	v55 =	vshra.s32 v44, $0x2  }
0x51: {  	v40 =	vld [tilespmem:$0x320];
	[tilespmem:$0x670] =	vst v14;
	v57 =	vand.u32 $0xFFF, v44;
	v60 =	vand.u32 $0xFFFFF000, v58;
	v61 =	vshra.s32 v49, $0x2  }
0x52: {  	[tilespmem:$0x680] =	vst v0;
	v62 =	vand.u32 $0xFFF, v49;
	v22 =	vshra.s32 v54, $0x2;
	v24 =	vand.u32 $0xFFF, v54  }
0x53: {  	[tilespmem:$0x490] =	vst v1;
	v28 =	vand.u32 $0xFFFFF000, v25;
	v29 =	vshra.s32 v59, $0x2;
	v32 =	vand.u32 $0xFFF, v59  }
0x54: {  	[tilespmem:$0x4A0] =	vst v3;
	v3 =	vor.u32 v38, v37;
	v41 =	vand.u32 $0xFFFFF000, v39;
	v42 =	vshra.s32 v26, $0x2  }
0x55: {  	[tilespmem:$0x6A0] =	vst v4;
	v45 =	vld [tilespmem:$0x130];
	v44 =	vand.u32 $0xFFF, v26;
	v47 =	vshra.s32 v33, $0x2;
	v49 =	vand.u32 $0xFFF, v33  }
0x56: {  	v51 =	vld [tilespmem:$0x140];
	[tilespmem:$0x470] =	vst v15;
	v50 =	vshra.s32 v36, $0x2;
	v53 =	vshra.s32 v40, $0x2;
	v54 =	vand.u32 $0xFFF, v36  }
0x57: {  	[tilespmem:$0x480] =	vst v16;
	v10 =	vand.u32 $0xFFFFF000, v55;
	v13 =	vand.u32 $0xFFFFF000, v61;
	v7 =	vor.u32 v7, v60  }
0x58: {  	[tilespmem:$0x4C0] =	vst v8;
	v31 =	vand.u32 $0xFFFFF000, v29;
	v1 =	vor.u32 v30, v28;
	v12 =	vand.u32 $0xFFFFF000, v42  }
0x59: {  	v48 =	vld [tilespmem:$0x330];
	[tilespmem:$0x6B0] =	vst v6;
	v4 =	vor.u32 v43, v41;
	v6 =	vand.u32 $0xFFFFF000, v47;
	v52 =	vand.u32 $0xFFFFF000, v50  }
0x5a: {  	[tilespmem:$0x6C0] =	vst v9;
	v9 =	vand.u32 $0xFFFFF000, v53;
	v55 =	vand.u32 $0xFFF, v40;
	v59 =	vshra.s32 v45, $0x2  }
0x5b: {  	[tilespmem:$0x4B0] =	vst v5;
	v61 =	vand.u32 $0xFFF, v45;
	v20 =	vshra.s32 v51, $0x2;
	v10 =	vor.u32 v57, v10  }
0x5c: {  	v63 =	vld [tilespmem:$0x350];
	[tilespmem:$0x500] =	vst v3;
	v21 =	vor.u32 v62, v13;
	v13 =	vand.u32 $0xFFFFF000, v22;
	v34 =	vor.u32 v32, v31  }
0x5d: {  	v56 =	vld [tilespmem:$0x340];
	v46 =	vor.u32 v44, v12;
	v6 =	vor.u32 v49, v6;
	[tilespmem:$0x6D0] =	vst v7;
	v57 =	vor.u32 v54, v52  }
0x5e: {  	v23 =	vld [tilespmem:$0x160];
	v58 =	vor.u32 v55, v9;
	v9 =	vand.u32 $0xFFFFF000, v59;
	v62 =	vshra.s32 v48, $0x2;
	[tilespmem:$0x4F0] =	vst v1  }
0x5f: {  	v35 =	vld [tilespmem:$0x370];
	v11 =	vand.u32 $0xFFFFF000, v20;
	v22 =	vand.u32 $0xFFF, v51;
	[tilespmem:$0x700] =	vst v4;
	v27 =	vor.u32 v24, v13  }
0x60: {  	v26 =	vld [tilespmem:$0x360];
	[tilespmem:$0x4E0] =	vst v21;
	v18 =	vor.u32 v61, v9;
	v19 =	vand.u32 $0xFFFFF000, v62;
	v21 =	vand.u32 $0xFFF, v48  }
0x61: {  	v38 =	vld [tilespmem:$0x180];
	[tilespmem:$0x6F0] =	vst v34;
	v24 =	vor.u32 v22, v11;
	v32 =	vshra.s32 v63, $0x2;
	v34 =	vand.u32 $0xFFF, v63  }
0x62: {  	v60 =	vld [tilespmem:$0x150];
	[tilespmem:$0x4D0] =	vst v10;
	v1 =	vor.u32 v21, v19;
	v25 =	vshra.s32 v56, $0x2;
	v28 =	vand.u32 $0xFFF, v56  }
0x63: {  	[tilespmem:$0x510] =	vst v46;
	v9 =	vand.u32 $0xFFFFF000, v32;
	v37 =	vshra.s32 v23, $0x2;
	v39 =	vand.u32 $0xFFF, v23  }
0x64: {  	v30 =	vld [tilespmem:$0x170];
	[tilespmem:$0x6E0] =	vst v27;
	v48 =	vshra.s32 v35, $0x2;
	v51 =	vand.u32 $0xFFF, v35;
	v27 =	vand.u32 $0xFFFFF000, v25  }
0x65: {  	v41 =	vld [tilespmem:$0x380];
	[tilespmem:$0x710] =	vst v6;
	v36 =	vor.u32 v34, v9;
	v6 =	vand.u32 $0xFFFFF000, v37;
	v40 =	vshra.s32 v26, $0x2  }
0x66: {  	v53 =	vld [tilespmem:$0x1A0];
	[tilespmem:$0x520] =	vst v57;
	v44 =	vand.u32 $0xFFF, v26;
	v50 =	vand.u32 $0xFFFFF000, v48;
	v52 =	vshra.s32 v38, $0x2  }
0x67: {  	[tilespmem:$0x720] =	vst v58;
	v56 =	vand.u32 $0xFFF, v38;
	v29 =	vshra.s32 v60, $0x2;
	v3 =	vor.u32 v28, v27  }
0x68: {  	v49 =	vld [tilespmem:$0x390];
	[tilespmem:$0x530] =	vst v18;
	v33 =	vand.u32 $0xFFF, v60;
	v6 =	vor.u32 v39, v6;
	v42 =	vand.u32 $0xFFFFF000, v40  }
0x69: {  	v46 =	vld [tilespmem:$0x190];
	[tilespmem:$0x540] =	vst v24;
	v43 =	vshra.s32 v30, $0x2;
	v45 =	vand.u32 $0xFFF, v30;
	v2 =	vor.u32 v51, v50  }
0x6a: {  	v58 =	vld [tilespmem:$0x3A0];
	[tilespmem:$0x730] =	vst v1;
	v54 =	vand.u32 $0xFFFFF000, v52;
	v55 =	vshra.s32 v41, $0x2;
	v57 =	vand.u32 $0xFFF, v41  }
0x6b: {  	v61 =	vld [tilespmem:$0x1B0];
	[tilespmem:$0x750] =	vst v36;
	v16 =	vshra.s32 v53, $0x2;
	v18 =	vand.u32 $0xFFF, v53;
	v31 =	vand.u32 $0xFFFFF000, v29  }
0x6c: {  	v13 =	vld [tilespmem:$0x3B0];
	v8 =	vand.u32 $0xFFFFF000, v43;
	v0 =	vor.u32 v44, v42;
	[tilespmem:$0x740] =	vst v3;
	v7 =	vand.u32 $0xFFFFF000, v55  }
0x6d: {  	v22 =	vld [tilespmem:$0x3C0];
	v3 =	vor.u32 v56, v54;
	[tilespmem:$0x560] =	vst v6;
	v63 =	vshra.s32 v49, $0x2;
	v17 =	vand.u32 $0xFFF, v49  }
0x6e: {  	v6 =	vand.u32 $0xFFFFF000, v16;
	[tilespmem:$0x770] =	vst v2;
	v4 =	vor.u32 v33, v31;
	v47 =	vor.u32 v45, v8  }
0x6f: {  	v19 =	vld [tilespmem:$0x1C0];
	v59 =	vor.u32 v57, v7;
	v60 =	vshra.s32 v46, $0x2;
	v62 =	vand.u32 $0xFFF, v46;
	[tilespmem:$0x760] =	vst v0  }
0x70: {  	v15 =	vand.u32 $0xFFFFF000, v63;
	v20 =	vor.u32 v18, v6;
	v21 =	vshra.s32 v58, $0x2;
	[tilespmem:$0x580] =	vst v3  }
0x71: {  	v26 =	vld [tilespmem:$0x1D0];
	v24 =	vand.u32 $0xFFF, v58;
	v25 =	vshra.s32 v61, $0x2;
	v28 =	vshra.s32 v13, $0x2;
	[tilespmem:$0x550] =	vst v4  }
0x72: {  	v34 =	vld [tilespmem:$0x1E0];
	v29 =	vand.u32 $0xFFF, v61;
	v30 =	vand.u32 $0xFFF, v13;
	v37 =	vshra.s32 v22, $0x2;
	[tilespmem:$0x570] =	vst v47  }
0x73: {  	v38 =	vld [tilespmem:$0x3E0];
	v41 =	vand.u32 $0xFFF, v22;
	v5 =	vand.u32 $0xFFFFF000, v60;
	v1 =	vor.u32 v17, v15;
	[tilespmem:$0x780] =	vst v59  }
0x74: {  	v23 =	vand.u32 $0xFFFFF000, v21;
	v27 =	vand.u32 $0xFFFFF000, v25;
	v33 =	vshra.s32 v19, $0x2;
	[tilespmem:$0x5A0] =	vst v20  }
0x75: {  	v36 =	vand.u32 $0xFFF, v19;
	v39 =	vand.u32 $0xFFFFF000, v37;
	v14 =	vor.u32 v62, v5;
	[tilespmem:$0x790] =	vst v1  }
0x76: {  	v3 =	vor.u32 v24, v23;
	v5 =	vand.u32 $0xFFFFF000, v28;
	v0 =	vor.u32 v29, v27;
	[tilespmem:$0x590] =	vst v14  }
0x77: {  	v43 =	vld [tilespmem:$0x1F0];
	v35 =	vand.u32 $0xFFFFF000, v33;
	v40 =	vshra.s32 v26, $0x2;
	v42 =	vand.u32 $0xFFF, v26;
	[tilespmem:$0x7A0] =	vst v3  }
0x78: {  	v31 =	vld [tilespmem:$0x3D0];
	v49 =	vshra.s32 v34, $0x2;
	v52 =	vshra.s32 v38, $0x2;
	v32 =	vor.u32 v30, v5;
	[tilespmem:$0x5B0] =	vst v0  }
0x79: {  	v46 =	vld [tilespmem:$0x3F0];
	v53 =	vand.u32 $0xFFF, v34;
	v54 =	vand.u32 $0xFFF, v38;
	v2 =	vor.u32 v36, v35;
	[tilespmem:$0x7B0] =	vst v32  }
0x7a: {  	v4 =	vand.u32 $0xFFFFF000, v40;
	v0 =	vor.u32 v41, v39;
	v51 =	vand.u32 $0xFFFFF000, v49;
	[tilespmem:$0x5C0] =	vst v2  }
0x7b: {  	v3 =	vand.u32 $0xFFFFF000, v52;
	v44 =	vor.u32 v42, v4;
	[tilespmem:$0x7C0] =	vst v0;
	v55 =	vor.u32 v53, v51  }
0x7c: {  	v56 =	vor.u32 v54, v3;
	v57 =	vshra.s32 v43, $0x2;
	v59 =	vand.u32 $0xFFF, v43;
	[tilespmem:$0x5D0] =	vst v44  }
0x7d: {  	v45 =	vshra.s32 v31, $0x2;
	v48 =	vand.u32 $0xFFF, v31;
	[tilespmem:$0x5E0] =	vst v55;
	v58 =	vand.u32 $0xFFFFF000, v57  }
0x7e: {  	v60 =	vshra.s32 v46, $0x2;
	[tilespmem:$0x7E0] =	vst v56;
	v47 =	vand.u32 $0xFFFFF000, v45;
	v0 =	vor.u32 v59, v58  }
0x7f: {  	v62 =	vand.u32 $0xFFF, v46;
	v61 =	vand.u32 $0xFFFFF000, v60;
	v50 =	vor.u32 v48, v47;
	[tilespmem:$0x5F0] =	vst v0  }
0x80: {  	v63 =	vor.u32 v62, v61;
	[tilespmem:$0x7D0] =	vst v50  }
0x81: {  	[tilespmem:$0x7F0] =	vst v63  }
0x82: {  	[tilespmem:s19], [sflag:$0x1] =	stream.indirect.gather [hbm4b:s3+s17], $0x80, s18, s17, $0xb8;
	[tilespmem:$0x10800] =	vst v63  }
0x83: {  	_ = 	snop  }
0x84: {  	[tilespmem:s21], [sflag:$0x1] =	stream.indirect.gather [hbm4b:s4+s17], $0x80, s20, s17, $0xb8;
	[tilespmem:$0x10800] =	vst v63  }
0x85: {  	_ = 	snop  }
0x86: {  	[tilespmem:s23], [sflag:$0x1] =	stream.indirect.gather [hbm4b:s3+s17], $0x80, s22, s17, $0xb8;
	[tilespmem:$0x10800] =	vst v63  }
0x87: {  	_ = 	snop  }
0x88: {  	[tilespmem:s25], [sflag:$0x1] =	stream.indirect.gather [hbm4b:s4+s17], $0x80, s24, s17, $0xb8;
	[tilespmem:$0x10800] =	vst v63  }
0x89: {  	_ =	swait.ge [sflag:s26], $0x4000  }
0x8a: {  	[sflag:s26] =	ssyncset.done $0x0  }
0x8b: {  	[sflag:s26] =	ssyncadd.s32 $0xFFFFC000  }
0x8c: {  	[hbm4b:s6+s1] =	stream.linear.scatter [tilespmem:s19], [sflag:$0x2], $0x4000, $0x38;
	[tilespmem:$0x10800] =	vst v63  }
0x8d: {  	_ =	swait.ge [sflag:s15], $0x4000  }
0x8e: {  	[sflag:s15] =	ssyncset.done $0x0  }
0x8f: {  	[sflag:s15] =	ssyncadd.s32 $0xFFFFC000  }
0x90: {  	_ =	swait.ge [sflag:s26], $0x4000  }
0x91: {  	[sflag:s26] =	ssyncset.done $0x0  }
0x92: {  	[sflag:s26] =	ssyncadd.s32 $0xFFFFC000  }
0x93: {  	[hbm4b:s7+s1] =	stream.linear.scatter [tilespmem:s21], [sflag:$0x2], $0x4000, $0x38;
	[tilespmem:$0x10800] =	vst v63  }
0x94: {  	_ =	swait.ge [sflag:s15], $0x4000  }
0x95: {  	[sflag:s15] =	ssyncset.done $0x0  }
0x96: {  	[sflag:s15] =	ssyncadd.s32 $0xFFFFC000  }
0x97: {  	[tilespmem:s19], [sflag:$0x1] =	stream.indirect.gather [hbm4b:s3+s17], $0x80, s28, s17, $0xb8;
	[tilespmem:$0x10800] =	vst v63  }
0x98: {  	_ = 	snop  }
0x99: {  	[tilespmem:s21], [sflag:$0x1] =	stream.indirect.gather [hbm4b:s4+s17], $0x80, s29, s17, $0xb8;
	[tilespmem:$0x10800] =	vst v63  }
0x9a: {  	_ =	swait.ge [sflag:s26], $0x4000  }
0x9b: {  	[sflag:s26] =	ssyncset.done $0x0  }
0x9c: {  	[sflag:s26] =	ssyncadd.s32 $0xFFFFC000  }
0x9d: {  	[hbm4b:s8+s1] =	stream.linear.scatter [tilespmem:s23], [sflag:$0x2], $0x4000, $0x38;
	[tilespmem:$0x10800] =	vst v63  }
0x9e: {  	_ =	swait.ge [sflag:s15], $0x4000  }
0x9f: {  	[sflag:s15] =	ssyncset.done $0x0  }
0xa0: {  	[sflag:s15] =	ssyncadd.s32 $0xFFFFC000  }
0xa1: {  	_ =	swait.ge [sflag:s26], $0x4000  }
0xa2: {  	[sflag:s26] =	ssyncset.done $0x0  }
0xa3: {  	[sflag:s26] =	ssyncadd.s32 $0xFFFFC000  }
0xa4: {  	[hbm4b:s9+s1] =	stream.linear.scatter [tilespmem:s25], [sflag:$0x2], $0x4000, $0x38;
	[tilespmem:$0x10800] =	vst v63  }
0xa5: {  	_ =	swait.ge [sflag:s15], $0x4000  }
0xa6: {  	[sflag:s15] =	ssyncset.done $0x0  }
0xa7: {  	[sflag:s15] =	ssyncadd.s32 $0xFFFFC000  }
0xa8: {  	[tilespmem:s23], [sflag:$0x1] =	stream.indirect.gather [hbm4b:s3+s17], $0x80, s30, s17, $0xb8;
	[tilespmem:$0x10800] =	vst v63  }
0xa9: {  	_ = 	snop  }
0xaa: {  	[tilespmem:s25], [sflag:$0x1] =	stream.indirect.gather [hbm4b:s4+s17], $0x80, s31, s17, $0xb8;
	[tilespmem:$0x10800] =	vst v63  }
0xab: {  	_ =	swait.ge [sflag:s26], $0x4000  }
0xac: {  	[sflag:s26] =	ssyncset.done $0x0  }
0xad: {  	[sflag:s26] =	ssyncadd.s32 $0xFFFFC000  }
0xae: {  	[hbm4b:s10+s1] =	stream.linear.scatter [tilespmem:s19], [sflag:$0x2], $0x4000, $0x38;
	[tilespmem:$0x10800] =	vst v63  }
0xaf: {  	_ =	swait.ge [sflag:s15], $0x4000  }
0xb0: {  	[sflag:s15] =	ssyncset.done $0x0  }
0xb1: {  	[sflag:s15] =	ssyncadd.s32 $0xFFFFC000  }
0xb2: {  	_ =	swait.ge [sflag:s26], $0x4000  }
0xb3: {  	[sflag:s26] =	ssyncset.done $0x0  }
0xb4: {  	[sflag:s26] =	ssyncadd.s32 $0xFFFFC000  }
0xb5: {  	[hbm4b:s11+s1] =	stream.linear.scatter [tilespmem:s21], [sflag:$0x2], $0x4000, $0x38;
	[tilespmem:$0x10800] =	vst v63  }
0xb6: {  	_ =	swait.ge [sflag:s15], $0x4000  }
0xb7: {  	[sflag:s15] =	ssyncset.done $0x0  }
0xb8: {  	[sflag:s15] =	ssyncadd.s32 $0xFFFFC000  }
0xb9: {  	_ =	swait.ge [sflag:s26], $0x4000  }
0xba: {  	[sflag:s26] =	ssyncset.done $0x0  }
0xbb: {  	[sflag:s26] =	ssyncadd.s32 $0xFFFFC000  }
0xbc: {  	[hbm4b:s12+s1] =	stream.linear.scatter [tilespmem:s23], [sflag:$0x2], $0x4000, $0x38;
	[tilespmem:$0x10800] =	vst v63  }
0xbd: {  	_ =	swait.ge [sflag:s15], $0x4000  }
0xbe: {  	[sflag:s15] =	ssyncset.done $0x0  }
0xbf: {  	[sflag:s15] =	ssyncadd.s32 $0xFFFFC000  }
0xc0: {  	_ =	swait.ge [sflag:s26], $0x4000  }
0xc1: {  	p0 =	sne.s32 s14, $0x1;
	[sflag:s26] =	ssyncset.done $0x0  }
.Ltmp0:
0xc2: {  	[sflag:s26] =	ssyncadd.s32 $0xFFFFC000;
	(pc) =	sbr.rel @p0 .LBB2_1-.Ltmp0, $4  }
0xc3: {  	[hbm4b:s13+s1] =	stream.linear.scatter [tilespmem:s25], [sflag:$0x2], $0x4000, $0x38;
	[tilespmem:$0x10800] =	vst v63  }
0xc4: {  	_ =	swait.ge [sflag:s15], $0x4000  }
0xc5: {  	[sflag:s15] =	ssyncset.done $0x0  }
0xc6: {  	s14 =	sadd.s32 $0xFFFFFFFF, s14;
	[sflag:s15] =	ssyncadd.s32 $0xFFFFC000  }
0xc7: {  	_ =	sfence.sel $0x180000  }
0xc8: {  	[bflag:$0x0] =	sbarrier.arrive $0xFFFF  }
0xc9: {  	_ =	strace $0x90000047  }
0xca: {  	[bflag:$0x2] =	sbarrier.arrive $0xFFFF  }
0xcb: {  	p0 =	sne.s32 s2, $0x0;
	s0 =	rddreg [dreg:$0x3]  }
0xcc: {  	s0 =	sadd.s32 @!p0 $0x100000, s0  }
0xcd: {  	[sflag:s0] =	ssyncadd.tile.s32 @!p0 $0x1;
	_ =	shalt  }
.Lfunc_end2:
_tile_overlayer_lowered:
.L_overlay_start_2:
0xce: {  	(tag) =	ssettag $0x2  }
0xcf: {  	s0 =	rddreg [dreg:$0x0];
	s2 =	stileid.u32  }
0xd0: {  	s1 =	rddreg [dreg:$0x1];
	p0 =	sne.s32 s2, $0x0  }
0xd1: {  	s3 =	rddreg [dreg:$0x2];
	[bflag:$0x3] =	sbarrier.arrive $0xFFFF;
	s2 =	simm.s32 @!p0 $0x1C02  }
0xd2: {  	[timem:s3], [sflag:s2] =	dma.local @!p0 [hbm:s0], s1  }
0xd3: {  	s0 =	simm.s32 @!p0 $0x2  }
0xd4: {  	_ =	swait.ge @!p0 [sflag:s0], s1  }
0xd5: {  	s1 =	ssub.s32 @!p0 $0x0, s1;
	[sflag:s0] =	ssyncset.done @!p0 $0x0  }
0xd6: {  	[sflag:s0] =	ssyncadd.s32 @!p0 s1  }
0xd7: {  	[bflag:$0x3] =	sbarrier.arrive $0xFFFF  }
0xd8: {  	_ =	shalt  }

</sc_bundles>
